<compile_context>
chip_gen: v7x
topology: tpu7x:2x2x1
jax: 0.10.2.dev20260603
libtpu: 0.0.44.dev20260713+nightly
codegen_flags: <defaults>
</compile_context>

<pallas_src>
import functools

import jax
import jax.numpy as jnp
from jax import lax
from jax.experimental import pallas as pl
from jax.experimental.pallas import tpu as pltpu
from jax.experimental.pallas import tpu_sc as plsc

_N_NODES = 10000
_D = 128
_N_POS = 320000
_N_EDGES = 2 * _N_POS
_NW = 32
_PER_W = _N_EDGES // _NW
_B = 80
_NCHUNK = _PER_W // _B
_L = 16
_KD = _D // _L
_DW = _D // 2
_KD32 = _DW // _L


def _sc_scores_body(emb_hbm, edges_hbm, out_hbm,
                    idx0s, idx0d, idx1s, idx1d,
                    rows0s, rows0d, rows1s, rows1d,
                    scores0, scores1,
                    sg0, sg1, si0, si1, so0, so1):
    wid = lax.axis_index("s") * 2 + lax.axis_index("c")
    w_base = wid * _PER_W

    idx = ((idx0s, idx0d), (idx1s, idx1d))
    rows = ((rows0s, rows0d), (rows1s, rows1d))
    scores = (scores0, scores1)
    sg = (sg0, sg1)
    si = (si0, si1)
    so = (so0, so1)

    def edge_base(c):
        return w_base + c * _B

    def idx_start(c, p):
        base = edge_base(c)
        pltpu.async_copy(edges_hbm.at[pl.ds(base, _B)], idx[p][0], si[p])
        pltpu.async_copy(
            edges_hbm.at[pl.ds(_N_EDGES + base, _B)], idx[p][1], si[p])

    def idx_wait(p):
        base = edge_base(0)
        pltpu.make_async_copy(
            edges_hbm.at[pl.ds(base, _B)], idx[p][0], si[p]).wait()
        pltpu.make_async_copy(
            edges_hbm.at[pl.ds(base, _B)], idx[p][1], si[p]).wait()

    def gather_start(p):
        pltpu.async_copy(emb_hbm.at[idx[p][0]], rows[p][0], sg[p])
        pltpu.async_copy(emb_hbm.at[idx[p][1]], rows[p][1], sg[p])

    def gather_wait(p):
        pltpu.make_async_copy(emb_hbm.at[idx[p][0]], rows[p][0], sg[p]).wait()
        pltpu.make_async_copy(emb_hbm.at[idx[p][1]], rows[p][1], sg[p]).wait()

    def out_start(c, p):
        pltpu.async_copy(
            scores[p].at[pl.ds(0, _B)], out_hbm.at[pl.ds(edge_base(c), _B)],
            so[p])

    def out_wait(p):
        pltpu.make_async_copy(
            scores[p].at[pl.ds(0, _B)], out_hbm.at[pl.ds(0, _B)],
            so[p]).wait()

    def compute(p):
        src_rows, dst_rows = rows[p]
        sc = scores[p]
        unroll = 16
        lane15 = lax.iota(jnp.int32, _L) == (_L - 1)

        def loads(i):
            return ([src_rows[i, pl.ds(k * _L, _L)] for k in range(_KD32)]
                    + [dst_rows[i, pl.ds(k * _L, _L)] for k in range(_KD32)])

        def bc(x):
            return plsc.bitcast(x, jnp.bfloat16)

        def chain_with_loads(i, cur, nxt_i):
            a0, a1, a2, a3, b0, b1, b2, b3 = cur
            n = [None] * 8
            n[0] = src_rows[nxt_i, pl.ds(0, _L)]
            m0 = bc(a0) * bc(b0)
            n[1] = src_rows[nxt_i, pl.ds(_L, _L)]
            m1 = bc(a1) * bc(b1)
            n[2] = src_rows[nxt_i, pl.ds(2 * _L, _L)]
            m2 = bc(a2) * bc(b2)
            n[3] = src_rows[nxt_i, pl.ds(3 * _L, _L)]
            m3 = bc(a3) * bc(b3)
            n[4] = dst_rows[nxt_i, pl.ds(0, _L)]
            t0 = m0 + m1
            n[5] = dst_rows[nxt_i, pl.ds(_L, _L)]
            t1 = m2 + m3
            n[6] = dst_rows[nxt_i, pl.ds(2 * _L, _L)]
            acc = t0 + t1
            n[7] = dst_rows[nxt_i, pl.ds(3 * _L, _L)]
            even, odd = plsc.unpack(acc, format=plsc.PackFormat.INTERLEAVED)
            tot = jnp.cumsum(even + odd)
            plsc.store_compressed(sc.at[pl.ds(i, _L)], tot, mask=lane15)
            return n

        def group(g, cur):
            for j in range(unroll):
                i = g * unroll + j
                cur = chain_with_loads(i, cur, jnp.minimum(i + 1, _B - 1))
            return tuple(cur)

        lax.fori_loop(0, _B // unroll, group, tuple(loads(0)))

    idx_start(0, 0)
    idx_wait(0)
    gather_start(0)
    idx_start(1, 1)

    def pair_body(it, carry):
        for p in (0, 1):
            q = 1 - p
            c = it * 2 + p
            gather_wait(p)
            idx_wait(q)
            gather_start(q)
            idx_start(jnp.minimum(c + 2, _NCHUNK - 1), p)

            @pl.when(it > 0)
            def _():
                out_wait(p)
            compute(p)
            out_start(c, p)
        return carry

    lax.fori_loop(0, _NCHUNK // 2, pair_body, 0)

    gather_wait(0)
    idx_wait(1)
    out_wait(0)
    out_wait(1)


_sc_scores = functools.partial(
    pl.kernel,
    mesh=plsc.VectorSubcoreMesh(core_axis_name="c", subcore_axis_name="s"),
    compiler_params=pltpu.CompilerParams(
        needs_layout_passes=False, use_tc_tiling_on_sc=False),
    out_type=jax.ShapeDtypeStruct((_N_EDGES,), jnp.float32),
    scratch_types=[
        pltpu.VMEM((_B,), jnp.int32),
        pltpu.VMEM((_B,), jnp.int32),
        pltpu.VMEM((_B,), jnp.int32),
        pltpu.VMEM((_B,), jnp.int32),
        pltpu.VMEM((_B, _DW), jnp.int32),
        pltpu.VMEM((_B, _DW), jnp.int32),
        pltpu.VMEM((_B, _DW), jnp.int32),
        pltpu.VMEM((_B, _DW), jnp.int32),
        pltpu.VMEM((_B + _L,), jnp.float32),
        pltpu.VMEM((_B + _L,), jnp.float32),
        pltpu.SemaphoreType.DMA,
        pltpu.SemaphoreType.DMA,
        pltpu.SemaphoreType.DMA,
        pltpu.SemaphoreType.DMA,
        pltpu.SemaphoreType.DMA,
        pltpu.SemaphoreType.DMA,
    ],
)(_sc_scores_body)


_FLAT_COLS = 128
_FLAT_ROWS = _N_EDGES // _FLAT_COLS
_POS_ROWS = _N_POS // _FLAT_COLS


def _tc_reduce_body(y_ref, o_ref):
    row = lax.broadcasted_iota(jnp.int32, (_FLAT_ROWS, _FLAT_COLS), 0)
    sign = jnp.where(row < _POS_ROWS, -1.0, 1.0).astype(jnp.float32)
    y = y_ref[...] * sign
    sp = jnp.maximum(y, 0.0) + jnp.log(1.0 + jnp.exp(-jnp.abs(y)))
    o_ref[0, 0] = jnp.sum(sp) * (1.0 / _N_POS)


def kernel(embeddings, pos_edges, neg_edges):
    edges = jnp.concatenate(
        [pos_edges.astype(jnp.int32), neg_edges.astype(jnp.int32)], axis=1)
    edges_flat = edges.reshape(-1)
    emb_words = jax.lax.bitcast_convert_type(
        embeddings.astype(jnp.bfloat16).reshape(_N_NODES, _DW, 2),
        jnp.int32)
    scores = _sc_scores(emb_words, edges_flat)
    y = scores.reshape(_FLAT_ROWS, _FLAT_COLS)
    loss = pl.pallas_call(
        _tc_reduce_body,
        out_shape=jax.ShapeDtypeStruct((1, 1), jnp.float32),
        out_specs=pl.BlockSpec(memory_space=pltpu.SMEM),
    )(y)
    return loss[0, 0]

# --- scband reference (transcript-rebuilt; emitter-appended) ---
"""Pipeline reference for scband-temporal-link-prediction-loss-43267500540705 (READ-ONLY COPY).

The authoritative reference and input builder live on the scoring server;
editing this copy changes nothing except your own understanding.
"""

import jax, jax.numpy as jnp
import numpy as np

N_NODES = 10000
D = 128
N_POS = 320000
N_NEG = 320000


def setup_inputs(seed: int = 0) -> dict:
    key = jax.random.key(seed)
    k1, k2, k3 = jax.random.split(key, 3)
    embeddings = jax.random.normal(k1, (N_NODES, D), dtype=jnp.float32)
    pos_edges = jax.random.randint(k2, (2, N_POS), 0, N_NODES, dtype=jnp.int64 if jax.config.read('jax_enable_x64') else jnp.int32)
    neg_edges = jax.random.randint(k3, (2, N_NEG), 0, N_NODES, dtype=jnp.int64 if jax.config.read('jax_enable_x64') else jnp.int32)
    return {"embeddings": embeddings, "pos_edges": pos_edges, "neg_edges": neg_edges}


def reference(embeddings, pos_edges, neg_edges):
    # gather src/dst embeddings for positive edges
    pos_src = jnp.take(embeddings, pos_edges[0], axis=0)
    pos_dst = jnp.take(embeddings, pos_edges[1], axis=0)
    pos_scores = jnp.sum(pos_src * pos_dst, axis=-1)
    # gather src/dst embeddings for negative edges
    neg_src = jnp.take(embeddings, neg_edges[0], axis=0)
    neg_dst = jnp.take(embeddings, neg_edges[1], axis=0)
    neg_scores = jnp.sum(neg_src * neg_dst, axis=-1)
    # BCE-with-logits, target=1 for pos: loss = softplus(-x); target=0 for neg: loss = softplus(x)
    pos_loss = jnp.mean(jax.nn.softplus(-pos_scores))
    neg_loss = jnp.mean(jax.nn.softplus(neg_scores))
    return pos_loss + neg_loss

if __name__ == "__main__":
    import jax
    _d = setup_inputs()
    print(jax.jit(kernel)(*tuple(_d.values())))

</pallas_src>

<mosaic_0001>
#map = affine_map<(d0, d1) -> (0, 0)>
#map1 = affine_map<(d0, d1) -> (0)>
module attributes {stable_mosaic.version = 14 : i64} {
  func.func @_sc_scores_body(%arg0: i32, %arg1: i32, %arg2: memref<10000x64xi32, #tpu.memory_space<hbm>>, %arg3: memref<1280000xi32, #tpu.memory_space<hbm>>, %arg4: memref<640000xf32, #tpu.memory_space<hbm>>, %arg5: memref<80xi32, #tpu.memory_space<vmem>>, %arg6: memref<80xi32, #tpu.memory_space<vmem>>, %arg7: memref<80xi32, #tpu.memory_space<vmem>>, %arg8: memref<80xi32, #tpu.memory_space<vmem>>, %arg9: memref<80x64xi32, #tpu.memory_space<vmem>>, %arg10: memref<80x64xi32, #tpu.memory_space<vmem>>, %arg11: memref<80x64xi32, #tpu.memory_space<vmem>>, %arg12: memref<80x64xi32, #tpu.memory_space<vmem>>, %arg13: memref<96xf32, #tpu.memory_space<vmem>>, %arg14: memref<96xf32, #tpu.memory_space<vmem>>, %arg15: memref<!tpu.dma_semaphore, #tpu.memory_space<semaphore_mem>>, %arg16: memref<!tpu.dma_semaphore, #tpu.memory_space<semaphore_mem>>, %arg17: memref<!tpu.dma_semaphore, #tpu.memory_space<semaphore_mem>>, %arg18: memref<!tpu.dma_semaphore, #tpu.memory_space<semaphore_mem>>, %arg19: memref<!tpu.dma_semaphore, #tpu.memory_space<semaphore_mem>>, %arg20: memref<!tpu.dma_semaphore, #tpu.memory_space<semaphore_mem>>) attributes {dimension_semantics = [#tpu.dimension_semantics<core_parallel>, #tpu.dimension_semantics<subcore_parallel>], iteration_bounds = array<i64: 2, 16>, scalar_prefetch = 0 : i64, scratch_operands = 16 : i64, tpu.core_type = #tpu.core_type<sc_vector_subcore>, window_params = [{transform_indices = #map}, {transform_indices = #map1}, {transform_indices = #map1}]} {
    %mul3A = arith.constant 2 : i32
    %mul3A_0 = arith.muli %arg1, %mul3A : i32
    %add3A = arith.addi %mul3A_0, %arg0 : i32
    %mul3A_1 = arith.constant 20000 : i32
    %mul3A_2 = arith.muli %add3A, %mul3A_1 : i32
    %add3A_3 = arith.constant 0 : i32
    %add3A_4 = arith.addi %mul3A_2, %add3A_3 : i32
    %dma_start3A = tpu.memref_slice %arg3[%add3A_4] : memref<1280000xi32, #tpu.memory_space<hbm>> -> memref<80xi32, #tpu.memory_space<hbm>>
    %dma_start3A_5 = tpu.memref_slice %arg3[%add3A_4] : memref<1280000xi32, #tpu.memory_space<hbm>> -> memref<80xi32, #tpu.memory_space<hbm>>
    tpu.enqueue_dma source(%dma_start3A_5 : memref<80xi32, #tpu.memory_space<hbm>>) target(%arg5 : memref<80xi32, #tpu.memory_space<vmem>>) target_semaphore(%arg17 : memref<!tpu.dma_semaphore, #tpu.memory_space<semaphore_mem>>)
    %add3A_6 = arith.constant 640000 : i32
    %add3A_7 = arith.addi %add3A_6, %add3A_4 : i32
    %dma_start3A_8 = tpu.memref_slice %arg3[%add3A_7] : memref<1280000xi32, #tpu.memory_space<hbm>> -> memref<80xi32, #tpu.memory_space<hbm>>
    %dma_start3A_9 = tpu.memref_slice %arg3[%add3A_7] : memref<1280000xi32, #tpu.memory_space<hbm>> -> memref<80xi32, #tpu.memory_space<hbm>>
    tpu.enqueue_dma source(%dma_start3A_9 : memref<80xi32, #tpu.memory_space<hbm>>) target(%arg6 : memref<80xi32, #tpu.memory_space<vmem>>) target_semaphore(%arg17 : memref<!tpu.dma_semaphore, #tpu.memory_space<semaphore_mem>>)
    %add3A_10 = arith.constant 0 : i32
    %add3A_11 = arith.addi %mul3A_2, %add3A_10 : i32
    %dma_wait3A = tpu.memref_slice %arg3[%add3A_11] : memref<1280000xi32, #tpu.memory_space<hbm>> -> memref<80xi32, #tpu.memory_space<hbm>>
    %dma_wait3A_12 = tpu.memref_slice %arg3[%add3A_11] : memref<1280000xi32, #tpu.memory_space<hbm>> -> memref<80xi32, #tpu.memory_space<hbm>>
    tpu.wait_dma2 semaphore(%arg17 : memref<!tpu.dma_semaphore, #tpu.memory_space<semaphore_mem>>) src(%dma_wait3A_12 : memref<80xi32, #tpu.memory_space<hbm>>) dst(%arg5 : memref<80xi32, #tpu.memory_space<vmem>>)
    %dma_wait3A_13 = tpu.memref_slice %arg3[%add3A_11] : memref<1280000xi32, #tpu.memory_space<hbm>> -> memref<80xi32, #tpu.memory_space<hbm>>
    %dma_wait3A_14 = tpu.memref_slice %arg3[%add3A_11] : memref<1280000xi32, #tpu.memory_space<hbm>> -> memref<80xi32, #tpu.memory_space<hbm>>
    tpu.wait_dma2 semaphore(%arg17 : memref<!tpu.dma_semaphore, #tpu.memory_space<semaphore_mem>>) src(%dma_wait3A_14 : memref<80xi32, #tpu.memory_space<hbm>>) dst(%arg6 : memref<80xi32, #tpu.memory_space<vmem>>)
    %dma_start3A_15 = arith.constant 0 : i32
    %dma_start3A_16 = arith.constant 0 : i32
    %dma_start3A_17 = tpu.memref_slice %arg2[%dma_start3A_15, %dma_start3A_16] : memref<10000x64xi32, #tpu.memory_space<hbm>> -> memref<10000x64xi32, #tpu.memory_space<hbm>>
    tpu.enqueue_indirect_dma source(%dma_start3A_17 : memref<10000x64xi32, #tpu.memory_space<hbm>>) target(%arg9 : memref<80x64xi32, #tpu.memory_space<vmem>>) offsets(%arg5 : memref<80xi32, #tpu.memory_space<vmem>>) semaphore(%arg15 : memref<!tpu.dma_semaphore, #tpu.memory_space<semaphore_mem>>)
    %dma_start3A_18 = arith.constant 0 : i32
    %dma_start3A_19 = arith.constant 0 : i32
    %dma_start3A_20 = tpu.memref_slice %arg2[%dma_start3A_18, %dma_start3A_19] : memref<10000x64xi32, #tpu.memory_space<hbm>> -> memref<10000x64xi32, #tpu.memory_space<hbm>>
    tpu.enqueue_indirect_dma source(%dma_start3A_20 : memref<10000x64xi32, #tpu.memory_space<hbm>>) target(%arg10 : memref<80x64xi32, #tpu.memory_space<vmem>>) offsets(%arg6 : memref<80xi32, #tpu.memory_space<vmem>>) semaphore(%arg15 : memref<!tpu.dma_semaphore, #tpu.memory_space<semaphore_mem>>)
    %add3A_21 = arith.constant 80 : i32
    %add3A_22 = arith.addi %mul3A_2, %add3A_21 : i32
    %dma_start3A_23 = tpu.memref_slice %arg3[%add3A_22] : memref<1280000xi32, #tpu.memory_space<hbm>> -> memref<80xi32, #tpu.memory_space<hbm>>
    %dma_start3A_24 = tpu.memref_slice %arg3[%add3A_22] : memref<1280000xi32, #tpu.memory_space<hbm>> -> memref<80xi32, #tpu.memory_space<hbm>>
    tpu.enqueue_dma source(%dma_start3A_24 : memref<80xi32, #tpu.memory_space<hbm>>) target(%arg7 : memref<80xi32, #tpu.memory_space<vmem>>) target_semaphore(%arg18 : memref<!tpu.dma_semaphore, #tpu.memory_space<semaphore_mem>>)
    %add3A_25 = arith.constant 640000 : i32
    %add3A_26 = arith.addi %add3A_25, %add3A_22 : i32
    %dma_start3A_27 = tpu.memref_slice %arg3[%add3A_26] : memref<1280000xi32, #tpu.memory_space<hbm>> -> memref<80xi32, #tpu.memory_space<hbm>>
    %dma_start3A_28 = tpu.memref_slice %arg3[%add3A_26] : memref<1280000xi32, #tpu.memory_space<hbm>> -> memref<80xi32, #tpu.memory_space<hbm>>
    tpu.enqueue_dma source(%dma_start3A_28 : memref<80xi32, #tpu.memory_space<hbm>>) target(%arg8 : memref<80xi32, #tpu.memory_space<vmem>>) target_semaphore(%arg18 : memref<!tpu.dma_semaphore, #tpu.memory_space<semaphore_mem>>)
    %scan3A = arith.constant 0 : i32
    %scan3A_29 = arith.constant 0 : i32
    %scan3A_30 = arith.constant 125 : i32
    %scan3A_31 = arith.addi %scan3A_29, %scan3A_30 : i32
    %scan3A_32 = arith.constant 1 : i32
    scf.for %scan3A_62 = %scan3A_29 to %scan3A_31 step %scan3A_32  : i32 {
      %mul3A_63 = arith.constant 2 : i32
      %mul3A_64 = arith.muli %scan3A_62, %mul3A_63 : i32
      %add3A_65 = arith.constant 0 : i32
      %add3A_66 = arith.addi %mul3A_64, %add3A_65 : i32
      %dma_wait3A_67 = arith.constant 0 : i32
      %dma_wait3A_68 = arith.constant 0 : i32
      %dma_wait3A_69 = tpu.memref_slice %arg2[%dma_wait3A_67, %dma_wait3A_68] : memref<10000x64xi32, #tpu.memory_space<hbm>> -> memref<10000x64xi32, #tpu.memory_space<hbm>>
      tpu.wait_indirect_dma semaphore(%arg15 : memref<!tpu.dma_semaphore, #tpu.memory_space<semaphore_mem>>) src(%dma_wait3A_69 : memref<10000x64xi32, #tpu.memory_space<hbm>>) dst(%arg9 : memref<80x64xi32, #tpu.memory_space<vmem>>)
      %dma_wait3A_70 = arith.constant 0 : i32
      %dma_wait3A_71 = arith.constant 0 : i32
      %dma_wait3A_72 = tpu.memref_slice %arg2[%dma_wait3A_70, %dma_wait3A_71] : memref<10000x64xi32, #tpu.memory_space<hbm>> -> memref<10000x64xi32, #tpu.memory_space<hbm>>
      tpu.wait_indirect_dma semaphore(%arg15 : memref<!tpu.dma_semaphore, #tpu.memory_space<semaphore_mem>>) src(%dma_wait3A_72 : memref<10000x64xi32, #tpu.memory_space<hbm>>) dst(%arg10 : memref<80x64xi32, #tpu.memory_space<vmem>>)
      %add3A_73 = arith.constant 0 : i32
      %add3A_74 = arith.addi %mul3A_2, %add3A_73 : i32
      %dma_wait3A_75 = tpu.memref_slice %arg3[%add3A_74] : memref<1280000xi32, #tpu.memory_space<hbm>> -> memref<80xi32, #tpu.memory_space<hbm>>
      %dma_wait3A_76 = tpu.memref_slice %arg3[%add3A_74] : memref<1280000xi32, #tpu.memory_space<hbm>> -> memref<80xi32, #tpu.memory_space<hbm>>
      tpu.wait_dma2 semaphore(%arg18 : memref<!tpu.dma_semaphore, #tpu.memory_space<semaphore_mem>>) src(%dma_wait3A_76 : memref<80xi32, #tpu.memory_space<hbm>>) dst(%arg7 : memref<80xi32, #tpu.memory_space<vmem>>)
      %dma_wait3A_77 = tpu.memref_slice %arg3[%add3A_74] : memref<1280000xi32, #tpu.memory_space<hbm>> -> memref<80xi32, #tpu.memory_space<hbm>>
      %dma_wait3A_78 = tpu.memref_slice %arg3[%add3A_74] : memref<1280000xi32, #tpu.memory_space<hbm>> -> memref<80xi32, #tpu.memory_space<hbm>>
      tpu.wait_dma2 semaphore(%arg18 : memref<!tpu.dma_semaphore, #tpu.memory_space<semaphore_mem>>) src(%dma_wait3A_78 : memref<80xi32, #tpu.memory_space<hbm>>) dst(%arg8 : memref<80xi32, #tpu.memory_space<vmem>>)
      %dma_start3A_79 = arith.constant 0 : i32
      %dma_start3A_80 = arith.constant 0 : i32
      %dma_start3A_81 = tpu.memref_slice %arg2[%dma_start3A_79, %dma_start3A_80] : memref<10000x64xi32, #tpu.memory_space<hbm>> -> memref<10000x64xi32, #tpu.memory_space<hbm>>
      tpu.enqueue_indirect_dma source(%dma_start3A_81 : memref<10000x64xi32, #tpu.memory_space<hbm>>) target(%arg11 : memref<80x64xi32, #tpu.memory_space<vmem>>) offsets(%arg7 : memref<80xi32, #tpu.memory_space<vmem>>) semaphore(%arg16 : memref<!tpu.dma_semaphore, #tpu.memory_space<semaphore_mem>>)
      %dma_start3A_82 = arith.constant 0 : i32
      %dma_start3A_83 = arith.constant 0 : i32
      %dma_start3A_84 = tpu.memref_slice %arg2[%dma_start3A_82, %dma_start3A_83] : memref<10000x64xi32, #tpu.memory_space<hbm>> -> memref<10000x64xi32, #tpu.memory_space<hbm>>
      tpu.enqueue_indirect_dma source(%dma_start3A_84 : memref<10000x64xi32, #tpu.memory_space<hbm>>) target(%arg12 : memref<80x64xi32, #tpu.memory_space<vmem>>) offsets(%arg8 : memref<80xi32, #tpu.memory_space<vmem>>) semaphore(%arg16 : memref<!tpu.dma_semaphore, #tpu.memory_space<semaphore_mem>>)
      %add3A_85 = arith.constant 2 : i32
      %add3A_86 = arith.addi %add3A_66, %add3A_85 : i32
      %min3A = arith.constant 249 : i32
      %min3A_87 = arith.minsi %add3A_86, %min3A : i32
      %mul3A_88 = arith.constant 80 : i32
      %mul3A_89 = arith.muli %min3A_87, %mul3A_88 : i32
      %add3A_90 = arith.addi %mul3A_2, %mul3A_89 : i32
      %dma_start3A_91 = tpu.memref_slice %arg3[%add3A_90] : memref<1280000xi32, #tpu.memory_space<hbm>> -> memref<80xi32, #tpu.memory_space<hbm>>
      %dma_start3A_92 = tpu.memref_slice %arg3[%add3A_90] : memref<1280000xi32, #tpu.memory_space<hbm>> -> memref<80xi32, #tpu.memory_space<hbm>>
      tpu.enqueue_dma source(%dma_start3A_92 : memref<80xi32, #tpu.memory_space<hbm>>) target(%arg5 : memref<80xi32, #tpu.memory_space<vmem>>) target_semaphore(%arg17 : memref<!tpu.dma_semaphore, #tpu.memory_space<semaphore_mem>>)
      %add3A_93 = arith.constant 640000 : i32
      %add3A_94 = arith.addi %add3A_93, %add3A_90 : i32
      %dma_start3A_95 = tpu.memref_slice %arg3[%add3A_94] : memref<1280000xi32, #tpu.memory_space<hbm>> -> memref<80xi32, #tpu.memory_space<hbm>>
      %dma_start3A_96 = tpu.memref_slice %arg3[%add3A_94] : memref<1280000xi32, #tpu.memory_space<hbm>> -> memref<80xi32, #tpu.memory_space<hbm>>
      tpu.enqueue_dma source(%dma_start3A_96 : memref<80xi32, #tpu.memory_space<hbm>>) target(%arg6 : memref<80xi32, #tpu.memory_space<vmem>>) target_semaphore(%arg17 : memref<!tpu.dma_semaphore, #tpu.memory_space<semaphore_mem>>)
      %gt3A = arith.constant 0 : i32
      %gt3A_97 = arith.cmpi sgt, %scan3A_62, %gt3A : i32
      %convert_element_type3A = arith.extui %gt3A_97 : i1 to i32
      %cond3A = arith.constant 0 : i32
      %cond3A_98 = arith.cmpi ne, %convert_element_type3A, %cond3A : i32
      scf.if %cond3A_98 {
        %dma_wait3A_238 = arith.constant 0 : i32
        %dma_wait3A_239 = tpu.memref_slice %arg13[%dma_wait3A_238] : memref<96xf32, #tpu.memory_space<vmem>> -> memref<80xf32, #tpu.memory_space<vmem>>
        %dma_wait3A_240 = arith.constant 0 : i32
        %dma_wait3A_241 = tpu.memref_slice %arg4[%dma_wait3A_240] : memref<640000xf32, #tpu.memory_space<hbm>> -> memref<80xf32, #tpu.memory_space<hbm>>
        %dma_wait3A_242 = arith.constant 0 : i32
        %dma_wait3A_243 = tpu.memref_slice %arg4[%dma_wait3A_242] : memref<640000xf32, #tpu.memory_space<hbm>> -> memref<80xf32, #tpu.memory_space<hbm>>
        %dma_wait3A_244 = arith.constant 0 : i32
        %dma_wait3A_245 = tpu.memref_slice %arg13[%dma_wait3A_244] : memref<96xf32, #tpu.memory_space<vmem>> -> memref<80xf32, #tpu.memory_space<vmem>>
        tpu.wait_dma2 semaphore(%arg19 : memref<!tpu.dma_semaphore, #tpu.memory_space<semaphore_mem>>) src(%dma_wait3A_245 : memref<80xf32, #tpu.memory_space<vmem>>) dst(%dma_wait3A_243 : memref<80xf32, #tpu.memory_space<hbm>>)
      } else {
      }
      %iota3A = tpu.iota {dimensions = array<i32: 0>} : vector<16xi32>
      %eq3A = arith.constant 15 : i32
      %eq3A_99 = vector.broadcast %eq3A : i32 to vector<16xi32>
      %eq3A_100 = arith.cmpi eq, %iota3A, %eq3A_99 : vector<16xi32>
      %get3A = arith.constant 0 : i32
      %get3A_101 = arith.index_cast %get3A : i32 to index
      %get3A_102 = arith.constant 0 : index
      %get3A_103 = tpu.vector_load %arg9[%get3A_101, %get3A_102] {strides = array<i32>} : memref<80x64xi32, #tpu.memory_space<vmem>>, vector<16xi32>,
      %get3A_104 = arith.constant 0 : i32
      %get3A_105 = arith.index_cast %get3A_104 : i32 to index
      %get3A_106 = arith.constant 16 : index
      %get3A_107 = tpu.vector_load %arg9[%get3A_105, %get3A_106] {strides = array<i32>} : memref<80x64xi32, #tpu.memory_space<vmem>>, vector<16xi32>,
      %get3A_108 = arith.constant 0 : i32
      %get3A_109 = arith.index_cast %get3A_108 : i32 to index
      %get3A_110 = arith.constant 32 : index
      %get3A_111 = tpu.vector_load %arg9[%get3A_109, %get3A_110] {strides = array<i32>} : memref<80x64xi32, #tpu.memory_space<vmem>>, vector<16xi32>,
      %get3A_112 = arith.constant 0 : i32
      %get3A_113 = arith.index_cast %get3A_112 : i32 to index
      %get3A_114 = arith.constant 48 : index
      %get3A_115 = tpu.vector_load %arg9[%get3A_113, %get3A_114] {strides = array<i32>} : memref<80x64xi32, #tpu.memory_space<vmem>>, vector<16xi32>,
      %get3A_116 = arith.constant 0 : i32
      %get3A_117 = arith.index_cast %get3A_116 : i32 to index
      %get3A_118 = arith.constant 0 : index
      %get3A_119 = tpu.vector_load %arg10[%get3A_117, %get3A_118] {strides = array<i32>} : memref<80x64xi32, #tpu.memory_space<vmem>>, vector<16xi32>,
      %get3A_120 = arith.constant 0 : i32
      %get3A_121 = arith.index_cast %get3A_120 : i32 to index
      %get3A_122 = arith.constant 16 : index
      %get3A_123 = tpu.vector_load %arg10[%get3A_121, %get3A_122] {strides = array<i32>} : memref<80x64xi32, #tpu.memory_space<vmem>>, vector<16xi32>,
      %get3A_124 = arith.constant 0 : i32
      %get3A_125 = arith.index_cast %get3A_124 : i32 to index
      %get3A_126 = arith.constant 32 : index
      %get3A_127 = tpu.vector_load %arg10[%get3A_125, %get3A_126] {strides = array<i32>} : memref<80x64xi32, #tpu.memory_space<vmem>>, vector<16xi32>,
      %get3A_128 = arith.constant 0 : i32
      %get3A_129 = arith.index_cast %get3A_128 : i32 to index
      %get3A_130 = arith.constant 48 : index
      %get3A_131 = tpu.vector_load %arg10[%get3A_129, %get3A_130] {strides = array<i32>} : memref<80x64xi32, #tpu.memory_space<vmem>>, vector<16xi32>,
      %scan3A_132 = arith.constant 0 : i32
      %scan3A_133 = arith.constant 5 : i32
      %scan3A_134 = arith.addi %scan3A_132, %scan3A_133 : i32
      %scan3A_135 = arith.constant 1 : i32
      %scan3A_136:8 = scf.for %scan3A_238 = %scan3A_132 to %scan3A_134 step %scan3A_135 iter_args(%scan3A_239 = %get3A_103, %scan3A_240 = %get3A_107, %scan3A_241 = %get3A_111, %scan3A_242 = %get3A_115, %scan3A_243 = %get3A_119, %scan3A_244 = %get3A_123, %scan3A_245 = %get3A_127, %scan3A_246 = %get3A_131) -> (vector<16xi32>, vector<16xi32>, vector<16xi32>, vector<16xi32>, vector<16xi32>, vector<16xi32>, vector<16xi32>, vector<16xi32>)  : i32 {
        %mul3A_247 = arith.constant 16 : i32
        %mul3A_248 = arith.muli %scan3A_238, %mul3A_247 : i32
        %add3A_249 = arith.constant 0 : i32
        %add3A_250 = arith.addi %mul3A_248, %add3A_249 : i32
        %add3A_251 = arith.constant 1 : i32
        %add3A_252 = arith.addi %add3A_250, %add3A_251 : i32
        %min3A_253 = arith.constant 79 : i32
        %min3A_254 = arith.minsi %add3A_252, %min3A_253 : i32
        %get3A_255 = arith.index_cast %min3A_254 : i32 to index
        %get3A_256 = arith.constant 0 : index
        %get3A_257 = tpu.vector_load %arg9[%get3A_255, %get3A_256] {strides = array<i32>} : memref<80x64xi32, #tpu.memory_space<vmem>>, vector<16xi32>,
        %bitcast3A = vector.bitcast %scan3A_239 : vector<16xi32> to vector<32xbf16>
        %bitcast3A_258 = vector.bitcast %scan3A_243 : vector<16xi32> to vector<32xbf16>
        %mul3A_259 = arith.mulf %bitcast3A, %bitcast3A_258 : vector<32xbf16>
        %get3A_260 = arith.index_cast %min3A_254 : i32 to index
        %get3A_261 = arith.constant 16 : index
        %get3A_262 = tpu.vector_load %arg9[%get3A_260, %get3A_261] {strides = array<i32>} : memref<80x64xi32, #tpu.memory_space<vmem>>, vector<16xi32>,
        %bitcast3A_263 = vector.bitcast %scan3A_240 : vector<16xi32> to vector<32xbf16>
        %bitcast3A_264 = vector.bitcast %scan3A_244 : vector<16xi32> to vector<32xbf16>
        %mul3A_265 = arith.mulf %bitcast3A_263, %bitcast3A_264 : vector<32xbf16>
        %get3A_266 = arith.index_cast %min3A_254 : i32 to index
        %get3A_267 = arith.constant 32 : index
        %get3A_268 = tpu.vector_load %arg9[%get3A_266, %get3A_267] {strides = array<i32>} : memref<80x64xi32, #tpu.memory_space<vmem>>, vector<16xi32>,
        %bitcast3A_269 = vector.bitcast %scan3A_241 : vector<16xi32> to vector<32xbf16>
        %bitcast3A_270 = vector.bitcast %scan3A_245 : vector<16xi32> to vector<32xbf16>
        %mul3A_271 = arith.mulf %bitcast3A_269, %bitcast3A_270 : vector<32xbf16>
        %get3A_272 = arith.index_cast %min3A_254 : i32 to index
        %get3A_273 = arith.constant 48 : index
        %get3A_274 = tpu.vector_load %arg9[%get3A_272, %get3A_273] {strides = array<i32>} : memref<80x64xi32, #tpu.memory_space<vmem>>, vector<16xi32>,
        %bitcast3A_275 = vector.bitcast %scan3A_242 : vector<16xi32> to vector<32xbf16>
        %bitcast3A_276 = vector.bitcast %scan3A_246 : vector<16xi32> to vector<32xbf16>
        %mul3A_277 = arith.mulf %bitcast3A_275, %bitcast3A_276 : vector<32xbf16>
        %get3A_278 = arith.index_cast %min3A_254 : i32 to index
        %get3A_279 = arith.constant 0 : index
        %get3A_280 = tpu.vector_load %arg10[%get3A_278, %get3A_279] {strides = array<i32>} : memref<80x64xi32, #tpu.memory_space<vmem>>, vector<16xi32>,
        %add3A_281 = arith.addf %mul3A_259, %mul3A_265 : vector<32xbf16>
        %get3A_282 = arith.index_cast %min3A_254 : i32 to index
        %get3A_283 = arith.constant 16 : index
        %get3A_284 = tpu.vector_load %arg10[%get3A_282, %get3A_283] {strides = array<i32>} : memref<80x64xi32, #tpu.memory_space<vmem>>, vector<16xi32>,
        %add3A_285 = arith.addf %mul3A_271, %mul3A_277 : vector<32xbf16>
        %get3A_286 = arith.index_cast %min3A_254 : i32 to index
        %get3A_287 = arith.constant 32 : index
        %get3A_288 = tpu.vector_load %arg10[%get3A_286, %get3A_287] {strides = array<i32>} : memref<80x64xi32, #tpu.memory_space<vmem>>, vector<16xi32>,
        %add3A_289 = arith.addf %add3A_281, %add3A_285 : vector<32xbf16>
        %get3A_290 = arith.index_cast %min3A_254 : i32 to index
        %get3A_291 = arith.constant 48 : index
        %get3A_292 = tpu.vector_load %arg10[%get3A_290, %get3A_291] {strides = array<i32>} : memref<80x64xi32, #tpu.memory_space<vmem>>, vector<16xi32>,
        %unpack3A = tpu.unpack_subelements %add3A_289, 0 {pack_format = #tpu.pack_format<interleaved>} : vector<32xbf16> -> vector<16xf32>
        %unpack3A_293 = tpu.unpack_subelements %add3A_289, 1 {pack_format = #tpu.pack_format<interleaved>} : vector<32xbf16> -> vector<16xf32>
        %add3A_294 = arith.addf %unpack3A, %unpack3A_293 : vector<16xf32>
        %cumsum3A = arith.constant true
        %cumsum3A_295 = vector.broadcast %cumsum3A : i1 to vector<16xi1>
        %cumsum3A_296 = tpu.scan <sum>, %add3A_294 masked %cumsum3A_295 : vector<16xf32>, vector<16xi1> -> vector<16xf32>
        %swap3A = arith.index_cast %add3A_250 : i32 to index
        %swap3A_297 = tpu.vector_load %arg13[%swap3A] masked %eq3A_100 {strides = array<i32>} : memref<96xf32, #tpu.memory_space<vmem>>, vector<16xf32>, vector<16xi1>
        tpu.vector_store %arg13[%swap3A], %cumsum3A_296 masked %eq3A_100 {strides = array<i32>} : memref<96xf32, #tpu.memory_space<vmem>>, vector<16xf32>, vector<16xi1>
        %mul3A_298 = arith.constant 16 : i32
        %mul3A_299 = arith.muli %scan3A_238, %mul3A_298 : i32
        %add3A_300 = arith.constant 1 : i32
        %add3A_301 = arith.addi %mul3A_299, %add3A_300 : i32
        %add3A_302 = arith.constant 1 : i32
        %add3A_303 = arith.addi %add3A_301, %add3A_302 : i32
        %min3A_304 = arith.constant 79 : i32
        %min3A_305 = arith.minsi %add3A_303, %min3A_304 : i32
        %get3A_306 = arith.index_cast %min3A_305 : i32 to index
        %get3A_307 = arith.constant 0 : index
        %get3A_308 = tpu.vector_load %arg9[%get3A_306, %get3A_307] {strides = array<i32>} : memref<80x64xi32, #tpu.memory_space<vmem>>, vector<16xi32>,
        %bitcast3A_309 = vector.bitcast %get3A_257 : vector<16xi32> to vector<32xbf16>
        %bitcast3A_310 = vector.bitcast %get3A_280 : vector<16xi32> to vector<32xbf16>
        %mul3A_311 = arith.mulf %bitcast3A_309, %bitcast3A_310 : vector<32xbf16>
        %get3A_312 = arith.index_cast %min3A_305 : i32 to index
        %get3A_313 = arith.constant 16 : index
        %get3A_314 = tpu.vector_load %arg9[%get3A_312, %get3A_313] {strides = array<i32>} : memref<80x64xi32, #tpu.memory_space<vmem>>, vector<16xi32>,
        %bitcast3A_315 = vector.bitcast %get3A_262 : vector<16xi32> to vector<32xbf16>
        %bitcast3A_316 = vector.bitcast %get3A_284 : vector<16xi32> to vector<32xbf16>
        %mul3A_317 = arith.mulf %bitcast3A_315, %bitcast3A_316 : vector<32xbf16>
        %get3A_318 = arith.index_cast %min3A_305 : i32 to index
        %get3A_319 = arith.constant 32 : index
        %get3A_320 = tpu.vector_load %arg9[%get3A_318, %get3A_319] {strides = array<i32>} : memref<80x64xi32, #tpu.memory_space<vmem>>, vector<16xi32>,
        %bitcast3A_321 = vector.bitcast %get3A_268 : vector<16xi32> to vector<32xbf16>
        %bitcast3A_322 = vector.bitcast %get3A_288 : vector<16xi32> to vector<32xbf16>
        %mul3A_323 = arith.mulf %bitcast3A_321, %bitcast3A_322 : vector<32xbf16>
        %get3A_324 = arith.index_cast %min3A_305 : i32 to index
        %get3A_325 = arith.constant 48 : index
        %get3A_326 = tpu.vector_load %arg9[%get3A_324, %get3A_325] {strides = array<i32>} : memref<80x64xi32, #tpu.memory_space<vmem>>, vector<16xi32>,
        %bitcast3A_327 = vector.bitcast %get3A_274 : vector<16xi32> to vector<32xbf16>
        %bitcast3A_328 = vector.bitcast %get3A_292 : vector<16xi32> to vector<32xbf16>
        %mul3A_329 = arith.mulf %bitcast3A_327, %bitcast3A_328 : vector<32xbf16>
        %get3A_330 = arith.index_cast %min3A_305 : i32 to index
        %get3A_331 = arith.constant 0 : index
        %get3A_332 = tpu.vector_load %arg10[%get3A_330, %get3A_331] {strides = array<i32>} : memref<80x64xi32, #tpu.memory_space<vmem>>, vector<16xi32>,
        %add3A_333 = arith.addf %mul3A_311, %mul3A_317 : vector<32xbf16>
        %get3A_334 = arith.index_cast %min3A_305 : i32 to index
        %get3A_335 = arith.constant 16 : index
        %get3A_336 = tpu.vector_load %arg10[%get3A_334, %get3A_335] {strides = array<i32>} : memref<80x64xi32, #tpu.memory_space<vmem>>, vector<16xi32>,
        %add3A_337 = arith.addf %mul3A_323, %mul3A_329 : vector<32xbf16>
        %get3A_338 = arith.index_cast %min3A_305 : i32 to index
        %get3A_339 = arith.constant 32 : index
        %get3A_340 = tpu.vector_load %arg10[%get3A_338, %get3A_339] {strides = array<i32>} : memref<80x64xi32, #tpu.memory_space<vmem>>, vector<16xi32>,
        %add3A_341 = arith.addf %add3A_333, %add3A_337 : vector<32xbf16>
        %get3A_342 = arith.index_cast %min3A_305 : i32 to index
        %get3A_343 = arith.constant 48 : index
        %get3A_344 = tpu.vector_load %arg10[%get3A_342, %get3A_343] {strides = array<i32>} : memref<80x64xi32, #tpu.memory_space<vmem>>, vector<16xi32>,
        %unpack3A_345 = tpu.unpack_subelements %add3A_341, 0 {pack_format = #tpu.pack_format<interleaved>} : vector<32xbf16> -> vector<16xf32>
        %unpack3A_346 = tpu.unpack_subelements %add3A_341, 1 {pack_format = #tpu.pack_format<interleaved>} : vector<32xbf16> -> vector<16xf32>
        %add3A_347 = arith.addf %unpack3A_345, %unpack3A_346 : vector<16xf32>
        %cumsum3A_348 = arith.constant true
        %cumsum3A_349 = vector.broadcast %cumsum3A_348 : i1 to vector<16xi1>
        %cumsum3A_350 = tpu.scan <sum>, %add3A_347 masked %cumsum3A_349 : vector<16xf32>, vector<16xi1> -> vector<16xf32>
        %swap3A_351 = arith.index_cast %add3A_301 : i32 to index
        %swap3A_352 = tpu.vector_load %arg13[%swap3A_351] masked %eq3A_100 {strides = array<i32>} : memref<96xf32, #tpu.memory_space<vmem>>, vector<16xf32>, vector<16xi1>
        tpu.vector_store %arg13[%swap3A_351], %cumsum3A_350 masked %eq3A_100 {strides = array<i32>} : memref<96xf32, #tpu.memory_space<vmem>>, vector<16xf32>, vector<16xi1>
        %mul3A_353 = arith.constant 16 : i32
        %mul3A_354 = arith.muli %scan3A_238, %mul3A_353 : i32
        %add3A_355 = arith.constant 2 : i32
        %add3A_356 = arith.addi %mul3A_354, %add3A_355 : i32
        %add3A_357 = arith.constant 1 : i32
        %add3A_358 = arith.addi %add3A_356, %add3A_357 : i32
        %min3A_359 = arith.constant 79 : i32
        %min3A_360 = arith.minsi %add3A_358, %min3A_359 : i32
        %get3A_361 = arith.index_cast %min3A_360 : i32 to index
        %get3A_362 = arith.constant 0 : index
        %get3A_363 = tpu.vector_load %arg9[%get3A_361, %get3A_362] {strides = array<i32>} : memref<80x64xi32, #tpu.memory_space<vmem>>, vector<16xi32>,
        %bitcast3A_364 = vector.bitcast %get3A_308 : vector<16xi32> to vector<32xbf16>
        %bitcast3A_365 = vector.bitcast %get3A_332 : vector<16xi32> to vector<32xbf16>
        %mul3A_366 = arith.mulf %bitcast3A_364, %bitcast3A_365 : vector<32xbf16>
        %get3A_367 = arith.index_cast %min3A_360 : i32 to index
        %get3A_368 = arith.constant 16 : index
        %get3A_369 = tpu.vector_load %arg9[%get3A_367, %get3A_368] {strides = array<i32>} : memref<80x64xi32, #tpu.memory_space<vmem>>, vector<16xi32>,
        %bitcast3A_370 = vector.bitcast %get3A_314 : vector<16xi32> to vector<32xbf16>
        %bitcast3A_371 = vector.bitcast %get3A_336 : vector<16xi32> to vector<32xbf16>
        %mul3A_372 = arith.mulf %bitcast3A_370, %bitcast3A_371 : vector<32xbf16>
        %get3A_373 = arith.index_cast %min3A_360 : i32 to index
        %get3A_374 = arith.constant 32 : index
        %get3A_375 = tpu.vector_load %arg9[%get3A_373, %get3A_374] {strides = array<i32>} : memref<80x64xi32, #tpu.memory_space<vmem>>, vector<16xi32>,
        %bitcast3A_376 = vector.bitcast %get3A_320 : vector<16xi32> to vector<32xbf16>
        %bitcast3A_377 = vector.bitcast %get3A_340 : vector<16xi32> to vector<32xbf16>
        %mul3A_378 = arith.mulf %bitcast3A_376, %bitcast3A_377 : vector<32xbf16>
        %get3A_379 = arith.index_cast %min3A_360 : i32 to index
        %get3A_380 = arith.constant 48 : index
        %get3A_381 = tpu.vector_load %arg9[%get3A_379, %get3A_380] {strides = array<i32>} : memref<80x64xi32, #tpu.memory_space<vmem>>, vector<16xi32>,
        %bitcast3A_382 = vector.bitcast %get3A_326 : vector<16xi32> to vector<32xbf16>
        %bitcast3A_383 = vector.bitcast %get3A_344 : vector<16xi32> to vector<32xbf16>
        %mul3A_384 = arith.mulf %bitcast3A_382, %bitcast3A_383 : vector<32xbf16>
        %get3A_385 = arith.index_cast %min3A_360 : i32 to index
        %get3A_386 = arith.constant 0 : index
        %get3A_387 = tpu.vector_load %arg10[%get3A_385, %get3A_386] {strides = array<i32>} : memref<80x64xi32, #tpu.memory_space<vmem>>, vector<16xi32>,
        %add3A_388 = arith.addf %mul3A_366, %mul3A_372 : vector<32xbf16>
        %get3A_389 = arith.index_cast %min3A_360 : i32 to index
        %get3A_390 = arith.constant 16 : index
        %get3A_391 = tpu.vector_load %arg10[%get3A_389, %get3A_390] {strides = array<i32>} : memref<80x64xi32, #tpu.memory_space<vmem>>, vector<16xi32>,
        %add3A_392 = arith.addf %mul3A_378, %mul3A_384 : vector<32xbf16>
        %get3A_393 = arith.index_cast %min3A_360 : i32 to index
        %get3A_394 = arith.constant 32 : index
        %get3A_395 = tpu.vector_load %arg10[%get3A_393, %get3A_394] {strides = array<i32>} : memref<80x64xi32, #tpu.memory_space<vmem>>, vector<16xi32>,
        %add3A_396 = arith.addf %add3A_388, %add3A_392 : vector<32xbf16>
        %get3A_397 = arith.index_cast %min3A_360 : i32 to index
        %get3A_398 = arith.constant 48 : index
        %get3A_399 = tpu.vector_load %arg10[%get3A_397, %get3A_398] {strides = array<i32>} : memref<80x64xi32, #tpu.memory_space<vmem>>, vector<16xi32>,
        %unpack3A_400 = tpu.unpack_subelements %add3A_396, 0 {pack_format = #tpu.pack_format<interleaved>} : vector<32xbf16> -> vector<16xf32>
        %unpack3A_401 = tpu.unpack_subelements %add3A_396, 1 {pack_format = #tpu.pack_format<interleaved>} : vector<32xbf16> -> vector<16xf32>
        %add3A_402 = arith.addf %unpack3A_400, %unpack3A_401 : vector<16xf32>
        %cumsum3A_403 = arith.constant true
        %cumsum3A_404 = vector.broadcast %cumsum3A_403 : i1 to vector<16xi1>
        %cumsum3A_405 = tpu.scan <sum>, %add3A_402 masked %cumsum3A_404 : vector<16xf32>, vector<16xi1> -> vector<16xf32>
        %swap3A_406 = arith.index_cast %add3A_356 : i32 to index
        %swap3A_407 = tpu.vector_load %arg13[%swap3A_406] masked %eq3A_100 {strides = array<i32>} : memref<96xf32, #tpu.memory_space<vmem>>, vector<16xf32>, vector<16xi1>
        tpu.vector_store %arg13[%swap3A_406], %cumsum3A_405 masked %eq3A_100 {strides = array<i32>} : memref<96xf32, #tpu.memory_space<vmem>>, vector<16xf32>, vector<16xi1>
        %mul3A_408 = arith.constant 16 : i32
        %mul3A_409 = arith.muli %scan3A_238, %mul3A_408 : i32
        %add3A_410 = arith.constant 3 : i32
        %add3A_411 = arith.addi %mul3A_409, %add3A_410 : i32
        %add3A_412 = arith.constant 1 : i32
        %add3A_413 = arith.addi %add3A_411, %add3A_412 : i32
        %min3A_414 = arith.constant 79 : i32
        %min3A_415 = arith.minsi %add3A_413, %min3A_414 : i32
        %get3A_416 = arith.index_cast %min3A_415 : i32 to index
        %get3A_417 = arith.constant 0 : index
        %get3A_418 = tpu.vector_load %arg9[%get3A_416, %get3A_417] {strides = array<i32>} : memref<80x64xi32, #tpu.memory_space<vmem>>, vector<16xi32>,
        %bitcast3A_419 = vector.bitcast %get3A_363 : vector<16xi32> to vector<32xbf16>
        %bitcast3A_420 = vector.bitcast %get3A_387 : vector<16xi32> to vector<32xbf16>
        %mul3A_421 = arith.mulf %bitcast3A_419, %bitcast3A_420 : vector<32xbf16>
        %get3A_422 = arith.index_cast %min3A_415 : i32 to index
        %get3A_423 = arith.constant 16 : index
        %get3A_424 = tpu.vector_load %arg9[%get3A_422, %get3A_423] {strides = array<i32>} : memref<80x64xi32, #tpu.memory_space<vmem>>, vector<16xi32>,
        %bitcast3A_425 = vector.bitcast %get3A_369 : vector<16xi32> to vector<32xbf16>
        %bitcast3A_426 = vector.bitcast %get3A_391 : vector<16xi32> to vector<32xbf16>
        %mul3A_427 = arith.mulf %bitcast3A_425, %bitcast3A_426 : vector<32xbf16>
        %get3A_428 = arith.index_cast %min3A_415 : i32 to index
        %get3A_429 = arith.constant 32 : index
        %get3A_430 = tpu.vector_load %arg9[%get3A_428, %get3A_429] {strides = array<i32>} : memref<80x64xi32, #tpu.memory_space<vmem>>, vector<16xi32>,
        %bitcast3A_431 = vector.bitcast %get3A_375 : vector<16xi32> to vector<32xbf16>
        %bitcast3A_432 = vector.bitcast %get3A_395 : vector<16xi32> to vector<32xbf16>
        %mul3A_433 = arith.mulf %bitcast3A_431, %bitcast3A_432 : vector<32xbf16>
        %get3A_434 = arith.index_cast %min3A_415 : i32 to index
        %get3A_435 = arith.constant 48 : index
        %get3A_436 = tpu.vector_load %arg9[%get3A_434, %get3A_435] {strides = array<i32>} : memref<80x64xi32, #tpu.memory_space<vmem>>, vector<16xi32>,
        %bitcast3A_437 = vector.bitcast %get3A_381 : vector<16xi32> to vector<32xbf16>
        %bitcast3A_438 = vector.bitcast %get3A_399 : vector<16xi32> to vector<32xbf16>
        %mul3A_439 = arith.mulf %bitcast3A_437, %bitcast3A_438 : vector<32xbf16>
        %get3A_440 = arith.index_cast %min3A_415 : i32 to index
        %get3A_441 = arith.constant 0 : index
        %get3A_442 = tpu.vector_load %arg10[%get3A_440, %get3A_441] {strides = array<i32>} : memref<80x64xi32, #tpu.memory_space<vmem>>, vector<16xi32>,
        %add3A_443 = arith.addf %mul3A_421, %mul3A_427 : vector<32xbf16>
        %get3A_444 = arith.index_cast %min3A_415 : i32 to index
        %get3A_445 = arith.constant 16 : index
        %get3A_446 = tpu.vector_load %arg10[%get3A_444, %get3A_445] {strides = array<i32>} : memref<80x64xi32, #tpu.memory_space<vmem>>, vector<16xi32>,
        %add3A_447 = arith.addf %mul3A_433, %mul3A_439 : vector<32xbf16>
        %get3A_448 = arith.index_cast %min3A_415 : i32 to index
        %get3A_449 = arith.constant 32 : index
        %get3A_450 = tpu.vector_load %arg10[%get3A_448, %get3A_449] {strides = array<i32>} : memref<80x64xi32, #tpu.memory_space<vmem>>, vector<16xi32>,
        %add3A_451 = arith.addf %add3A_443, %add3A_447 : vector<32xbf16>
        %get3A_452 = arith.index_cast %min3A_415 : i32 to index
        %get3A_453 = arith.constant 48 : index
        %get3A_454 = tpu.vector_load %arg10[%get3A_452, %get3A_453] {strides = array<i32>} : memref<80x64xi32, #tpu.memory_space<vmem>>, vector<16xi32>,
        %unpack3A_455 = tpu.unpack_subelements %add3A_451, 0 {pack_format = #tpu.pack_format<interleaved>} : vector<32xbf16> -> vector<16xf32>
        %unpack3A_456 = tpu.unpack_subelements %add3A_451, 1 {pack_format = #tpu.pack_format<interleaved>} : vector<32xbf16> -> vector<16xf32>
        %add3A_457 = arith.addf %unpack3A_455, %unpack3A_456 : vector<16xf32>
        %cumsum3A_458 = arith.constant true
        %cumsum3A_459 = vector.broadcast %cumsum3A_458 : i1 to vector<16xi1>
        %cumsum3A_460 = tpu.scan <sum>, %add3A_457 masked %cumsum3A_459 : vector<16xf32>, vector<16xi1> -> vector<16xf32>
        %swap3A_461 = arith.index_cast %add3A_411 : i32 to index
        %swap3A_462 = tpu.vector_load %arg13[%swap3A_461] masked %eq3A_100 {strides = array<i32>} : memref<96xf32, #tpu.memory_space<vmem>>, vector<16xf32>, vector<16xi1>
        tpu.vector_store %arg13[%swap3A_461], %cumsum3A_460 masked %eq3A_100 {strides = array<i32>} : memref<96xf32, #tpu.memory_space<vmem>>, vector<16xf32>, vector<16xi1>
        %mul3A_463 = arith.constant 16 : i32
        %mul3A_464 = arith.muli %scan3A_238, %mul3A_463 : i32
        %add3A_465 = arith.constant 4 : i32
        %add3A_466 = arith.addi %mul3A_464, %add3A_465 : i32
        %add3A_467 = arith.constant 1 : i32
        %add3A_468 = arith.addi %add3A_466, %add3A_467 : i32
        %min3A_469 = arith.constant 79 : i32
        %min3A_470 = arith.minsi %add3A_468, %min3A_469 : i32
        %get3A_471 = arith.index_cast %min3A_470 : i32 to index
        %get3A_472 = arith.constant 0 : index
        %get3A_473 = tpu.vector_load %arg9[%get3A_471, %get3A_472] {strides = array<i32>} : memref<80x64xi32, #tpu.memory_space<vmem>>, vector<16xi32>,
        %bitcast3A_474 = vector.bitcast %get3A_418 : vector<16xi32> to vector<32xbf16>
        %bitcast3A_475 = vector.bitcast %get3A_442 : vector<16xi32> to vector<32xbf16>
        %mul3A_476 = arith.mulf %bitcast3A_474, %bitcast3A_475 : vector<32xbf16>
        %get3A_477 = arith.index_cast %min3A_470 : i32 to index
        %get3A_478 = arith.constant 16 : index
        %get3A_479 = tpu.vector_load %arg9[%get3A_477, %get3A_478] {strides = array<i32>} : memref<80x64xi32, #tpu.memory_space<vmem>>, vector<16xi32>,
        %bitcast3A_480 = vector.bitcast %get3A_424 : vector<16xi32> to vector<32xbf16>
        %bitcast3A_481 = vector.bitcast %get3A_446 : vector<16xi32> to vector<32xbf16>
        %mul3A_482 = arith.mulf %bitcast3A_480, %bitcast3A_481 : vector<32xbf16>
        %get3A_483 = arith.index_cast %min3A_470 : i32 to index
        %get3A_484 = arith.constant 32 : index
        %get3A_485 = tpu.vector_load %arg9[%get3A_483, %get3A_484] {strides = array<i32>} : memref<80x64xi32, #tpu.memory_space<vmem>>, vector<16xi32>,
        %bitcast3A_486 = vector.bitcast %get3A_430 : vector<16xi32> to vector<32xbf16>
        %bitcast3A_487 = vector.bitcast %get3A_450 : vector<16xi32> to vector<32xbf16>
        %mul3A_488 = arith.mulf %bitcast3A_486, %bitcast3A_487 : vector<32xbf16>
        %get3A_489 = arith.index_cast %min3A_470 : i32 to index
        %get3A_490 = arith.constant 48 : index
        %get3A_491 = tpu.vector_load %arg9[%get3A_489, %get3A_490] {strides = array<i32>} : memref<80x64xi32, #tpu.memory_space<vmem>>, vector<16xi32>,
        %bitcast3A_492 = vector.bitcast %get3A_436 : vector<16xi32> to vector<32xbf16>
        %bitcast3A_493 = vector.bitcast %get3A_454 : vector<16xi32> to vector<32xbf16>
        %mul3A_494 = arith.mulf %bitcast3A_492, %bitcast3A_493 : vector<32xbf16>
        %get3A_495 = arith.index_cast %min3A_470 : i32 to index
        %get3A_496 = arith.constant 0 : index
        %get3A_497 = tpu.vector_load %arg10[%get3A_495, %get3A_496] {strides = array<i32>} : memref<80x64xi32, #tpu.memory_space<vmem>>, vector<16xi32>,
        %add3A_498 = arith.addf %mul3A_476, %mul3A_482 : vector<32xbf16>
        %get3A_499 = arith.index_cast %min3A_470 : i32 to index
        %get3A_500 = arith.constant 16 : index
        %get3A_501 = tpu.vector_load %arg10[%get3A_499, %get3A_500] {strides = array<i32>} : memref<80x64xi32, #tpu.memory_space<vmem>>, vector<16xi32>,
        %add3A_502 = arith.addf %mul3A_488, %mul3A_494 : vector<32xbf16>
        %get3A_503 = arith.index_cast %min3A_470 : i32 to index
        %get3A_504 = arith.constant 32 : index
        %get3A_505 = tpu.vector_load %arg10[%get3A_503, %get3A_504] {strides = array<i32>} : memref<80x64xi32, #tpu.memory_space<vmem>>, vector<16xi32>,
        %add3A_506 = arith.addf %add3A_498, %add3A_502 : vector<32xbf16>
        %get3A_507 = arith.index_cast %min3A_470 : i32 to index
        %get3A_508 = arith.constant 48 : index
        %get3A_509 = tpu.vector_load %arg10[%get3A_507, %get3A_508] {strides = array<i32>} : memref<80x64xi32, #tpu.memory_space<vmem>>, vector<16xi32>,
        %unpack3A_510 = tpu.unpack_subelements %add3A_506, 0 {pack_format = #tpu.pack_format<interleaved>} : vector<32xbf16> -> vector<16xf32>
        %unpack3A_511 = tpu.unpack_subelements %add3A_506, 1 {pack_format = #tpu.pack_format<interleaved>} : vector<32xbf16> -> vector<16xf32>
        %add3A_512 = arith.addf %unpack3A_510, %unpack3A_511 : vector<16xf32>
        %cumsum3A_513 = arith.constant true
        %cumsum3A_514 = vector.broadcast %cumsum3A_513 : i1 to vector<16xi1>
        %cumsum3A_515 = tpu.scan <sum>, %add3A_512 masked %cumsum3A_514 : vector<16xf32>, vector<16xi1> -> vector<16xf32>
        %swap3A_516 = arith.index_cast %add3A_466 : i32 to index
        %swap3A_517 = tpu.vector_load %arg13[%swap3A_516] masked %eq3A_100 {strides = array<i32>} : memref<96xf32, #tpu.memory_space<vmem>>, vector<16xf32>, vector<16xi1>
        tpu.vector_store %arg13[%swap3A_516], %cumsum3A_515 masked %eq3A_100 {strides = array<i32>} : memref<96xf32, #tpu.memory_space<vmem>>, vector<16xf32>, vector<16xi1>
        %mul3A_518 = arith.constant 16 : i32
        %mul3A_519 = arith.muli %scan3A_238, %mul3A_518 : i32
        %add3A_520 = arith.constant 5 : i32
        %add3A_521 = arith.addi %mul3A_519, %add3A_520 : i32
        %add3A_522 = arith.constant 1 : i32
        %add3A_523 = arith.addi %add3A_521, %add3A_522 : i32
        %min3A_524 = arith.constant 79 : i32
        %min3A_525 = arith.minsi %add3A_523, %min3A_524 : i32
        %get3A_526 = arith.index_cast %min3A_525 : i32 to index
        %get3A_527 = arith.constant 0 : index
        %get3A_528 = tpu.vector_load %arg9[%get3A_526, %get3A_527] {strides = array<i32>} : memref<80x64xi32, #tpu.memory_space<vmem>>, vector<16xi32>,
        %bitcast3A_529 = vector.bitcast %get3A_473 : vector<16xi32> to vector<32xbf16>
        %bitcast3A_530 = vector.bitcast %get3A_497 : vector<16xi32> to vector<32xbf16>
        %mul3A_531 = arith.mulf %bitcast3A_529, %bitcast3A_530 : vector<32xbf16>
        %get3A_532 = arith.index_cast %min3A_525 : i32 to index
        %get3A_533 = arith.constant 16 : index
        %get3A_534 = tpu.vector_load %arg9[%get3A_532, %get3A_533] {strides = array<i32>} : memref<80x64xi32, #tpu.memory_space<vmem>>, vector<16xi32>,
        %bitcast3A_535 = vector.bitcast %get3A_479 : vector<16xi32> to vector<32xbf16>
        %bitcast3A_536 = vector.bitcast %get3A_501 : vector<16xi32> to vector<32xbf16>
        %mul3A_537 = arith.mulf %bitcast3A_535, %bitcast3A_536 : vector<32xbf16>
        %get3A_538 = arith.index_cast %min3A_525 : i32 to index
        %get3A_539 = arith.constant 32 : index
        %get3A_540 = tpu.vector_load %arg9[%get3A_538, %get3A_539] {strides = array<i32>} : memref<80x64xi32, #tpu.memory_space<vmem>>, vector<16xi32>,
        %bitcast3A_541 = vector.bitcast %get3A_485 : vector<16xi32> to vector<32xbf16>
        %bitcast3A_542 = vector.bitcast %get3A_505 : vector<16xi32> to vector<32xbf16>
        %mul3A_543 = arith.mulf %bitcast3A_541, %bitcast3A_542 : vector<32xbf16>
        %get3A_544 = arith.index_cast %min3A_525 : i32 to index
        %get3A_545 = arith.constant 48 : index
        %get3A_546 = tpu.vector_load %arg9[%get3A_544, %get3A_545] {strides = array<i32>} : memref<80x64xi32, #tpu.memory_space<vmem>>, vector<16xi32>,
        %bitcast3A_547 = vector.bitcast %get3A_491 : vector<16xi32> to vector<32xbf16>
        %bitcast3A_548 = vector.bitcast %get3A_509 : vector<16xi32> to vector<32xbf16>
        %mul3A_549 = arith.mulf %bitcast3A_547, %bitcast3A_548 : vector<32xbf16>
        %get3A_550 = arith.index_cast %min3A_525 : i32 to index
        %get3A_551 = arith.constant 0 : index
        %get3A_552 = tpu.vector_load %arg10[%get3A_550, %get3A_551] {strides = array<i32>} : memref<80x64xi32, #tpu.memory_space<vmem>>, vector<16xi32>,
        %add3A_553 = arith.addf %mul3A_531, %mul3A_537 : vector<32xbf16>
        %get3A_554 = arith.index_cast %min3A_525 : i32 to index
        %get3A_555 = arith.constant 16 : index
        %get3A_556 = tpu.vector_load %arg10[%get3A_554, %get3A_555] {strides = array<i32>} : memref<80x64xi32, #tpu.memory_space<vmem>>, vector<16xi32>,
        %add3A_557 = arith.addf %mul3A_543, %mul3A_549 : vector<32xbf16>
        %get3A_558 = arith.index_cast %min3A_525 : i32 to index
        %get3A_559 = arith.constant 32 : index
        %get3A_560 = tpu.vector_load %arg10[%get3A_558, %get3A_559] {strides = array<i32>} : memref<80x64xi32, #tpu.memory_space<vmem>>, vector<16xi32>,
        %add3A_561 = arith.addf %add3A_553, %add3A_557 : vector<32xbf16>
        %get3A_562 = arith.index_cast %min3A_525 : i32 to index
        %get3A_563 = arith.constant 48 : index
        %get3A_564 = tpu.vector_load %arg10[%get3A_562, %get3A_563] {strides = array<i32>} : memref<80x64xi32, #tpu.memory_space<vmem>>, vector<16xi32>,
        %unpack3A_565 = tpu.unpack_subelements %add3A_561, 0 {pack_format = #tpu.pack_format<interleaved>} : vector<32xbf16> -> vector<16xf32>
        %unpack3A_566 = tpu.unpack_subelements %add3A_561, 1 {pack_format = #tpu.pack_format<interleaved>} : vector<32xbf16> -> vector<16xf32>
        %add3A_567 = arith.addf %unpack3A_565, %unpack3A_566 : vector<16xf32>
        %cumsum3A_568 = arith.constant true
        %cumsum3A_569 = vector.broadcast %cumsum3A_568 : i1 to vector<16xi1>
        %cumsum3A_570 = tpu.scan <sum>, %add3A_567 masked %cumsum3A_569 : vector<16xf32>, vector<16xi1> -> vector<16xf32>
        %swap3A_571 = arith.index_cast %add3A_521 : i32 to index
        %swap3A_572 = tpu.vector_load %arg13[%swap3A_571] masked %eq3A_100 {strides = array<i32>} : memref<96xf32, #tpu.memory_space<vmem>>, vector<16xf32>, vector<16xi1>
        tpu.vector_store %arg13[%swap3A_571], %cumsum3A_570 masked %eq3A_100 {strides = array<i32>} : memref<96xf32, #tpu.memory_space<vmem>>, vector<16xf32>, vector<16xi1>
        %mul3A_573 = arith.constant 16 : i32
        %mul3A_574 = arith.muli %scan3A_238, %mul3A_573 : i32
        %add3A_575 = arith.constant 6 : i32
        %add3A_576 = arith.addi %mul3A_574, %add3A_575 : i32
        %add3A_577 = arith.constant 1 : i32
        %add3A_578 = arith.addi %add3A_576, %add3A_577 : i32
        %min3A_579 = arith.constant 79 : i32
        %min3A_580 = arith.minsi %add3A_578, %min3A_579 : i32
        %get3A_581 = arith.index_cast %min3A_580 : i32 to index
        %get3A_582 = arith.constant 0 : index
        %get3A_583 = tpu.vector_load %arg9[%get3A_581, %get3A_582] {strides = array<i32>} : memref<80x64xi32, #tpu.memory_space<vmem>>, vector<16xi32>,
        %bitcast3A_584 = vector.bitcast %get3A_528 : vector<16xi32> to vector<32xbf16>
        %bitcast3A_585 = vector.bitcast %get3A_552 : vector<16xi32> to vector<32xbf16>
        %mul3A_586 = arith.mulf %bitcast3A_584, %bitcast3A_585 : vector<32xbf16>
        %get3A_587 = arith.index_cast %min3A_580 : i32 to index
        %get3A_588 = arith.constant 16 : index
        %get3A_589 = tpu.vector_load %arg9[%get3A_587, %get3A_588] {strides = array<i32>} : memref<80x64xi32, #tpu.memory_space<vmem>>, vector<16xi32>,
        %bitcast3A_590 = vector.bitcast %get3A_534 : vector<16xi32> to vector<32xbf16>
        %bitcast3A_591 = vector.bitcast %get3A_556 : vector<16xi32> to vector<32xbf16>
        %mul3A_592 = arith.mulf %bitcast3A_590, %bitcast3A_591 : vector<32xbf16>
        %get3A_593 = arith.index_cast %min3A_580 : i32 to index
        %get3A_594 = arith.constant 32 : index
        %get3A_595 = tpu.vector_load %arg9[%get3A_593, %get3A_594] {strides = array<i32>} : memref<80x64xi32, #tpu.memory_space<vmem>>, vector<16xi32>,
        %bitcast3A_596 = vector.bitcast %get3A_540 : vector<16xi32> to vector<32xbf16>
        %bitcast3A_597 = vector.bitcast %get3A_560 : vector<16xi32> to vector<32xbf16>
        %mul3A_598 = arith.mulf %bitcast3A_596, %bitcast3A_597 : vector<32xbf16>
        %get3A_599 = arith.index_cast %min3A_580 : i32 to index
        %get3A_600 = arith.constant 48 : index
        %get3A_601 = tpu.vector_load %arg9[%get3A_599, %get3A_600] {strides = array<i32>} : memref<80x64xi32, #tpu.memory_space<vmem>>, vector<16xi32>,
        %bitcast3A_602 = vector.bitcast %get3A_546 : vector<16xi32> to vector<32xbf16>
        %bitcast3A_603 = vector.bitcast %get3A_564 : vector<16xi32> to vector<32xbf16>
        %mul3A_604 = arith.mulf %bitcast3A_602, %bitcast3A_603 : vector<32xbf16>
        %get3A_605 = arith.index_cast %min3A_580 : i32 to index
        %get3A_606 = arith.constant 0 : index
        %get3A_607 = tpu.vector_load %arg10[%get3A_605, %get3A_606] {strides = array<i32>} : memref<80x64xi32, #tpu.memory_space<vmem>>, vector<16xi32>,
        %add3A_608 = arith.addf %mul3A_586, %mul3A_592 : vector<32xbf16>
        %get3A_609 = arith.index_cast %min3A_580 : i32 to index
        %get3A_610 = arith.constant 16 : index
        %get3A_611 = tpu.vector_load %arg10[%get3A_609, %get3A_610] {strides = array<i32>} : memref<80x64xi32, #tpu.memory_space<vmem>>, vector<16xi32>,
        %add3A_612 = arith.addf %mul3A_598, %mul3A_604 : vector<32xbf16>
        %get3A_613 = arith.index_cast %min3A_580 : i32 to index
        %get3A_614 = arith.constant 32 : index
        %get3A_615 = tpu.vector_load %arg10[%get3A_613, %get3A_614] {strides = array<i32>} : memref<80x64xi32, #tpu.memory_space<vmem>>, vector<16xi32>,
        %add3A_616 = arith.addf %add3A_608, %add3A_612 : vector<32xbf16>
        %get3A_617 = arith.index_cast %min3A_580 : i32 to index
        %get3A_618 = arith.constant 48 : index
        %get3A_619 = tpu.vector_load %arg10[%get3A_617, %get3A_618] {strides = array<i32>} : memref<80x64xi32, #tpu.memory_space<vmem>>, vector<16xi32>,
        %unpack3A_620 = tpu.unpack_subelements %add3A_616, 0 {pack_format = #tpu.pack_format<interleaved>} : vector<32xbf16> -> vector<16xf32>
        %unpack3A_621 = tpu.unpack_subelements %add3A_616, 1 {pack_format = #tpu.pack_format<interleaved>} : vector<32xbf16> -> vector<16xf32>
        %add3A_622 = arith.addf %unpack3A_620, %unpack3A_621 : vector<16xf32>
        %cumsum3A_623 = arith.constant true
        %cumsum3A_624 = vector.broadcast %cumsum3A_623 : i1 to vector<16xi1>
        %cumsum3A_625 = tpu.scan <sum>, %add3A_622 masked %cumsum3A_624 : vector<16xf32>, vector<16xi1> -> vector<16xf32>
        %swap3A_626 = arith.index_cast %add3A_576 : i32 to index
        %swap3A_627 = tpu.vector_load %arg13[%swap3A_626] masked %eq3A_100 {strides = array<i32>} : memref<96xf32, #tpu.memory_space<vmem>>, vector<16xf32>, vector<16xi1>
        tpu.vector_store %arg13[%swap3A_626], %cumsum3A_625 masked %eq3A_100 {strides = array<i32>} : memref<96xf32, #tpu.memory_space<vmem>>, vector<16xf32>, vector<16xi1>
        %mul3A_628 = arith.constant 16 : i32
        %mul3A_629 = arith.muli %scan3A_238, %mul3A_628 : i32
        %add3A_630 = arith.constant 7 : i32
        %add3A_631 = arith.addi %mul3A_629, %add3A_630 : i32
        %add3A_632 = arith.constant 1 : i32
        %add3A_633 = arith.addi %add3A_631, %add3A_632 : i32
        %min3A_634 = arith.constant 79 : i32
        %min3A_635 = arith.minsi %add3A_633, %min3A_634 : i32
        %get3A_636 = arith.index_cast %min3A_635 : i32 to index
        %get3A_637 = arith.constant 0 : index
        %get3A_638 = tpu.vector_load %arg9[%get3A_636, %get3A_637] {strides = array<i32>} : memref<80x64xi32, #tpu.memory_space<vmem>>, vector<16xi32>,
        %bitcast3A_639 = vector.bitcast %get3A_583 : vector<16xi32> to vector<32xbf16>
        %bitcast3A_640 = vector.bitcast %get3A_607 : vector<16xi32> to vector<32xbf16>
        %mul3A_641 = arith.mulf %bitcast3A_639, %bitcast3A_640 : vector<32xbf16>
        %get3A_642 = arith.index_cast %min3A_635 : i32 to index
        %get3A_643 = arith.constant 16 : index
        %get3A_644 = tpu.vector_load %arg9[%get3A_642, %get3A_643] {strides = array<i32>} : memref<80x64xi32, #tpu.memory_space<vmem>>, vector<16xi32>,
        %bitcast3A_645 = vector.bitcast %get3A_589 : vector<16xi32> to vector<32xbf16>
        %bitcast3A_646 = vector.bitcast %get3A_611 : vector<16xi32> to vector<32xbf16>
        %mul3A_647 = arith.mulf %bitcast3A_645, %bitcast3A_646 : vector<32xbf16>
        %get3A_648 = arith.index_cast %min3A_635 : i32 to index
        %get3A_649 = arith.constant 32 : index
        %get3A_650 = tpu.vector_load %arg9[%get3A_648, %get3A_649] {strides = array<i32>} : memref<80x64xi32, #tpu.memory_space<vmem>>, vector<16xi32>,
        %bitcast3A_651 = vector.bitcast %get3A_595 : vector<16xi32> to vector<32xbf16>
        %bitcast3A_652 = vector.bitcast %get3A_615 : vector<16xi32> to vector<32xbf16>
        %mul3A_653 = arith.mulf %bitcast3A_651, %bitcast3A_652 : vector<32xbf16>
        %get3A_654 = arith.index_cast %min3A_635 : i32 to index
        %get3A_655 = arith.constant 48 : index
        %get3A_656 = tpu.vector_load %arg9[%get3A_654, %get3A_655] {strides = array<i32>} : memref<80x64xi32, #tpu.memory_space<vmem>>, vector<16xi32>,
        %bitcast3A_657 = vector.bitcast %get3A_601 : vector<16xi32> to vector<32xbf16>
        %bitcast3A_658 = vector.bitcast %get3A_619 : vector<16xi32> to vector<32xbf16>
        %mul3A_659 = arith.mulf %bitcast3A_657, %bitcast3A_658 : vector<32xbf16>
        %get3A_660 = arith.index_cast %min3A_635 : i32 to index
        %get3A_661 = arith.constant 0 : index
        %get3A_662 = tpu.vector_load %arg10[%get3A_660, %get3A_661] {strides = array<i32>} : memref<80x64xi32, #tpu.memory_space<vmem>>, vector<16xi32>,
        %add3A_663 = arith.addf %mul3A_641, %mul3A_647 : vector<32xbf16>
        %get3A_664 = arith.index_cast %min3A_635 : i32 to index
        %get3A_665 = arith.constant 16 : index
        %get3A_666 = tpu.vector_load %arg10[%get3A_664, %get3A_665] {strides = array<i32>} : memref<80x64xi32, #tpu.memory_space<vmem>>, vector<16xi32>,
        %add3A_667 = arith.addf %mul3A_653, %mul3A_659 : vector<32xbf16>
        %get3A_668 = arith.index_cast %min3A_635 : i32 to index
        %get3A_669 = arith.constant 32 : index
        %get3A_670 = tpu.vector_load %arg10[%get3A_668, %get3A_669] {strides = array<i32>} : memref<80x64xi32, #tpu.memory_space<vmem>>, vector<16xi32>,
        %add3A_671 = arith.addf %add3A_663, %add3A_667 : vector<32xbf16>
        %get3A_672 = arith.index_cast %min3A_635 : i32 to index
        %get3A_673 = arith.constant 48 : index
        %get3A_674 = tpu.vector_load %arg10[%get3A_672, %get3A_673] {strides = array<i32>} : memref<80x64xi32, #tpu.memory_space<vmem>>, vector<16xi32>,
        %unpack3A_675 = tpu.unpack_subelements %add3A_671, 0 {pack_format = #tpu.pack_format<interleaved>} : vector<32xbf16> -> vector<16xf32>
        %unpack3A_676 = tpu.unpack_subelements %add3A_671, 1 {pack_format = #tpu.pack_format<interleaved>} : vector<32xbf16> -> vector<16xf32>
        %add3A_677 = arith.addf %unpack3A_675, %unpack3A_676 : vector<16xf32>
        %cumsum3A_678 = arith.constant true
        %cumsum3A_679 = vector.broadcast %cumsum3A_678 : i1 to vector<16xi1>
        %cumsum3A_680 = tpu.scan <sum>, %add3A_677 masked %cumsum3A_679 : vector<16xf32>, vector<16xi1> -> vector<16xf32>
        %swap3A_681 = arith.index_cast %add3A_631 : i32 to index
        %swap3A_682 = tpu.vector_load %arg13[%swap3A_681] masked %eq3A_100 {strides = array<i32>} : memref<96xf32, #tpu.memory_space<vmem>>, vector<16xf32>, vector<16xi1>
        tpu.vector_store %arg13[%swap3A_681], %cumsum3A_680 masked %eq3A_100 {strides = array<i32>} : memref<96xf32, #tpu.memory_space<vmem>>, vector<16xf32>, vector<16xi1>
        %mul3A_683 = arith.constant 16 : i32
        %mul3A_684 = arith.muli %scan3A_238, %mul3A_683 : i32
        %add3A_685 = arith.constant 8 : i32
        %add3A_686 = arith.addi %mul3A_684, %add3A_685 : i32
        %add3A_687 = arith.constant 1 : i32
        %add3A_688 = arith.addi %add3A_686, %add3A_687 : i32
        %min3A_689 = arith.constant 79 : i32
        %min3A_690 = arith.minsi %add3A_688, %min3A_689 : i32
        %get3A_691 = arith.index_cast %min3A_690 : i32 to index
        %get3A_692 = arith.constant 0 : index
        %get3A_693 = tpu.vector_load %arg9[%get3A_691, %get3A_692] {strides = array<i32>} : memref<80x64xi32, #tpu.memory_space<vmem>>, vector<16xi32>,
        %bitcast3A_694 = vector.bitcast %get3A_638 : vector<16xi32> to vector<32xbf16>
        %bitcast3A_695 = vector.bitcast %get3A_662 : vector<16xi32> to vector<32xbf16>
        %mul3A_696 = arith.mulf %bitcast3A_694, %bitcast3A_695 : vector<32xbf16>
        %get3A_697 = arith.index_cast %min3A_690 : i32 to index
        %get3A_698 = arith.constant 16 : index
        %get3A_699 = tpu.vector_load %arg9[%get3A_697, %get3A_698] {strides = array<i32>} : memref<80x64xi32, #tpu.memory_space<vmem>>, vector<16xi32>,
        %bitcast3A_700 = vector.bitcast %get3A_644 : vector<16xi32> to vector<32xbf16>
        %bitcast3A_701 = vector.bitcast %get3A_666 : vector<16xi32> to vector<32xbf16>
        %mul3A_702 = arith.mulf %bitcast3A_700, %bitcast3A_701 : vector<32xbf16>
        %get3A_703 = arith.index_cast %min3A_690 : i32 to index
        %get3A_704 = arith.constant 32 : index
        %get3A_705 = tpu.vector_load %arg9[%get3A_703, %get3A_704] {strides = array<i32>} : memref<80x64xi32, #tpu.memory_space<vmem>>, vector<16xi32>,
        %bitcast3A_706 = vector.bitcast %get3A_650 : vector<16xi32> to vector<32xbf16>
        %bitcast3A_707 = vector.bitcast %get3A_670 : vector<16xi32> to vector<32xbf16>
        %mul3A_708 = arith.mulf %bitcast3A_706, %bitcast3A_707 : vector<32xbf16>
        %get3A_709 = arith.index_cast %min3A_690 : i32 to index
        %get3A_710 = arith.constant 48 : index
        %get3A_711 = tpu.vector_load %arg9[%get3A_709, %get3A_710] {strides = array<i32>} : memref<80x64xi32, #tpu.memory_space<vmem>>, vector<16xi32>,
        %bitcast3A_712 = vector.bitcast %get3A_656 : vector<16xi32> to vector<32xbf16>
        %bitcast3A_713 = vector.bitcast %get3A_674 : vector<16xi32> to vector<32xbf16>
        %mul3A_714 = arith.mulf %bitcast3A_712, %bitcast3A_713 : vector<32xbf16>
        %get3A_715 = arith.index_cast %min3A_690 : i32 to index
        %get3A_716 = arith.constant 0 : index
        %get3A_717 = tpu.vector_load %arg10[%get3A_715, %get3A_716] {strides = array<i32>} : memref<80x64xi32, #tpu.memory_space<vmem>>, vector<16xi32>,
        %add3A_718 = arith.addf %mul3A_696, %mul3A_702 : vector<32xbf16>
        %get3A_719 = arith.index_cast %min3A_690 : i32 to index
        %get3A_720 = arith.constant 16 : index
        %get3A_721 = tpu.vector_load %arg10[%get3A_719, %get3A_720] {strides = array<i32>} : memref<80x64xi32, #tpu.memory_space<vmem>>, vector<16xi32>,
        %add3A_722 = arith.addf %mul3A_708, %mul3A_714 : vector<32xbf16>
        %get3A_723 = arith.index_cast %min3A_690 : i32 to index
        %get3A_724 = arith.constant 32 : index
        %get3A_725 = tpu.vector_load %arg10[%get3A_723, %get3A_724] {strides = array<i32>} : memref<80x64xi32, #tpu.memory_space<vmem>>, vector<16xi32>,
        %add3A_726 = arith.addf %add3A_718, %add3A_722 : vector<32xbf16>
        %get3A_727 = arith.index_cast %min3A_690 : i32 to index
        %get3A_728 = arith.constant 48 : index
        %get3A_729 = tpu.vector_load %arg10[%get3A_727, %get3A_728] {strides = array<i32>} : memref<80x64xi32, #tpu.memory_space<vmem>>, vector<16xi32>,
        %unpack3A_730 = tpu.unpack_subelements %add3A_726, 0 {pack_format = #tpu.pack_format<interleaved>} : vector<32xbf16> -> vector<16xf32>
        %unpack3A_731 = tpu.unpack_subelements %add3A_726, 1 {pack_format = #tpu.pack_format<interleaved>} : vector<32xbf16> -> vector<16xf32>
        %add3A_732 = arith.addf %unpack3A_730, %unpack3A_731 : vector<16xf32>
        %cumsum3A_733 = arith.constant true
        %cumsum3A_734 = vector.broadcast %cumsum3A_733 : i1 to vector<16xi1>
        %cumsum3A_735 = tpu.scan <sum>, %add3A_732 masked %cumsum3A_734 : vector<16xf32>, vector<16xi1> -> vector<16xf32>
        %swap3A_736 = arith.index_cast %add3A_686 : i32 to index
        %swap3A_737 = tpu.vector_load %arg13[%swap3A_736] masked %eq3A_100 {strides = array<i32>} : memref<96xf32, #tpu.memory_space<vmem>>, vector<16xf32>, vector<16xi1>
        tpu.vector_store %arg13[%swap3A_736], %cumsum3A_735 masked %eq3A_100 {strides = array<i32>} : memref<96xf32, #tpu.memory_space<vmem>>, vector<16xf32>, vector<16xi1>
        %mul3A_738 = arith.constant 16 : i32
        %mul3A_739 = arith.muli %scan3A_238, %mul3A_738 : i32
        %add3A_740 = arith.constant 9 : i32
        %add3A_741 = arith.addi %mul3A_739, %add3A_740 : i32
        %add3A_742 = arith.constant 1 : i32
        %add3A_743 = arith.addi %add3A_741, %add3A_742 : i32
        %min3A_744 = arith.constant 79 : i32
        %min3A_745 = arith.minsi %add3A_743, %min3A_744 : i32
        %get3A_746 = arith.index_cast %min3A_745 : i32 to index
        %get3A_747 = arith.constant 0 : index
        %get3A_748 = tpu.vector_load %arg9[%get3A_746, %get3A_747] {strides = array<i32>} : memref<80x64xi32, #tpu.memory_space<vmem>>, vector<16xi32>,
        %bitcast3A_749 = vector.bitcast %get3A_693 : vector<16xi32> to vector<32xbf16>
        %bitcast3A_750 = vector.bitcast %get3A_717 : vector<16xi32> to vector<32xbf16>
        %mul3A_751 = arith.mulf %bitcast3A_749, %bitcast3A_750 : vector<32xbf16>
        %get3A_752 = arith.index_cast %min3A_745 : i32 to index
        %get3A_753 = arith.constant 16 : index
        %get3A_754 = tpu.vector_load %arg9[%get3A_752, %get3A_753] {strides = array<i32>} : memref<80x64xi32, #tpu.memory_space<vmem>>, vector<16xi32>,
        %bitcast3A_755 = vector.bitcast %get3A_699 : vector<16xi32> to vector<32xbf16>
        %bitcast3A_756 = vector.bitcast %get3A_721 : vector<16xi32> to vector<32xbf16>
        %mul3A_757 = arith.mulf %bitcast3A_755, %bitcast3A_756 : vector<32xbf16>
        %get3A_758 = arith.index_cast %min3A_745 : i32 to index
        %get3A_759 = arith.constant 32 : index
        %get3A_760 = tpu.vector_load %arg9[%get3A_758, %get3A_759] {strides = array<i32>} : memref<80x64xi32, #tpu.memory_space<vmem>>, vector<16xi32>,
        %bitcast3A_761 = vector.bitcast %get3A_705 : vector<16xi32> to vector<32xbf16>
        %bitcast3A_762 = vector.bitcast %get3A_725 : vector<16xi32> to vector<32xbf16>
        %mul3A_763 = arith.mulf %bitcast3A_761, %bitcast3A_762 : vector<32xbf16>
        %get3A_764 = arith.index_cast %min3A_745 : i32 to index
        %get3A_765 = arith.constant 48 : index
        %get3A_766 = tpu.vector_load %arg9[%get3A_764, %get3A_765] {strides = array<i32>} : memref<80x64xi32, #tpu.memory_space<vmem>>, vector<16xi32>,
        %bitcast3A_767 = vector.bitcast %get3A_711 : vector<16xi32> to vector<32xbf16>
        %bitcast3A_768 = vector.bitcast %get3A_729 : vector<16xi32> to vector<32xbf16>
        %mul3A_769 = arith.mulf %bitcast3A_767, %bitcast3A_768 : vector<32xbf16>
        %get3A_770 = arith.index_cast %min3A_745 : i32 to index
        %get3A_771 = arith.constant 0 : index
        %get3A_772 = tpu.vector_load %arg10[%get3A_770, %get3A_771] {strides = array<i32>} : memref<80x64xi32, #tpu.memory_space<vmem>>, vector<16xi32>,
        %add3A_773 = arith.addf %mul3A_751, %mul3A_757 : vector<32xbf16>
        %get3A_774 = arith.index_cast %min3A_745 : i32 to index
        %get3A_775 = arith.constant 16 : index
        %get3A_776 = tpu.vector_load %arg10[%get3A_774, %get3A_775] {strides = array<i32>} : memref<80x64xi32, #tpu.memory_space<vmem>>, vector<16xi32>,
        %add3A_777 = arith.addf %mul3A_763, %mul3A_769 : vector<32xbf16>
        %get3A_778 = arith.index_cast %min3A_745 : i32 to index
        %get3A_779 = arith.constant 32 : index
        %get3A_780 = tpu.vector_load %arg10[%get3A_778, %get3A_779] {strides = array<i32>} : memref<80x64xi32, #tpu.memory_space<vmem>>, vector<16xi32>,
        %add3A_781 = arith.addf %add3A_773, %add3A_777 : vector<32xbf16>
        %get3A_782 = arith.index_cast %min3A_745 : i32 to index
        %get3A_783 = arith.constant 48 : index
        %get3A_784 = tpu.vector_load %arg10[%get3A_782, %get3A_783] {strides = array<i32>} : memref<80x64xi32, #tpu.memory_space<vmem>>, vector<16xi32>,
        %unpack3A_785 = tpu.unpack_subelements %add3A_781, 0 {pack_format = #tpu.pack_format<interleaved>} : vector<32xbf16> -> vector<16xf32>
        %unpack3A_786 = tpu.unpack_subelements %add3A_781, 1 {pack_format = #tpu.pack_format<interleaved>} : vector<32xbf16> -> vector<16xf32>
        %add3A_787 = arith.addf %unpack3A_785, %unpack3A_786 : vector<16xf32>
        %cumsum3A_788 = arith.constant true
        %cumsum3A_789 = vector.broadcast %cumsum3A_788 : i1 to vector<16xi1>
        %cumsum3A_790 = tpu.scan <sum>, %add3A_787 masked %cumsum3A_789 : vector<16xf32>, vector<16xi1> -> vector<16xf32>
        %swap3A_791 = arith.index_cast %add3A_741 : i32 to index
        %swap3A_792 = tpu.vector_load %arg13[%swap3A_791] masked %eq3A_100 {strides = array<i32>} : memref<96xf32, #tpu.memory_space<vmem>>, vector<16xf32>, vector<16xi1>
        tpu.vector_store %arg13[%swap3A_791], %cumsum3A_790 masked %eq3A_100 {strides = array<i32>} : memref<96xf32, #tpu.memory_space<vmem>>, vector<16xf32>, vector<16xi1>
        %mul3A_793 = arith.constant 16 : i32
        %mul3A_794 = arith.muli %scan3A_238, %mul3A_793 : i32
        %add3A_795 = arith.constant 10 : i32
        %add3A_796 = arith.addi %mul3A_794, %add3A_795 : i32
        %add3A_797 = arith.constant 1 : i32
        %add3A_798 = arith.addi %add3A_796, %add3A_797 : i32
        %min3A_799 = arith.constant 79 : i32
        %min3A_800 = arith.minsi %add3A_798, %min3A_799 : i32
        %get3A_801 = arith.index_cast %min3A_800 : i32 to index
        %get3A_802 = arith.constant 0 : index
        %get3A_803 = tpu.vector_load %arg9[%get3A_801, %get3A_802] {strides = array<i32>} : memref<80x64xi32, #tpu.memory_space<vmem>>, vector<16xi32>,
        %bitcast3A_804 = vector.bitcast %get3A_748 : vector<16xi32> to vector<32xbf16>
        %bitcast3A_805 = vector.bitcast %get3A_772 : vector<16xi32> to vector<32xbf16>
        %mul3A_806 = arith.mulf %bitcast3A_804, %bitcast3A_805 : vector<32xbf16>
        %get3A_807 = arith.index_cast %min3A_800 : i32 to index
        %get3A_808 = arith.constant 16 : index
        %get3A_809 = tpu.vector_load %arg9[%get3A_807, %get3A_808] {strides = array<i32>} : memref<80x64xi32, #tpu.memory_space<vmem>>, vector<16xi32>,
        %bitcast3A_810 = vector.bitcast %get3A_754 : vector<16xi32> to vector<32xbf16>
        %bitcast3A_811 = vector.bitcast %get3A_776 : vector<16xi32> to vector<32xbf16>
        %mul3A_812 = arith.mulf %bitcast3A_810, %bitcast3A_811 : vector<32xbf16>
        %get3A_813 = arith.index_cast %min3A_800 : i32 to index
        %get3A_814 = arith.constant 32 : index
        %get3A_815 = tpu.vector_load %arg9[%get3A_813, %get3A_814] {strides = array<i32>} : memref<80x64xi32, #tpu.memory_space<vmem>>, vector<16xi32>,
        %bitcast3A_816 = vector.bitcast %get3A_760 : vector<16xi32> to vector<32xbf16>
        %bitcast3A_817 = vector.bitcast %get3A_780 : vector<16xi32> to vector<32xbf16>
        %mul3A_818 = arith.mulf %bitcast3A_816, %bitcast3A_817 : vector<32xbf16>
        %get3A_819 = arith.index_cast %min3A_800 : i32 to index
        %get3A_820 = arith.constant 48 : index
        %get3A_821 = tpu.vector_load %arg9[%get3A_819, %get3A_820] {strides = array<i32>} : memref<80x64xi32, #tpu.memory_space<vmem>>, vector<16xi32>,
        %bitcast3A_822 = vector.bitcast %get3A_766 : vector<16xi32> to vector<32xbf16>
        %bitcast3A_823 = vector.bitcast %get3A_784 : vector<16xi32> to vector<32xbf16>
        %mul3A_824 = arith.mulf %bitcast3A_822, %bitcast3A_823 : vector<32xbf16>
        %get3A_825 = arith.index_cast %min3A_800 : i32 to index
        %get3A_826 = arith.constant 0 : index
        %get3A_827 = tpu.vector_load %arg10[%get3A_825, %get3A_826] {strides = array<i32>} : memref<80x64xi32, #tpu.memory_space<vmem>>, vector<16xi32>,
        %add3A_828 = arith.addf %mul3A_806, %mul3A_812 : vector<32xbf16>
        %get3A_829 = arith.index_cast %min3A_800 : i32 to index
        %get3A_830 = arith.constant 16 : index
        %get3A_831 = tpu.vector_load %arg10[%get3A_829, %get3A_830] {strides = array<i32>} : memref<80x64xi32, #tpu.memory_space<vmem>>, vector<16xi32>,
        %add3A_832 = arith.addf %mul3A_818, %mul3A_824 : vector<32xbf16>
        %get3A_833 = arith.index_cast %min3A_800 : i32 to index
        %get3A_834 = arith.constant 32 : index
        %get3A_835 = tpu.vector_load %arg10[%get3A_833, %get3A_834] {strides = array<i32>} : memref<80x64xi32, #tpu.memory_space<vmem>>, vector<16xi32>,
        %add3A_836 = arith.addf %add3A_828, %add3A_832 : vector<32xbf16>
        %get3A_837 = arith.index_cast %min3A_800 : i32 to index
        %get3A_838 = arith.constant 48 : index
        %get3A_839 = tpu.vector_load %arg10[%get3A_837, %get3A_838] {strides = array<i32>} : memref<80x64xi32, #tpu.memory_space<vmem>>, vector<16xi32>,
        %unpack3A_840 = tpu.unpack_subelements %add3A_836, 0 {pack_format = #tpu.pack_format<interleaved>} : vector<32xbf16> -> vector<16xf32>
        %unpack3A_841 = tpu.unpack_subelements %add3A_836, 1 {pack_format = #tpu.pack_format<interleaved>} : vector<32xbf16> -> vector<16xf32>
        %add3A_842 = arith.addf %unpack3A_840, %unpack3A_841 : vector<16xf32>
        %cumsum3A_843 = arith.constant true
        %cumsum3A_844 = vector.broadcast %cumsum3A_843 : i1 to vector<16xi1>
        %cumsum3A_845 = tpu.scan <sum>, %add3A_842 masked %cumsum3A_844 : vector<16xf32>, vector<16xi1> -> vector<16xf32>
        %swap3A_846 = arith.index_cast %add3A_796 : i32 to index
        %swap3A_847 = tpu.vector_load %arg13[%swap3A_846] masked %eq3A_100 {strides = array<i32>} : memref<96xf32, #tpu.memory_space<vmem>>, vector<16xf32>, vector<16xi1>
        tpu.vector_store %arg13[%swap3A_846], %cumsum3A_845 masked %eq3A_100 {strides = array<i32>} : memref<96xf32, #tpu.memory_space<vmem>>, vector<16xf32>, vector<16xi1>
        %mul3A_848 = arith.constant 16 : i32
        %mul3A_849 = arith.muli %scan3A_238, %mul3A_848 : i32
        %add3A_850 = arith.constant 11 : i32
        %add3A_851 = arith.addi %mul3A_849, %add3A_850 : i32
        %add3A_852 = arith.constant 1 : i32
        %add3A_853 = arith.addi %add3A_851, %add3A_852 : i32
        %min3A_854 = arith.constant 79 : i32
        %min3A_855 = arith.minsi %add3A_853, %min3A_854 : i32
        %get3A_856 = arith.index_cast %min3A_855 : i32 to index
        %get3A_857 = arith.constant 0 : index
        %get3A_858 = tpu.vector_load %arg9[%get3A_856, %get3A_857] {strides = array<i32>} : memref<80x64xi32, #tpu.memory_space<vmem>>, vector<16xi32>,
        %bitcast3A_859 = vector.bitcast %get3A_803 : vector<16xi32> to vector<32xbf16>
        %bitcast3A_860 = vector.bitcast %get3A_827 : vector<16xi32> to vector<32xbf16>
        %mul3A_861 = arith.mulf %bitcast3A_859, %bitcast3A_860 : vector<32xbf16>
        %get3A_862 = arith.index_cast %min3A_855 : i32 to index
        %get3A_863 = arith.constant 16 : index
        %get3A_864 = tpu.vector_load %arg9[%get3A_862, %get3A_863] {strides = array<i32>} : memref<80x64xi32, #tpu.memory_space<vmem>>, vector<16xi32>,
        %bitcast3A_865 = vector.bitcast %get3A_809 : vector<16xi32> to vector<32xbf16>
        %bitcast3A_866 = vector.bitcast %get3A_831 : vector<16xi32> to vector<32xbf16>
        %mul3A_867 = arith.mulf %bitcast3A_865, %bitcast3A_866 : vector<32xbf16>
        %get3A_868 = arith.index_cast %min3A_855 : i32 to index
        %get3A_869 = arith.constant 32 : index
        %get3A_870 = tpu.vector_load %arg9[%get3A_868, %get3A_869] {strides = array<i32>} : memref<80x64xi32, #tpu.memory_space<vmem>>, vector<16xi32>,
        %bitcast3A_871 = vector.bitcast %get3A_815 : vector<16xi32> to vector<32xbf16>
        %bitcast3A_872 = vector.bitcast %get3A_835 : vector<16xi32> to vector<32xbf16>
        %mul3A_873 = arith.mulf %bitcast3A_871, %bitcast3A_872 : vector<32xbf16>
        %get3A_874 = arith.index_cast %min3A_855 : i32 to index
        %get3A_875 = arith.constant 48 : index
        %get3A_876 = tpu.vector_load %arg9[%get3A_874, %get3A_875] {strides = array<i32>} : memref<80x64xi32, #tpu.memory_space<vmem>>, vector<16xi32>,
        %bitcast3A_877 = vector.bitcast %get3A_821 : vector<16xi32> to vector<32xbf16>
        %bitcast3A_878 = vector.bitcast %get3A_839 : vector<16xi32> to vector<32xbf16>
        %mul3A_879 = arith.mulf %bitcast3A_877, %bitcast3A_878 : vector<32xbf16>
        %get3A_880 = arith.index_cast %min3A_855 : i32 to index
        %get3A_881 = arith.constant 0 : index
        %get3A_882 = tpu.vector_load %arg10[%get3A_880, %get3A_881] {strides = array<i32>} : memref<80x64xi32, #tpu.memory_space<vmem>>, vector<16xi32>,
        %add3A_883 = arith.addf %mul3A_861, %mul3A_867 : vector<32xbf16>
        %get3A_884 = arith.index_cast %min3A_855 : i32 to index
        %get3A_885 = arith.constant 16 : index
        %get3A_886 = tpu.vector_load %arg10[%get3A_884, %get3A_885] {strides = array<i32>} : memref<80x64xi32, #tpu.memory_space<vmem>>, vector<16xi32>,
        %add3A_887 = arith.addf %mul3A_873, %mul3A_879 : vector<32xbf16>
        %get3A_888 = arith.index_cast %min3A_855 : i32 to index
        %get3A_889 = arith.constant 32 : index
        %get3A_890 = tpu.vector_load %arg10[%get3A_888, %get3A_889] {strides = array<i32>} : memref<80x64xi32, #tpu.memory_space<vmem>>, vector<16xi32>,
        %add3A_891 = arith.addf %add3A_883, %add3A_887 : vector<32xbf16>
        %get3A_892 = arith.index_cast %min3A_855 : i32 to index
        %get3A_893 = arith.constant 48 : index
        %get3A_894 = tpu.vector_load %arg10[%get3A_892, %get3A_893] {strides = array<i32>} : memref<80x64xi32, #tpu.memory_space<vmem>>, vector<16xi32>,
        %unpack3A_895 = tpu.unpack_subelements %add3A_891, 0 {pack_format = #tpu.pack_format<interleaved>} : vector<32xbf16> -> vector<16xf32>
        %unpack3A_896 = tpu.unpack_subelements %add3A_891, 1 {pack_format = #tpu.pack_format<interleaved>} : vector<32xbf16> -> vector<16xf32>
        %add3A_897 = arith.addf %unpack3A_895, %unpack3A_896 : vector<16xf32>
        %cumsum3A_898 = arith.constant true
        %cumsum3A_899 = vector.broadcast %cumsum3A_898 : i1 to vector<16xi1>
        %cumsum3A_900 = tpu.scan <sum>, %add3A_897 masked %cumsum3A_899 : vector<16xf32>, vector<16xi1> -> vector<16xf32>
        %swap3A_901 = arith.index_cast %add3A_851 : i32 to index
        %swap3A_902 = tpu.vector_load %arg13[%swap3A_901] masked %eq3A_100 {strides = array<i32>} : memref<96xf32, #tpu.memory_space<vmem>>, vector<16xf32>, vector<16xi1>
        tpu.vector_store %arg13[%swap3A_901], %cumsum3A_900 masked %eq3A_100 {strides = array<i32>} : memref<96xf32, #tpu.memory_space<vmem>>, vector<16xf32>, vector<16xi1>
        %mul3A_903 = arith.constant 16 : i32
        %mul3A_904 = arith.muli %scan3A_238, %mul3A_903 : i32
        %add3A_905 = arith.constant 12 : i32
        %add3A_906 = arith.addi %mul3A_904, %add3A_905 : i32
        %add3A_907 = arith.constant 1 : i32
        %add3A_908 = arith.addi %add3A_906, %add3A_907 : i32
        %min3A_909 = arith.constant 79 : i32
        %min3A_910 = arith.minsi %add3A_908, %min3A_909 : i32
        %get3A_911 = arith.index_cast %min3A_910 : i32 to index
        %get3A_912 = arith.constant 0 : index
        %get3A_913 = tpu.vector_load %arg9[%get3A_911, %get3A_912] {strides = array<i32>} : memref<80x64xi32, #tpu.memory_space<vmem>>, vector<16xi32>,
        %bitcast3A_914 = vector.bitcast %get3A_858 : vector<16xi32> to vector<32xbf16>
        %bitcast3A_915 = vector.bitcast %get3A_882 : vector<16xi32> to vector<32xbf16>
        %mul3A_916 = arith.mulf %bitcast3A_914, %bitcast3A_915 : vector<32xbf16>
        %get3A_917 = arith.index_cast %min3A_910 : i32 to index
        %get3A_918 = arith.constant 16 : index
        %get3A_919 = tpu.vector_load %arg9[%get3A_917, %get3A_918] {strides = array<i32>} : memref<80x64xi32, #tpu.memory_space<vmem>>, vector<16xi32>,
        %bitcast3A_920 = vector.bitcast %get3A_864 : vector<16xi32> to vector<32xbf16>
        %bitcast3A_921 = vector.bitcast %get3A_886 : vector<16xi32> to vector<32xbf16>
        %mul3A_922 = arith.mulf %bitcast3A_920, %bitcast3A_921 : vector<32xbf16>
        %get3A_923 = arith.index_cast %min3A_910 : i32 to index
        %get3A_924 = arith.constant 32 : index
        %get3A_925 = tpu.vector_load %arg9[%get3A_923, %get3A_924] {strides = array<i32>} : memref<80x64xi32, #tpu.memory_space<vmem>>, vector<16xi32>,
        %bitcast3A_926 = vector.bitcast %get3A_870 : vector<16xi32> to vector<32xbf16>
        %bitcast3A_927 = vector.bitcast %get3A_890 : vector<16xi32> to vector<32xbf16>
        %mul3A_928 = arith.mulf %bitcast3A_926, %bitcast3A_927 : vector<32xbf16>
        %get3A_929 = arith.index_cast %min3A_910 : i32 to index
        %get3A_930 = arith.constant 48 : index
        %get3A_931 = tpu.vector_load %arg9[%get3A_929, %get3A_930] {strides = array<i32>} : memref<80x64xi32, #tpu.memory_space<vmem>>, vector<16xi32>,
        %bitcast3A_932 = vector.bitcast %get3A_876 : vector<16xi32> to vector<32xbf16>
        %bitcast3A_933 = vector.bitcast %get3A_894 : vector<16xi32> to vector<32xbf16>
        %mul3A_934 = arith.mulf %bitcast3A_932, %bitcast3A_933 : vector<32xbf16>
        %get3A_935 = arith.index_cast %min3A_910 : i32 to index
        %get3A_936 = arith.constant 0 : index
        %get3A_937 = tpu.vector_load %arg10[%get3A_935, %get3A_936] {strides = array<i32>} : memref<80x64xi32, #tpu.memory_space<vmem>>, vector<16xi32>,
        %add3A_938 = arith.addf %mul3A_916, %mul3A_922 : vector<32xbf16>
        %get3A_939 = arith.index_cast %min3A_910 : i32 to index
        %get3A_940 = arith.constant 16 : index
        %get3A_941 = tpu.vector_load %arg10[%get3A_939, %get3A_940] {strides = array<i32>} : memref<80x64xi32, #tpu.memory_space<vmem>>, vector<16xi32>,
        %add3A_942 = arith.addf %mul3A_928, %mul3A_934 : vector<32xbf16>
        %get3A_943 = arith.index_cast %min3A_910 : i32 to index
        %get3A_944 = arith.constant 32 : index
        %get3A_945 = tpu.vector_load %arg10[%get3A_943, %get3A_944] {strides = array<i32>} : memref<80x64xi32, #tpu.memory_space<vmem>>, vector<16xi32>,
        %add3A_946 = arith.addf %add3A_938, %add3A_942 : vector<32xbf16>
        %get3A_947 = arith.index_cast %min3A_910 : i32 to index
        %get3A_948 = arith.constant 48 : index
        %get3A_949 = tpu.vector_load %arg10[%get3A_947, %get3A_948] {strides = array<i32>} : memref<80x64xi32, #tpu.memory_space<vmem>>, vector<16xi32>,
        %unpack3A_950 = tpu.unpack_subelements %add3A_946, 0 {pack_format = #tpu.pack_format<interleaved>} : vector<32xbf16> -> vector<16xf32>
        %unpack3A_951 = tpu.unpack_subelements %add3A_946, 1 {pack_format = #tpu.pack_format<interleaved>} : vector<32xbf16> -> vector<16xf32>
        %add3A_952 = arith.addf %unpack3A_950, %unpack3A_951 : vector<16xf32>
        %cumsum3A_953 = arith.constant true
        %cumsum3A_954 = vector.broadcast %cumsum3A_953 : i1 to vector<16xi1>
        %cumsum3A_955 = tpu.scan <sum>, %add3A_952 masked %cumsum3A_954 : vector<16xf32>, vector<16xi1> -> vector<16xf32>
        %swap3A_956 = arith.index_cast %add3A_906 : i32 to index
        %swap3A_957 = tpu.vector_load %arg13[%swap3A_956] masked %eq3A_100 {strides = array<i32>} : memref<96xf32, #tpu.memory_space<vmem>>, vector<16xf32>, vector<16xi1>
        tpu.vector_store %arg13[%swap3A_956], %cumsum3A_955 masked %eq3A_100 {strides = array<i32>} : memref<96xf32, #tpu.memory_space<vmem>>, vector<16xf32>, vector<16xi1>
        %mul3A_958 = arith.constant 16 : i32
        %mul3A_959 = arith.muli %scan3A_238, %mul3A_958 : i32
        %add3A_960 = arith.constant 13 : i32
        %add3A_961 = arith.addi %mul3A_959, %add3A_960 : i32
        %add3A_962 = arith.constant 1 : i32
        %add3A_963 = arith.addi %add3A_961, %add3A_962 : i32
        %min3A_964 = arith.constant 79 : i32
        %min3A_965 = arith.minsi %add3A_963, %min3A_964 : i32
        %get3A_966 = arith.index_cast %min3A_965 : i32 to index
        %get3A_967 = arith.constant 0 : index
        %get3A_968 = tpu.vector_load %arg9[%get3A_966, %get3A_967] {strides = array<i32>} : memref<80x64xi32, #tpu.memory_space<vmem>>, vector<16xi32>,
        %bitcast3A_969 = vector.bitcast %get3A_913 : vector<16xi32> to vector<32xbf16>
        %bitcast3A_970 = vector.bitcast %get3A_937 : vector<16xi32> to vector<32xbf16>
        %mul3A_971 = arith.mulf %bitcast3A_969, %bitcast3A_970 : vector<32xbf16>
        %get3A_972 = arith.index_cast %min3A_965 : i32 to index
        %get3A_973 = arith.constant 16 : index
        %get3A_974 = tpu.vector_load %arg9[%get3A_972, %get3A_973] {strides = array<i32>} : memref<80x64xi32, #tpu.memory_space<vmem>>, vector<16xi32>,
        %bitcast3A_975 = vector.bitcast %get3A_919 : vector<16xi32> to vector<32xbf16>
        %bitcast3A_976 = vector.bitcast %get3A_941 : vector<16xi32> to vector<32xbf16>
        %mul3A_977 = arith.mulf %bitcast3A_975, %bitcast3A_976 : vector<32xbf16>
        %get3A_978 = arith.index_cast %min3A_965 : i32 to index
        %get3A_979 = arith.constant 32 : index
        %get3A_980 = tpu.vector_load %arg9[%get3A_978, %get3A_979] {strides = array<i32>} : memref<80x64xi32, #tpu.memory_space<vmem>>, vector<16xi32>,
        %bitcast3A_981 = vector.bitcast %get3A_925 : vector<16xi32> to vector<32xbf16>
        %bitcast3A_982 = vector.bitcast %get3A_945 : vector<16xi32> to vector<32xbf16>
        %mul3A_983 = arith.mulf %bitcast3A_981, %bitcast3A_982 : vector<32xbf16>
        %get3A_984 = arith.index_cast %min3A_965 : i32 to index
        %get3A_985 = arith.constant 48 : index
        %get3A_986 = tpu.vector_load %arg9[%get3A_984, %get3A_985] {strides = array<i32>} : memref<80x64xi32, #tpu.memory_space<vmem>>, vector<16xi32>,
        %bitcast3A_987 = vector.bitcast %get3A_931 : vector<16xi32> to vector<32xbf16>
        %bitcast3A_988 = vector.bitcast %get3A_949 : vector<16xi32> to vector<32xbf16>
        %mul3A_989 = arith.mulf %bitcast3A_987, %bitcast3A_988 : vector<32xbf16>
        %get3A_990 = arith.index_cast %min3A_965 : i32 to index
        %get3A_991 = arith.constant 0 : index
        %get3A_992 = tpu.vector_load %arg10[%get3A_990, %get3A_991] {strides = array<i32>} : memref<80x64xi32, #tpu.memory_space<vmem>>, vector<16xi32>,
        %add3A_993 = arith.addf %mul3A_971, %mul3A_977 : vector<32xbf16>
        %get3A_994 = arith.index_cast %min3A_965 : i32 to index
        %get3A_995 = arith.constant 16 : index
        %get3A_996 = tpu.vector_load %arg10[%get3A_994, %get3A_995] {strides = array<i32>} : memref<80x64xi32, #tpu.memory_space<vmem>>, vector<16xi32>,
        %add3A_997 = arith.addf %mul3A_983, %mul3A_989 : vector<32xbf16>
        %get3A_998 = arith.index_cast %min3A_965 : i32 to index
        %get3A_999 = arith.constant 32 : index
        %get3A_1000 = tpu.vector_load %arg10[%get3A_998, %get3A_999] {strides = array<i32>} : memref<80x64xi32, #tpu.memory_space<vmem>>, vector<16xi32>,
        %add3A_1001 = arith.addf %add3A_993, %add3A_997 : vector<32xbf16>
        %get3A_1002 = arith.index_cast %min3A_965 : i32 to index
        %get3A_1003 = arith.constant 48 : index
        %get3A_1004 = tpu.vector_load %arg10[%get3A_1002, %get3A_1003] {strides = array<i32>} : memref<80x64xi32, #tpu.memory_space<vmem>>, vector<16xi32>,
        %unpack3A_1005 = tpu.unpack_subelements %add3A_1001, 0 {pack_format = #tpu.pack_format<interleaved>} : vector<32xbf16> -> vector<16xf32>
        %unpack3A_1006 = tpu.unpack_subelements %add3A_1001, 1 {pack_format = #tpu.pack_format<interleaved>} : vector<32xbf16> -> vector<16xf32>
        %add3A_1007 = arith.addf %unpack3A_1005, %unpack3A_1006 : vector<16xf32>
        %cumsum3A_1008 = arith.constant true
        %cumsum3A_1009 = vector.broadcast %cumsum3A_1008 : i1 to vector<16xi1>
        %cumsum3A_1010 = tpu.scan <sum>, %add3A_1007 masked %cumsum3A_1009 : vector<16xf32>, vector<16xi1> -> vector<16xf32>
        %swap3A_1011 = arith.index_cast %add3A_961 : i32 to index
        %swap3A_1012 = tpu.vector_load %arg13[%swap3A_1011] masked %eq3A_100 {strides = array<i32>} : memref<96xf32, #tpu.memory_space<vmem>>, vector<16xf32>, vector<16xi1>
        tpu.vector_store %arg13[%swap3A_1011], %cumsum3A_1010 masked %eq3A_100 {strides = array<i32>} : memref<96xf32, #tpu.memory_space<vmem>>, vector<16xf32>, vector<16xi1>
        %mul3A_1013 = arith.constant 16 : i32
        %mul3A_1014 = arith.muli %scan3A_238, %mul3A_1013 : i32
        %add3A_1015 = arith.constant 14 : i32
        %add3A_1016 = arith.addi %mul3A_1014, %add3A_1015 : i32
        %add3A_1017 = arith.constant 1 : i32
        %add3A_1018 = arith.addi %add3A_1016, %add3A_1017 : i32
        %min3A_1019 = arith.constant 79 : i32
        %min3A_1020 = arith.minsi %add3A_1018, %min3A_1019 : i32
        %get3A_1021 = arith.index_cast %min3A_1020 : i32 to index
        %get3A_1022 = arith.constant 0 : index
        %get3A_1023 = tpu.vector_load %arg9[%get3A_1021, %get3A_1022] {strides = array<i32>} : memref<80x64xi32, #tpu.memory_space<vmem>>, vector<16xi32>,
        %bitcast3A_1024 = vector.bitcast %get3A_968 : vector<16xi32> to vector<32xbf16>
        %bitcast3A_1025 = vector.bitcast %get3A_992 : vector<16xi32> to vector<32xbf16>
        %mul3A_1026 = arith.mulf %bitcast3A_1024, %bitcast3A_1025 : vector<32xbf16>
        %get3A_1027 = arith.index_cast %min3A_1020 : i32 to index
        %get3A_1028 = arith.constant 16 : index
        %get3A_1029 = tpu.vector_load %arg9[%get3A_1027, %get3A_1028] {strides = array<i32>} : memref<80x64xi32, #tpu.memory_space<vmem>>, vector<16xi32>,
        %bitcast3A_1030 = vector.bitcast %get3A_974 : vector<16xi32> to vector<32xbf16>
        %bitcast3A_1031 = vector.bitcast %get3A_996 : vector<16xi32> to vector<32xbf16>
        %mul3A_1032 = arith.mulf %bitcast3A_1030, %bitcast3A_1031 : vector<32xbf16>
        %get3A_1033 = arith.index_cast %min3A_1020 : i32 to index
        %get3A_1034 = arith.constant 32 : index
        %get3A_1035 = tpu.vector_load %arg9[%get3A_1033, %get3A_1034] {strides = array<i32>} : memref<80x64xi32, #tpu.memory_space<vmem>>, vector<16xi32>,
        %bitcast3A_1036 = vector.bitcast %get3A_980 : vector<16xi32> to vector<32xbf16>
        %bitcast3A_1037 = vector.bitcast %get3A_1000 : vector<16xi32> to vector<32xbf16>
        %mul3A_1038 = arith.mulf %bitcast3A_1036, %bitcast3A_1037 : vector<32xbf16>
        %get3A_1039 = arith.index_cast %min3A_1020 : i32 to index
        %get3A_1040 = arith.constant 48 : index
        %get3A_1041 = tpu.vector_load %arg9[%get3A_1039, %get3A_1040] {strides = array<i32>} : memref<80x64xi32, #tpu.memory_space<vmem>>, vector<16xi32>,
        %bitcast3A_1042 = vector.bitcast %get3A_986 : vector<16xi32> to vector<32xbf16>
        %bitcast3A_1043 = vector.bitcast %get3A_1004 : vector<16xi32> to vector<32xbf16>
        %mul3A_1044 = arith.mulf %bitcast3A_1042, %bitcast3A_1043 : vector<32xbf16>
        %get3A_1045 = arith.index_cast %min3A_1020 : i32 to index
        %get3A_1046 = arith.constant 0 : index
        %get3A_1047 = tpu.vector_load %arg10[%get3A_1045, %get3A_1046] {strides = array<i32>} : memref<80x64xi32, #tpu.memory_space<vmem>>, vector<16xi32>,
        %add3A_1048 = arith.addf %mul3A_1026, %mul3A_1032 : vector<32xbf16>
        %get3A_1049 = arith.index_cast %min3A_1020 : i32 to index
        %get3A_1050 = arith.constant 16 : index
        %get3A_1051 = tpu.vector_load %arg10[%get3A_1049, %get3A_1050] {strides = array<i32>} : memref<80x64xi32, #tpu.memory_space<vmem>>, vector<16xi32>,
        %add3A_1052 = arith.addf %mul3A_1038, %mul3A_1044 : vector<32xbf16>
        %get3A_1053 = arith.index_cast %min3A_1020 : i32 to index
        %get3A_1054 = arith.constant 32 : index
        %get3A_1055 = tpu.vector_load %arg10[%get3A_1053, %get3A_1054] {strides = array<i32>} : memref<80x64xi32, #tpu.memory_space<vmem>>, vector<16xi32>,
        %add3A_1056 = arith.addf %add3A_1048, %add3A_1052 : vector<32xbf16>
        %get3A_1057 = arith.index_cast %min3A_1020 : i32 to index
        %get3A_1058 = arith.constant 48 : index
        %get3A_1059 = tpu.vector_load %arg10[%get3A_1057, %get3A_1058] {strides = array<i32>} : memref<80x64xi32, #tpu.memory_space<vmem>>, vector<16xi32>,
        %unpack3A_1060 = tpu.unpack_subelements %add3A_1056, 0 {pack_format = #tpu.pack_format<interleaved>} : vector<32xbf16> -> vector<16xf32>
        %unpack3A_1061 = tpu.unpack_subelements %add3A_1056, 1 {pack_format = #tpu.pack_format<interleaved>} : vector<32xbf16> -> vector<16xf32>
        %add3A_1062 = arith.addf %unpack3A_1060, %unpack3A_1061 : vector<16xf32>
        %cumsum3A_1063 = arith.constant true
        %cumsum3A_1064 = vector.broadcast %cumsum3A_1063 : i1 to vector<16xi1>
        %cumsum3A_1065 = tpu.scan <sum>, %add3A_1062 masked %cumsum3A_1064 : vector<16xf32>, vector<16xi1> -> vector<16xf32>
        %swap3A_1066 = arith.index_cast %add3A_1016 : i32 to index
        %swap3A_1067 = tpu.vector_load %arg13[%swap3A_1066] masked %eq3A_100 {strides = array<i32>} : memref<96xf32, #tpu.memory_space<vmem>>, vector<16xf32>, vector<16xi1>
        tpu.vector_store %arg13[%swap3A_1066], %cumsum3A_1065 masked %eq3A_100 {strides = array<i32>} : memref<96xf32, #tpu.memory_space<vmem>>, vector<16xf32>, vector<16xi1>
        %mul3A_1068 = arith.constant 16 : i32
        %mul3A_1069 = arith.muli %scan3A_238, %mul3A_1068 : i32
        %add3A_1070 = arith.constant 15 : i32
        %add3A_1071 = arith.addi %mul3A_1069, %add3A_1070 : i32
        %add3A_1072 = arith.constant 1 : i32
        %add3A_1073 = arith.addi %add3A_1071, %add3A_1072 : i32
        %min3A_1074 = arith.constant 79 : i32
        %min3A_1075 = arith.minsi %add3A_1073, %min3A_1074 : i32
        %get3A_1076 = arith.index_cast %min3A_1075 : i32 to index
        %get3A_1077 = arith.constant 0 : index
        %get3A_1078 = tpu.vector_load %arg9[%get3A_1076, %get3A_1077] {strides = array<i32>} : memref<80x64xi32, #tpu.memory_space<vmem>>, vector<16xi32>,
        %bitcast3A_1079 = vector.bitcast %get3A_1023 : vector<16xi32> to vector<32xbf16>
        %bitcast3A_1080 = vector.bitcast %get3A_1047 : vector<16xi32> to vector<32xbf16>
        %mul3A_1081 = arith.mulf %bitcast3A_1079, %bitcast3A_1080 : vector<32xbf16>
        %get3A_1082 = arith.index_cast %min3A_1075 : i32 to index
        %get3A_1083 = arith.constant 16 : index
        %get3A_1084 = tpu.vector_load %arg9[%get3A_1082, %get3A_1083] {strides = array<i32>} : memref<80x64xi32, #tpu.memory_space<vmem>>, vector<16xi32>,
        %bitcast3A_1085 = vector.bitcast %get3A_1029 : vector<16xi32> to vector<32xbf16>
        %bitcast3A_1086 = vector.bitcast %get3A_1051 : vector<16xi32> to vector<32xbf16>
        %mul3A_1087 = arith.mulf %bitcast3A_1085, %bitcast3A_1086 : vector<32xbf16>
        %get3A_1088 = arith.index_cast %min3A_1075 : i32 to index
        %get3A_1089 = arith.constant 32 : index
        %get3A_1090 = tpu.vector_load %arg9[%get3A_1088, %get3A_1089] {strides = array<i32>} : memref<80x64xi32, #tpu.memory_space<vmem>>, vector<16xi32>,
        %bitcast3A_1091 = vector.bitcast %get3A_1035 : vector<16xi32> to vector<32xbf16>
        %bitcast3A_1092 = vector.bitcast %get3A_1055 : vector<16xi32> to vector<32xbf16>
        %mul3A_1093 = arith.mulf %bitcast3A_1091, %bitcast3A_1092 : vector<32xbf16>
        %get3A_1094 = arith.index_cast %min3A_1075 : i32 to index
        %get3A_1095 = arith.constant 48 : index
        %get3A_1096 = tpu.vector_load %arg9[%get3A_1094, %get3A_1095] {strides = array<i32>} : memref<80x64xi32, #tpu.memory_space<vmem>>, vector<16xi32>,
        %bitcast3A_1097 = vector.bitcast %get3A_1041 : vector<16xi32> to vector<32xbf16>
        %bitcast3A_1098 = vector.bitcast %get3A_1059 : vector<16xi32> to vector<32xbf16>
        %mul3A_1099 = arith.mulf %bitcast3A_1097, %bitcast3A_1098 : vector<32xbf16>
        %get3A_1100 = arith.index_cast %min3A_1075 : i32 to index
        %get3A_1101 = arith.constant 0 : index
        %get3A_1102 = tpu.vector_load %arg10[%get3A_1100, %get3A_1101] {strides = array<i32>} : memref<80x64xi32, #tpu.memory_space<vmem>>, vector<16xi32>,
        %add3A_1103 = arith.addf %mul3A_1081, %mul3A_1087 : vector<32xbf16>
        %get3A_1104 = arith.index_cast %min3A_1075 : i32 to index
        %get3A_1105 = arith.constant 16 : index
        %get3A_1106 = tpu.vector_load %arg10[%get3A_1104, %get3A_1105] {strides = array<i32>} : memref<80x64xi32, #tpu.memory_space<vmem>>, vector<16xi32>,
        %add3A_1107 = arith.addf %mul3A_1093, %mul3A_1099 : vector<32xbf16>
        %get3A_1108 = arith.index_cast %min3A_1075 : i32 to index
        %get3A_1109 = arith.constant 32 : index
        %get3A_1110 = tpu.vector_load %arg10[%get3A_1108, %get3A_1109] {strides = array<i32>} : memref<80x64xi32, #tpu.memory_space<vmem>>, vector<16xi32>,
        %add3A_1111 = arith.addf %add3A_1103, %add3A_1107 : vector<32xbf16>
        %get3A_1112 = arith.index_cast %min3A_1075 : i32 to index
        %get3A_1113 = arith.constant 48 : index
        %get3A_1114 = tpu.vector_load %arg10[%get3A_1112, %get3A_1113] {strides = array<i32>} : memref<80x64xi32, #tpu.memory_space<vmem>>, vector<16xi32>,
        %unpack3A_1115 = tpu.unpack_subelements %add3A_1111, 0 {pack_format = #tpu.pack_format<interleaved>} : vector<32xbf16> -> vector<16xf32>
        %unpack3A_1116 = tpu.unpack_subelements %add3A_1111, 1 {pack_format = #tpu.pack_format<interleaved>} : vector<32xbf16> -> vector<16xf32>
        %add3A_1117 = arith.addf %unpack3A_1115, %unpack3A_1116 : vector<16xf32>
        %cumsum3A_1118 = arith.constant true
        %cumsum3A_1119 = vector.broadcast %cumsum3A_1118 : i1 to vector<16xi1>
        %cumsum3A_1120 = tpu.scan <sum>, %add3A_1117 masked %cumsum3A_1119 : vector<16xf32>, vector<16xi1> -> vector<16xf32>
        %swap3A_1121 = arith.index_cast %add3A_1071 : i32 to index
        %swap3A_1122 = tpu.vector_load %arg13[%swap3A_1121] masked %eq3A_100 {strides = array<i32>} : memref<96xf32, #tpu.memory_space<vmem>>, vector<16xf32>, vector<16xi1>
        tpu.vector_store %arg13[%swap3A_1121], %cumsum3A_1120 masked %eq3A_100 {strides = array<i32>} : memref<96xf32, #tpu.memory_space<vmem>>, vector<16xf32>, vector<16xi1>
        scf.yield %get3A_1078, %get3A_1084, %get3A_1090, %get3A_1096, %get3A_1102, %get3A_1106, %get3A_1110, %get3A_1114 : vector<16xi32>, vector<16xi32>, vector<16xi32>, vector<16xi32>, vector<16xi32>, vector<16xi32>, vector<16xi32>, vector<16xi32>
      }
      %scan3A_137 = arith.constant 5 : i32
      %mul3A_138 = arith.constant 80 : i32
      %mul3A_139 = arith.muli %add3A_66, %mul3A_138 : i32
      %add3A_140 = arith.addi %mul3A_2, %mul3A_139 : i32
      %dma_start3A_141 = arith.constant 0 : i32
      %dma_start3A_142 = tpu.memref_slice %arg13[%dma_start3A_141] : memref<96xf32, #tpu.memory_space<vmem>> -> memref<80xf32, #tpu.memory_space<vmem>>
      %dma_start3A_143 = tpu.memref_slice %arg4[%add3A_140] : memref<640000xf32, #tpu.memory_space<hbm>> -> memref<80xf32, #tpu.memory_space<hbm>>
      %dma_start3A_144 = tpu.memref_slice %arg4[%add3A_140] : memref<640000xf32, #tpu.memory_space<hbm>> -> memref<80xf32, #tpu.memory_space<hbm>>
      %dma_start3A_145 = arith.constant 0 : i32
      %dma_start3A_146 = tpu.memref_slice %arg13[%dma_start3A_145] : memref<96xf32, #tpu.memory_space<vmem>> -> memref<80xf32, #tpu.memory_space<vmem>>
      tpu.enqueue_dma source(%dma_start3A_146 : memref<80xf32, #tpu.memory_space<vmem>>) target(%dma_start3A_144 : memref<80xf32, #tpu.memory_space<hbm>>) target_semaphore(%arg19 : memref<!tpu.dma_semaphore, #tpu.memory_space<semaphore_mem>>)
      %mul3A_147 = arith.constant 2 : i32
      %mul3A_148 = arith.muli %scan3A_62, %mul3A_147 : i32
      %add3A_149 = arith.constant 1 : i32
      %add3A_150 = arith.addi %mul3A_148, %add3A_149 : i32
      %dma_wait3A_151 = arith.constant 0 : i32
      %dma_wait3A_152 = arith.constant 0 : i32
      %dma_wait3A_153 = tpu.memref_slice %arg2[%dma_wait3A_151, %dma_wait3A_152] : memref<10000x64xi32, #tpu.memory_space<hbm>> -> memref<10000x64xi32, #tpu.memory_space<hbm>>
      tpu.wait_indirect_dma semaphore(%arg16 : memref<!tpu.dma_semaphore, #tpu.memory_space<semaphore_mem>>) src(%dma_wait3A_153 : memref<10000x64xi32, #tpu.memory_space<hbm>>) dst(%arg11 : memref<80x64xi32, #tpu.memory_space<vmem>>)
      %dma_wait3A_154 = arith.constant 0 : i32
      %dma_wait3A_155 = arith.constant 0 : i32
      %dma_wait3A_156 = tpu.memref_slice %arg2[%dma_wait3A_154, %dma_wait3A_155] : memref<10000x64xi32, #tpu.memory_space<hbm>> -> memref<10000x64xi32, #tpu.memory_space<hbm>>
      tpu.wait_indirect_dma semaphore(%arg16 : memref<!tpu.dma_semaphore, #tpu.memory_space<semaphore_mem>>) src(%dma_wait3A_156 : memref<10000x64xi32, #tpu.memory_space<hbm>>) dst(%arg12 : memref<80x64xi32, #tpu.memory_space<vmem>>)
      %add3A_157 = arith.constant 0 : i32
      %add3A_158 = arith.addi %mul3A_2, %add3A_157 : i32
      %dma_wait3A_159 = tpu.memref_slice %arg3[%add3A_158] : memref<1280000xi32, #tpu.memory_space<hbm>> -> memref<80xi32, #tpu.memory_space<hbm>>
      %dma_wait3A_160 = tpu.memref_slice %arg3[%add3A_158] : memref<1280000xi32, #tpu.memory_space<hbm>> -> memref<80xi32, #tpu.memory_space<hbm>>
      tpu.wait_dma2 semaphore(%arg17 : memref<!tpu.dma_semaphore, #tpu.memory_space<semaphore_mem>>) src(%dma_wait3A_160 : memref<80xi32, #tpu.memory_space<hbm>>) dst(%arg5 : memref<80xi32, #tpu.memory_space<vmem>>)
      %dma_wait3A_161 = tpu.memref_slice %arg3[%add3A_158] : memref<1280000xi32, #tpu.memory_space<hbm>> -> memref<80xi32, #tpu.memory_space<hbm>>
      %dma_wait3A_162 = tpu.memref_slice %arg3[%add3A_158] : memref<1280000xi32, #tpu.memory_space<hbm>> -> memref<80xi32, #tpu.memory_space<hbm>>
      tpu.wait_dma2 semaphore(%arg17 : memref<!tpu.dma_semaphore, #tpu.memory_space<semaphore_mem>>) src(%dma_wait3A_162 : memref<80xi32, #tpu.memory_space<hbm>>) dst(%arg6 : memref<80xi32, #tpu.memory_space<vmem>>)
      %dma_start3A_163 = arith.constant 0 : i32
      %dma_start3A_164 = arith.constant 0 : i32
      %dma_start3A_165 = tpu.memref_slice %arg2[%dma_start3A_163, %dma_start3A_164] : memref<10000x64xi32, #tpu.memory_space<hbm>> -> memref<10000x64xi32, #tpu.memory_space<hbm>>
      tpu.enqueue_indirect_dma source(%dma_start3A_165 : memref<10000x64xi32, #tpu.memory_space<hbm>>) target(%arg9 : memref<80x64xi32, #tpu.memory_space<vmem>>) offsets(%arg5 : memref<80xi32, #tpu.memory_space<vmem>>) semaphore(%arg15 : memref<!tpu.dma_semaphore, #tpu.memory_space<semaphore_mem>>)
      %dma_start3A_166 = arith.constant 0 : i32
      %dma_start3A_167 = arith.constant 0 : i32
      %dma_start3A_168 = tpu.memref_slice %arg2[%dma_start3A_166, %dma_start3A_167] : memref<10000x64xi32, #tpu.memory_space<hbm>> -> memref<10000x64xi32, #tpu.memory_space<hbm>>
      tpu.enqueue_indirect_dma source(%dma_start3A_168 : memref<10000x64xi32, #tpu.memory_space<hbm>>) target(%arg10 : memref<80x64xi32, #tpu.memory_space<vmem>>) offsets(%arg6 : memref<80xi32, #tpu.memory_space<vmem>>) semaphore(%arg15 : memref<!tpu.dma_semaphore, #tpu.memory_space<semaphore_mem>>)
      %add3A_169 = arith.constant 2 : i32
      %add3A_170 = arith.addi %add3A_150, %add3A_169 : i32
      %min3A_171 = arith.constant 249 : i32
      %min3A_172 = arith.minsi %add3A_170, %min3A_171 : i32
      %mul3A_173 = arith.constant 80 : i32
      %mul3A_174 = arith.muli %min3A_172, %mul3A_173 : i32
      %add3A_175 = arith.addi %mul3A_2, %mul3A_174 : i32
      %dma_start3A_176 = tpu.memref_slice %arg3[%add3A_175] : memref<1280000xi32, #tpu.memory_space<hbm>> -> memref<80xi32, #tpu.memory_space<hbm>>
      %dma_start3A_177 = tpu.memref_slice %arg3[%add3A_175] : memref<1280000xi32, #tpu.memory_space<hbm>> -> memref<80xi32, #tpu.memory_space<hbm>>
      tpu.enqueue_dma source(%dma_start3A_177 : memref<80xi32, #tpu.memory_space<hbm>>) target(%arg7 : memref<80xi32, #tpu.memory_space<vmem>>) target_semaphore(%arg18 : memref<!tpu.dma_semaphore, #tpu.memory_space<semaphore_mem>>)
      %add3A_178 = arith.constant 640000 : i32
      %add3A_179 = arith.addi %add3A_178, %add3A_175 : i32
      %dma_start3A_180 = tpu.memref_slice %arg3[%add3A_179] : memref<1280000xi32, #tpu.memory_space<hbm>> -> memref<80xi32, #tpu.memory_space<hbm>>
      %dma_start3A_181 = tpu.memref_slice %arg3[%add3A_179] : memref<1280000xi32, #tpu.memory_space<hbm>> -> memref<80xi32, #tpu.memory_space<hbm>>
      tpu.enqueue_dma source(%dma_start3A_181 : memref<80xi32, #tpu.memory_space<hbm>>) target(%arg8 : memref<80xi32, #tpu.memory_space<vmem>>) target_semaphore(%arg18 : memref<!tpu.dma_semaphore, #tpu.memory_space<semaphore_mem>>)
      %gt3A_182 = arith.constant 0 : i32
      %gt3A_183 = arith.cmpi sgt, %scan3A_62, %gt3A_182 : i32
      %convert_element_type3A_184 = arith.extui %gt3A_183 : i1 to i32
      %cond3A_185 = arith.constant 0 : i32
      %cond3A_186 = arith.cmpi ne, %convert_element_type3A_184, %cond3A_185 : i32
      scf.if %cond3A_186 {
        %dma_wait3A_238 = arith.constant 0 : i32
        %dma_wait3A_239 = tpu.memref_slice %arg14[%dma_wait3A_238] : memref<96xf32, #tpu.memory_space<vmem>> -> memref<80xf32, #tpu.memory_space<vmem>>
        %dma_wait3A_240 = arith.constant 0 : i32
        %dma_wait3A_241 = tpu.memref_slice %arg4[%dma_wait3A_240] : memref<640000xf32, #tpu.memory_space<hbm>> -> memref<80xf32, #tpu.memory_space<hbm>>
        %dma_wait3A_242 = arith.constant 0 : i32
        %dma_wait3A_243 = tpu.memref_slice %arg4[%dma_wait3A_242] : memref<640000xf32, #tpu.memory_space<hbm>> -> memref<80xf32, #tpu.memory_space<hbm>>
        %dma_wait3A_244 = arith.constant 0 : i32
        %dma_wait3A_245 = tpu.memref_slice %arg14[%dma_wait3A_244] : memref<96xf32, #tpu.memory_space<vmem>> -> memref<80xf32, #tpu.memory_space<vmem>>
        tpu.wait_dma2 semaphore(%arg20 : memref<!tpu.dma_semaphore, #tpu.memory_space<semaphore_mem>>) src(%dma_wait3A_245 : memref<80xf32, #tpu.memory_space<vmem>>) dst(%dma_wait3A_243 : memref<80xf32, #tpu.memory_space<hbm>>)
      } else {
      }
      %iota3A_187 = tpu.iota {dimensions = array<i32: 0>} : vector<16xi32>
      %eq3A_188 = arith.constant 15 : i32
      %eq3A_189 = vector.broadcast %eq3A_188 : i32 to vector<16xi32>
      %eq3A_190 = arith.cmpi eq, %iota3A_187, %eq3A_189 : vector<16xi32>
      %get3A_191 = arith.constant 0 : i32
      %get3A_192 = arith.index_cast %get3A_191 : i32 to index
      %get3A_193 = arith.constant 0 : index
      %get3A_194 = tpu.vector_load %arg11[%get3A_192, %get3A_193] {strides = array<i32>} : memref<80x64xi32, #tpu.memory_space<vmem>>, vector<16xi32>,
      %get3A_195 = arith.constant 0 : i32
      %get3A_196 = arith.index_cast %get3A_195 : i32 to index
      %get3A_197 = arith.constant 16 : index
      %get3A_198 = tpu.vector_load %arg11[%get3A_196, %get3A_197] {strides = array<i32>} : memref<80x64xi32, #tpu.memory_space<vmem>>, vector<16xi32>,
      %get3A_199 = arith.constant 0 : i32
      %get3A_200 = arith.index_cast %get3A_199 : i32 to index
      %get3A_201 = arith.constant 32 : index
      %get3A_202 = tpu.vector_load %arg11[%get3A_200, %get3A_201] {strides = array<i32>} : memref<80x64xi32, #tpu.memory_space<vmem>>, vector<16xi32>,
      %get3A_203 = arith.constant 0 : i32
      %get3A_204 = arith.index_cast %get3A_203 : i32 to index
      %get3A_205 = arith.constant 48 : index
      %get3A_206 = tpu.vector_load %arg11[%get3A_204, %get3A_205] {strides = array<i32>} : memref<80x64xi32, #tpu.memory_space<vmem>>, vector<16xi32>,
      %get3A_207 = arith.constant 0 : i32
      %get3A_208 = arith.index_cast %get3A_207 : i32 to index
      %get3A_209 = arith.constant 0 : index
      %get3A_210 = tpu.vector_load %arg12[%get3A_208, %get3A_209] {strides = array<i32>} : memref<80x64xi32, #tpu.memory_space<vmem>>, vector<16xi32>,
      %get3A_211 = arith.constant 0 : i32
      %get3A_212 = arith.index_cast %get3A_211 : i32 to index
      %get3A_213 = arith.constant 16 : index
      %get3A_214 = tpu.vector_load %arg12[%get3A_212, %get3A_213] {strides = array<i32>} : memref<80x64xi32, #tpu.memory_space<vmem>>, vector<16xi32>,
      %get3A_215 = arith.constant 0 : i32
      %get3A_216 = arith.index_cast %get3A_215 : i32 to index
      %get3A_217 = arith.constant 32 : index
      %get3A_218 = tpu.vector_load %arg12[%get3A_216, %get3A_217] {strides = array<i32>} : memref<80x64xi32, #tpu.memory_space<vmem>>, vector<16xi32>,
      %get3A_219 = arith.constant 0 : i32
      %get3A_220 = arith.index_cast %get3A_219 : i32 to index
      %get3A_221 = arith.constant 48 : index
      %get3A_222 = tpu.vector_load %arg12[%get3A_220, %get3A_221] {strides = array<i32>} : memref<80x64xi32, #tpu.memory_space<vmem>>, vector<16xi32>,
      %scan3A_223 = arith.constant 0 : i32
      %scan3A_224 = arith.constant 5 : i32
      %scan3A_225 = arith.addi %scan3A_223, %scan3A_224 : i32
      %scan3A_226 = arith.constant 1 : i32
      %scan3A_227:8 = scf.for %scan3A_238 = %scan3A_223 to %scan3A_225 step %scan3A_226 iter_args(%scan3A_239 = %get3A_194, %scan3A_240 = %get3A_198, %scan3A_241 = %get3A_202, %scan3A_242 = %get3A_206, %scan3A_243 = %get3A_210, %scan3A_244 = %get3A_214, %scan3A_245 = %get3A_218, %scan3A_246 = %get3A_222) -> (vector<16xi32>, vector<16xi32>, vector<16xi32>, vector<16xi32>, vector<16xi32>, vector<16xi32>, vector<16xi32>, vector<16xi32>)  : i32 {
        %mul3A_247 = arith.constant 16 : i32
        %mul3A_248 = arith.muli %scan3A_238, %mul3A_247 : i32
        %add3A_249 = arith.constant 0 : i32
        %add3A_250 = arith.addi %mul3A_248, %add3A_249 : i32
        %add3A_251 = arith.constant 1 : i32
        %add3A_252 = arith.addi %add3A_250, %add3A_251 : i32
        %min3A_253 = arith.constant 79 : i32
        %min3A_254 = arith.minsi %add3A_252, %min3A_253 : i32
        %get3A_255 = arith.index_cast %min3A_254 : i32 to index
        %get3A_256 = arith.constant 0 : index
        %get3A_257 = tpu.vector_load %arg11[%get3A_255, %get3A_256] {strides = array<i32>} : memref<80x64xi32, #tpu.memory_space<vmem>>, vector<16xi32>,
        %bitcast3A = vector.bitcast %scan3A_239 : vector<16xi32> to vector<32xbf16>
        %bitcast3A_258 = vector.bitcast %scan3A_243 : vector<16xi32> to vector<32xbf16>
        %mul3A_259 = arith.mulf %bitcast3A, %bitcast3A_258 : vector<32xbf16>
        %get3A_260 = arith.index_cast %min3A_254 : i32 to index
        %get3A_261 = arith.constant 16 : index
        %get3A_262 = tpu.vector_load %arg11[%get3A_260, %get3A_261] {strides = array<i32>} : memref<80x64xi32, #tpu.memory_space<vmem>>, vector<16xi32>,
        %bitcast3A_263 = vector.bitcast %scan3A_240 : vector<16xi32> to vector<32xbf16>
        %bitcast3A_264 = vector.bitcast %scan3A_244 : vector<16xi32> to vector<32xbf16>
        %mul3A_265 = arith.mulf %bitcast3A_263, %bitcast3A_264 : vector<32xbf16>
        %get3A_266 = arith.index_cast %min3A_254 : i32 to index
        %get3A_267 = arith.constant 32 : index
        %get3A_268 = tpu.vector_load %arg11[%get3A_266, %get3A_267] {strides = array<i32>} : memref<80x64xi32, #tpu.memory_space<vmem>>, vector<16xi32>,
        %bitcast3A_269 = vector.bitcast %scan3A_241 : vector<16xi32> to vector<32xbf16>
        %bitcast3A_270 = vector.bitcast %scan3A_245 : vector<16xi32> to vector<32xbf16>
        %mul3A_271 = arith.mulf %bitcast3A_269, %bitcast3A_270 : vector<32xbf16>
        %get3A_272 = arith.index_cast %min3A_254 : i32 to index
        %get3A_273 = arith.constant 48 : index
        %get3A_274 = tpu.vector_load %arg11[%get3A_272, %get3A_273] {strides = array<i32>} : memref<80x64xi32, #tpu.memory_space<vmem>>, vector<16xi32>,
        %bitcast3A_275 = vector.bitcast %scan3A_242 : vector<16xi32> to vector<32xbf16>
        %bitcast3A_276 = vector.bitcast %scan3A_246 : vector<16xi32> to vector<32xbf16>
        %mul3A_277 = arith.mulf %bitcast3A_275, %bitcast3A_276 : vector<32xbf16>
        %get3A_278 = arith.index_cast %min3A_254 : i32 to index
        %get3A_279 = arith.constant 0 : index
        %get3A_280 = tpu.vector_load %arg12[%get3A_278, %get3A_279] {strides = array<i32>} : memref<80x64xi32, #tpu.memory_space<vmem>>, vector<16xi32>,
        %add3A_281 = arith.addf %mul3A_259, %mul3A_265 : vector<32xbf16>
        %get3A_282 = arith.index_cast %min3A_254 : i32 to index
        %get3A_283 = arith.constant 16 : index
        %get3A_284 = tpu.vector_load %arg12[%get3A_282, %get3A_283] {strides = array<i32>} : memref<80x64xi32, #tpu.memory_space<vmem>>, vector<16xi32>,
        %add3A_285 = arith.addf %mul3A_271, %mul3A_277 : vector<32xbf16>
        %get3A_286 = arith.index_cast %min3A_254 : i32 to index
        %get3A_287 = arith.constant 32 : index
        %get3A_288 = tpu.vector_load %arg12[%get3A_286, %get3A_287] {strides = array<i32>} : memref<80x64xi32, #tpu.memory_space<vmem>>, vector<16xi32>,
        %add3A_289 = arith.addf %add3A_281, %add3A_285 : vector<32xbf16>
        %get3A_290 = arith.index_cast %min3A_254 : i32 to index
        %get3A_291 = arith.constant 48 : index
        %get3A_292 = tpu.vector_load %arg12[%get3A_290, %get3A_291] {strides = array<i32>} : memref<80x64xi32, #tpu.memory_space<vmem>>, vector<16xi32>,
        %unpack3A = tpu.unpack_subelements %add3A_289, 0 {pack_format = #tpu.pack_format<interleaved>} : vector<32xbf16> -> vector<16xf32>
        %unpack3A_293 = tpu.unpack_subelements %add3A_289, 1 {pack_format = #tpu.pack_format<interleaved>} : vector<32xbf16> -> vector<16xf32>
        %add3A_294 = arith.addf %unpack3A, %unpack3A_293 : vector<16xf32>
        %cumsum3A = arith.constant true
        %cumsum3A_295 = vector.broadcast %cumsum3A : i1 to vector<16xi1>
        %cumsum3A_296 = tpu.scan <sum>, %add3A_294 masked %cumsum3A_295 : vector<16xf32>, vector<16xi1> -> vector<16xf32>
        %swap3A = arith.index_cast %add3A_250 : i32 to index
        %swap3A_297 = tpu.vector_load %arg14[%swap3A] masked %eq3A_190 {strides = array<i32>} : memref<96xf32, #tpu.memory_space<vmem>>, vector<16xf32>, vector<16xi1>
        tpu.vector_store %arg14[%swap3A], %cumsum3A_296 masked %eq3A_190 {strides = array<i32>} : memref<96xf32, #tpu.memory_space<vmem>>, vector<16xf32>, vector<16xi1>
        %mul3A_298 = arith.constant 16 : i32
        %mul3A_299 = arith.muli %scan3A_238, %mul3A_298 : i32
        %add3A_300 = arith.constant 1 : i32
        %add3A_301 = arith.addi %mul3A_299, %add3A_300 : i32
        %add3A_302 = arith.constant 1 : i32
        %add3A_303 = arith.addi %add3A_301, %add3A_302 : i32
        %min3A_304 = arith.constant 79 : i32
        %min3A_305 = arith.minsi %add3A_303, %min3A_304 : i32
        %get3A_306 = arith.index_cast %min3A_305 : i32 to index
        %get3A_307 = arith.constant 0 : index
        %get3A_308 = tpu.vector_load %arg11[%get3A_306, %get3A_307] {strides = array<i32>} : memref<80x64xi32, #tpu.memory_space<vmem>>, vector<16xi32>,
        %bitcast3A_309 = vector.bitcast %get3A_257 : vector<16xi32> to vector<32xbf16>
        %bitcast3A_310 = vector.bitcast %get3A_280 : vector<16xi32> to vector<32xbf16>
        %mul3A_311 = arith.mulf %bitcast3A_309, %bitcast3A_310 : vector<32xbf16>
        %get3A_312 = arith.index_cast %min3A_305 : i32 to index
        %get3A_313 = arith.constant 16 : index
        %get3A_314 = tpu.vector_load %arg11[%get3A_312, %get3A_313] {strides = array<i32>} : memref<80x64xi32, #tpu.memory_space<vmem>>, vector<16xi32>,
        %bitcast3A_315 = vector.bitcast %get3A_262 : vector<16xi32> to vector<32xbf16>
        %bitcast3A_316 = vector.bitcast %get3A_284 : vector<16xi32> to vector<32xbf16>
        %mul3A_317 = arith.mulf %bitcast3A_315, %bitcast3A_316 : vector<32xbf16>
        %get3A_318 = arith.index_cast %min3A_305 : i32 to index
        %get3A_319 = arith.constant 32 : index
        %get3A_320 = tpu.vector_load %arg11[%get3A_318, %get3A_319] {strides = array<i32>} : memref<80x64xi32, #tpu.memory_space<vmem>>, vector<16xi32>,
        %bitcast3A_321 = vector.bitcast %get3A_268 : vector<16xi32> to vector<32xbf16>
        %bitcast3A_322 = vector.bitcast %get3A_288 : vector<16xi32> to vector<32xbf16>
        %mul3A_323 = arith.mulf %bitcast3A_321, %bitcast3A_322 : vector<32xbf16>
        %get3A_324 = arith.index_cast %min3A_305 : i32 to index
        %get3A_325 = arith.constant 48 : index
        %get3A_326 = tpu.vector_load %arg11[%get3A_324, %get3A_325] {strides = array<i32>} : memref<80x64xi32, #tpu.memory_space<vmem>>, vector<16xi32>,
        %bitcast3A_327 = vector.bitcast %get3A_274 : vector<16xi32> to vector<32xbf16>
        %bitcast3A_328 = vector.bitcast %get3A_292 : vector<16xi32> to vector<32xbf16>
        %mul3A_329 = arith.mulf %bitcast3A_327, %bitcast3A_328 : vector<32xbf16>
        %get3A_330 = arith.index_cast %min3A_305 : i32 to index
        %get3A_331 = arith.constant 0 : index
        %get3A_332 = tpu.vector_load %arg12[%get3A_330, %get3A_331] {strides = array<i32>} : memref<80x64xi32, #tpu.memory_space<vmem>>, vector<16xi32>,
        %add3A_333 = arith.addf %mul3A_311, %mul3A_317 : vector<32xbf16>
        %get3A_334 = arith.index_cast %min3A_305 : i32 to index
        %get3A_335 = arith.constant 16 : index
        %get3A_336 = tpu.vector_load %arg12[%get3A_334, %get3A_335] {strides = array<i32>} : memref<80x64xi32, #tpu.memory_space<vmem>>, vector<16xi32>,
        %add3A_337 = arith.addf %mul3A_323, %mul3A_329 : vector<32xbf16>
        %get3A_338 = arith.index_cast %min3A_305 : i32 to index
        %get3A_339 = arith.constant 32 : index
        %get3A_340 = tpu.vector_load %arg12[%get3A_338, %get3A_339] {strides = array<i32>} : memref<80x64xi32, #tpu.memory_space<vmem>>, vector<16xi32>,
        %add3A_341 = arith.addf %add3A_333, %add3A_337 : vector<32xbf16>
        %get3A_342 = arith.index_cast %min3A_305 : i32 to index
        %get3A_343 = arith.constant 48 : index
        %get3A_344 = tpu.vector_load %arg12[%get3A_342, %get3A_343] {strides = array<i32>} : memref<80x64xi32, #tpu.memory_space<vmem>>, vector<16xi32>,
        %unpack3A_345 = tpu.unpack_subelements %add3A_341, 0 {pack_format = #tpu.pack_format<interleaved>} : vector<32xbf16> -> vector<16xf32>
        %unpack3A_346 = tpu.unpack_subelements %add3A_341, 1 {pack_format = #tpu.pack_format<interleaved>} : vector<32xbf16> -> vector<16xf32>
        %add3A_347 = arith.addf %unpack3A_345, %unpack3A_346 : vector<16xf32>
        %cumsum3A_348 = arith.constant true
        %cumsum3A_349 = vector.broadcast %cumsum3A_348 : i1 to vector<16xi1>
        %cumsum3A_350 = tpu.scan <sum>, %add3A_347 masked %cumsum3A_349 : vector<16xf32>, vector<16xi1> -> vector<16xf32>
        %swap3A_351 = arith.index_cast %add3A_301 : i32 to index
        %swap3A_352 = tpu.vector_load %arg14[%swap3A_351] masked %eq3A_190 {strides = array<i32>} : memref<96xf32, #tpu.memory_space<vmem>>, vector<16xf32>, vector<16xi1>
        tpu.vector_store %arg14[%swap3A_351], %cumsum3A_350 masked %eq3A_190 {strides = array<i32>} : memref<96xf32, #tpu.memory_space<vmem>>, vector<16xf32>, vector<16xi1>
        %mul3A_353 = arith.constant 16 : i32
        %mul3A_354 = arith.muli %scan3A_238, %mul3A_353 : i32
        %add3A_355 = arith.constant 2 : i32
        %add3A_356 = arith.addi %mul3A_354, %add3A_355 : i32
        %add3A_357 = arith.constant 1 : i32
        %add3A_358 = arith.addi %add3A_356, %add3A_357 : i32
        %min3A_359 = arith.constant 79 : i32
        %min3A_360 = arith.minsi %add3A_358, %min3A_359 : i32
        %get3A_361 = arith.index_cast %min3A_360 : i32 to index
        %get3A_362 = arith.constant 0 : index
        %get3A_363 = tpu.vector_load %arg11[%get3A_361, %get3A_362] {strides = array<i32>} : memref<80x64xi32, #tpu.memory_space<vmem>>, vector<16xi32>,
        %bitcast3A_364 = vector.bitcast %get3A_308 : vector<16xi32> to vector<32xbf16>
        %bitcast3A_365 = vector.bitcast %get3A_332 : vector<16xi32> to vector<32xbf16>
        %mul3A_366 = arith.mulf %bitcast3A_364, %bitcast3A_365 : vector<32xbf16>
        %get3A_367 = arith.index_cast %min3A_360 : i32 to index
        %get3A_368 = arith.constant 16 : index
        %get3A_369 = tpu.vector_load %arg11[%get3A_367, %get3A_368] {strides = array<i32>} : memref<80x64xi32, #tpu.memory_space<vmem>>, vector<16xi32>,
        %bitcast3A_370 = vector.bitcast %get3A_314 : vector<16xi32> to vector<32xbf16>
        %bitcast3A_371 = vector.bitcast %get3A_336 : vector<16xi32> to vector<32xbf16>
        %mul3A_372 = arith.mulf %bitcast3A_370, %bitcast3A_371 : vector<32xbf16>
        %get3A_373 = arith.index_cast %min3A_360 : i32 to index
        %get3A_374 = arith.constant 32 : index
        %get3A_375 = tpu.vector_load %arg11[%get3A_373, %get3A_374] {strides = array<i32>} : memref<80x64xi32, #tpu.memory_space<vmem>>, vector<16xi32>,
        %bitcast3A_376 = vector.bitcast %get3A_320 : vector<16xi32> to vector<32xbf16>
        %bitcast3A_377 = vector.bitcast %get3A_340 : vector<16xi32> to vector<32xbf16>
        %mul3A_378 = arith.mulf %bitcast3A_376, %bitcast3A_377 : vector<32xbf16>
        %get3A_379 = arith.index_cast %min3A_360 : i32 to index
        %get3A_380 = arith.constant 48 : index
        %get3A_381 = tpu.vector_load %arg11[%get3A_379, %get3A_380] {strides = array<i32>} : memref<80x64xi32, #tpu.memory_space<vmem>>, vector<16xi32>,
        %bitcast3A_382 = vector.bitcast %get3A_326 : vector<16xi32> to vector<32xbf16>
        %bitcast3A_383 = vector.bitcast %get3A_344 : vector<16xi32> to vector<32xbf16>
        %mul3A_384 = arith.mulf %bitcast3A_382, %bitcast3A_383 : vector<32xbf16>
        %get3A_385 = arith.index_cast %min3A_360 : i32 to index
        %get3A_386 = arith.constant 0 : index
        %get3A_387 = tpu.vector_load %arg12[%get3A_385, %get3A_386] {strides = array<i32>} : memref<80x64xi32, #tpu.memory_space<vmem>>, vector<16xi32>,
        %add3A_388 = arith.addf %mul3A_366, %mul3A_372 : vector<32xbf16>
        %get3A_389 = arith.index_cast %min3A_360 : i32 to index
        %get3A_390 = arith.constant 16 : index
        %get3A_391 = tpu.vector_load %arg12[%get3A_389, %get3A_390] {strides = array<i32>} : memref<80x64xi32, #tpu.memory_space<vmem>>, vector<16xi32>,
        %add3A_392 = arith.addf %mul3A_378, %mul3A_384 : vector<32xbf16>
        %get3A_393 = arith.index_cast %min3A_360 : i32 to index
        %get3A_394 = arith.constant 32 : index
        %get3A_395 = tpu.vector_load %arg12[%get3A_393, %get3A_394] {strides = array<i32>} : memref<80x64xi32, #tpu.memory_space<vmem>>, vector<16xi32>,
        %add3A_396 = arith.addf %add3A_388, %add3A_392 : vector<32xbf16>
        %get3A_397 = arith.index_cast %min3A_360 : i32 to index
        %get3A_398 = arith.constant 48 : index
        %get3A_399 = tpu.vector_load %arg12[%get3A_397, %get3A_398] {strides = array<i32>} : memref<80x64xi32, #tpu.memory_space<vmem>>, vector<16xi32>,
        %unpack3A_400 = tpu.unpack_subelements %add3A_396, 0 {pack_format = #tpu.pack_format<interleaved>} : vector<32xbf16> -> vector<16xf32>
        %unpack3A_401 = tpu.unpack_subelements %add3A_396, 1 {pack_format = #tpu.pack_format<interleaved>} : vector<32xbf16> -> vector<16xf32>
        %add3A_402 = arith.addf %unpack3A_400, %unpack3A_401 : vector<16xf32>
        %cumsum3A_403 = arith.constant true
        %cumsum3A_404 = vector.broadcast %cumsum3A_403 : i1 to vector<16xi1>
        %cumsum3A_405 = tpu.scan <sum>, %add3A_402 masked %cumsum3A_404 : vector<16xf32>, vector<16xi1> -> vector<16xf32>
        %swap3A_406 = arith.index_cast %add3A_356 : i32 to index
        %swap3A_407 = tpu.vector_load %arg14[%swap3A_406] masked %eq3A_190 {strides = array<i32>} : memref<96xf32, #tpu.memory_space<vmem>>, vector<16xf32>, vector<16xi1>
        tpu.vector_store %arg14[%swap3A_406], %cumsum3A_405 masked %eq3A_190 {strides = array<i32>} : memref<96xf32, #tpu.memory_space<vmem>>, vector<16xf32>, vector<16xi1>
        %mul3A_408 = arith.constant 16 : i32
        %mul3A_409 = arith.muli %scan3A_238, %mul3A_408 : i32
        %add3A_410 = arith.constant 3 : i32
        %add3A_411 = arith.addi %mul3A_409, %add3A_410 : i32
        %add3A_412 = arith.constant 1 : i32
        %add3A_413 = arith.addi %add3A_411, %add3A_412 : i32
        %min3A_414 = arith.constant 79 : i32
        %min3A_415 = arith.minsi %add3A_413, %min3A_414 : i32
        %get3A_416 = arith.index_cast %min3A_415 : i32 to index
        %get3A_417 = arith.constant 0 : index
        %get3A_418 = tpu.vector_load %arg11[%get3A_416, %get3A_417] {strides = array<i32>} : memref<80x64xi32, #tpu.memory_space<vmem>>, vector<16xi32>,
        %bitcast3A_419 = vector.bitcast %get3A_363 : vector<16xi32> to vector<32xbf16>
        %bitcast3A_420 = vector.bitcast %get3A_387 : vector<16xi32> to vector<32xbf16>
        %mul3A_421 = arith.mulf %bitcast3A_419, %bitcast3A_420 : vector<32xbf16>
        %get3A_422 = arith.index_cast %min3A_415 : i32 to index
        %get3A_423 = arith.constant 16 : index
        %get3A_424 = tpu.vector_load %arg11[%get3A_422, %get3A_423] {strides = array<i32>} : memref<80x64xi32, #tpu.memory_space<vmem>>, vector<16xi32>,
        %bitcast3A_425 = vector.bitcast %get3A_369 : vector<16xi32> to vector<32xbf16>
        %bitcast3A_426 = vector.bitcast %get3A_391 : vector<16xi32> to vector<32xbf16>
        %mul3A_427 = arith.mulf %bitcast3A_425, %bitcast3A_426 : vector<32xbf16>
        %get3A_428 = arith.index_cast %min3A_415 : i32 to index
        %get3A_429 = arith.constant 32 : index
        %get3A_430 = tpu.vector_load %arg11[%get3A_428, %get3A_429] {strides = array<i32>} : memref<80x64xi32, #tpu.memory_space<vmem>>, vector<16xi32>,
        %bitcast3A_431 = vector.bitcast %get3A_375 : vector<16xi32> to vector<32xbf16>
        %bitcast3A_432 = vector.bitcast %get3A_395 : vector<16xi32> to vector<32xbf16>
        %mul3A_433 = arith.mulf %bitcast3A_431, %bitcast3A_432 : vector<32xbf16>
        %get3A_434 = arith.index_cast %min3A_415 : i32 to index
        %get3A_435 = arith.constant 48 : index
        %get3A_436 = tpu.vector_load %arg11[%get3A_434, %get3A_435] {strides = array<i32>} : memref<80x64xi32, #tpu.memory_space<vmem>>, vector<16xi32>,
        %bitcast3A_437 = vector.bitcast %get3A_381 : vector<16xi32> to vector<32xbf16>
        %bitcast3A_438 = vector.bitcast %get3A_399 : vector<16xi32> to vector<32xbf16>
        %mul3A_439 = arith.mulf %bitcast3A_437, %bitcast3A_438 : vector<32xbf16>
        %get3A_440 = arith.index_cast %min3A_415 : i32 to index
        %get3A_441 = arith.constant 0 : index
        %get3A_442 = tpu.vector_load %arg12[%get3A_440, %get3A_441] {strides = array<i32>} : memref<80x64xi32, #tpu.memory_space<vmem>>, vector<16xi32>,
        %add3A_443 = arith.addf %mul3A_421, %mul3A_427 : vector<32xbf16>
        %get3A_444 = arith.index_cast %min3A_415 : i32 to index
        %get3A_445 = arith.constant 16 : index
        %get3A_446 = tpu.vector_load %arg12[%get3A_444, %get3A_445] {strides = array<i32>} : memref<80x64xi32, #tpu.memory_space<vmem>>, vector<16xi32>,
        %add3A_447 = arith.addf %mul3A_433, %mul3A_439 : vector<32xbf16>
        %get3A_448 = arith.index_cast %min3A_415 : i32 to index
        %get3A_449 = arith.constant 32 : index
        %get3A_450 = tpu.vector_load %arg12[%get3A_448, %get3A_449] {strides = array<i32>} : memref<80x64xi32, #tpu.memory_space<vmem>>, vector<16xi32>,
        %add3A_451 = arith.addf %add3A_443, %add3A_447 : vector<32xbf16>
        %get3A_452 = arith.index_cast %min3A_415 : i32 to index
        %get3A_453 = arith.constant 48 : index
        %get3A_454 = tpu.vector_load %arg12[%get3A_452, %get3A_453] {strides = array<i32>} : memref<80x64xi32, #tpu.memory_space<vmem>>, vector<16xi32>,
        %unpack3A_455 = tpu.unpack_subelements %add3A_451, 0 {pack_format = #tpu.pack_format<interleaved>} : vector<32xbf16> -> vector<16xf32>
        %unpack3A_456 = tpu.unpack_subelements %add3A_451, 1 {pack_format = #tpu.pack_format<interleaved>} : vector<32xbf16> -> vector<16xf32>
        %add3A_457 = arith.addf %unpack3A_455, %unpack3A_456 : vector<16xf32>
        %cumsum3A_458 = arith.constant true
        %cumsum3A_459 = vector.broadcast %cumsum3A_458 : i1 to vector<16xi1>
        %cumsum3A_460 = tpu.scan <sum>, %add3A_457 masked %cumsum3A_459 : vector<16xf32>, vector<16xi1> -> vector<16xf32>
        %swap3A_461 = arith.index_cast %add3A_411 : i32 to index
        %swap3A_462 = tpu.vector_load %arg14[%swap3A_461] masked %eq3A_190 {strides = array<i32>} : memref<96xf32, #tpu.memory_space<vmem>>, vector<16xf32>, vector<16xi1>
        tpu.vector_store %arg14[%swap3A_461], %cumsum3A_460 masked %eq3A_190 {strides = array<i32>} : memref<96xf32, #tpu.memory_space<vmem>>, vector<16xf32>, vector<16xi1>
        %mul3A_463 = arith.constant 16 : i32
        %mul3A_464 = arith.muli %scan3A_238, %mul3A_463 : i32
        %add3A_465 = arith.constant 4 : i32
        %add3A_466 = arith.addi %mul3A_464, %add3A_465 : i32
        %add3A_467 = arith.constant 1 : i32
        %add3A_468 = arith.addi %add3A_466, %add3A_467 : i32
        %min3A_469 = arith.constant 79 : i32
        %min3A_470 = arith.minsi %add3A_468, %min3A_469 : i32
        %get3A_471 = arith.index_cast %min3A_470 : i32 to index
        %get3A_472 = arith.constant 0 : index
        %get3A_473 = tpu.vector_load %arg11[%get3A_471, %get3A_472] {strides = array<i32>} : memref<80x64xi32, #tpu.memory_space<vmem>>, vector<16xi32>,
        %bitcast3A_474 = vector.bitcast %get3A_418 : vector<16xi32> to vector<32xbf16>
        %bitcast3A_475 = vector.bitcast %get3A_442 : vector<16xi32> to vector<32xbf16>
        %mul3A_476 = arith.mulf %bitcast3A_474, %bitcast3A_475 : vector<32xbf16>
        %get3A_477 = arith.index_cast %min3A_470 : i32 to index
        %get3A_478 = arith.constant 16 : index
        %get3A_479 = tpu.vector_load %arg11[%get3A_477, %get3A_478] {strides = array<i32>} : memref<80x64xi32, #tpu.memory_space<vmem>>, vector<16xi32>,
        %bitcast3A_480 = vector.bitcast %get3A_424 : vector<16xi32> to vector<32xbf16>
        %bitcast3A_481 = vector.bitcast %get3A_446 : vector<16xi32> to vector<32xbf16>
        %mul3A_482 = arith.mulf %bitcast3A_480, %bitcast3A_481 : vector<32xbf16>
        %get3A_483 = arith.index_cast %min3A_470 : i32 to index
        %get3A_484 = arith.constant 32 : index
        %get3A_485 = tpu.vector_load %arg11[%get3A_483, %get3A_484] {strides = array<i32>} : memref<80x64xi32, #tpu.memory_space<vmem>>, vector<16xi32>,
        %bitcast3A_486 = vector.bitcast %get3A_430 : vector<16xi32> to vector<32xbf16>
        %bitcast3A_487 = vector.bitcast %get3A_450 : vector<16xi32> to vector<32xbf16>
        %mul3A_488 = arith.mulf %bitcast3A_486, %bitcast3A_487 : vector<32xbf16>
        %get3A_489 = arith.index_cast %min3A_470 : i32 to index
        %get3A_490 = arith.constant 48 : index
        %get3A_491 = tpu.vector_load %arg11[%get3A_489, %get3A_490] {strides = array<i32>} : memref<80x64xi32, #tpu.memory_space<vmem>>, vector<16xi32>,
        %bitcast3A_492 = vector.bitcast %get3A_436 : vector<16xi32> to vector<32xbf16>
        %bitcast3A_493 = vector.bitcast %get3A_454 : vector<16xi32> to vector<32xbf16>
        %mul3A_494 = arith.mulf %bitcast3A_492, %bitcast3A_493 : vector<32xbf16>
        %get3A_495 = arith.index_cast %min3A_470 : i32 to index
        %get3A_496 = arith.constant 0 : index
        %get3A_497 = tpu.vector_load %arg12[%get3A_495, %get3A_496] {strides = array<i32>} : memref<80x64xi32, #tpu.memory_space<vmem>>, vector<16xi32>,
        %add3A_498 = arith.addf %mul3A_476, %mul3A_482 : vector<32xbf16>
        %get3A_499 = arith.index_cast %min3A_470 : i32 to index
        %get3A_500 = arith.constant 16 : index
        %get3A_501 = tpu.vector_load %arg12[%get3A_499, %get3A_500] {strides = array<i32>} : memref<80x64xi32, #tpu.memory_space<vmem>>, vector<16xi32>,
        %add3A_502 = arith.addf %mul3A_488, %mul3A_494 : vector<32xbf16>
        %get3A_503 = arith.index_cast %min3A_470 : i32 to index
        %get3A_504 = arith.constant 32 : index
        %get3A_505 = tpu.vector_load %arg12[%get3A_503, %get3A_504] {strides = array<i32>} : memref<80x64xi32, #tpu.memory_space<vmem>>, vector<16xi32>,
        %add3A_506 = arith.addf %add3A_498, %add3A_502 : vector<32xbf16>
        %get3A_507 = arith.index_cast %min3A_470 : i32 to index
        %get3A_508 = arith.constant 48 : index
        %get3A_509 = tpu.vector_load %arg12[%get3A_507, %get3A_508] {strides = array<i32>} : memref<80x64xi32, #tpu.memory_space<vmem>>, vector<16xi32>,
        %unpack3A_510 = tpu.unpack_subelements %add3A_506, 0 {pack_format = #tpu.pack_format<interleaved>} : vector<32xbf16> -> vector<16xf32>
        %unpack3A_511 = tpu.unpack_subelements %add3A_506, 1 {pack_format = #tpu.pack_format<interleaved>} : vector<32xbf16> -> vector<16xf32>
        %add3A_512 = arith.addf %unpack3A_510, %unpack3A_511 : vector<16xf32>
        %cumsum3A_513 = arith.constant true
        %cumsum3A_514 = vector.broadcast %cumsum3A_513 : i1 to vector<16xi1>
        %cumsum3A_515 = tpu.scan <sum>, %add3A_512 masked %cumsum3A_514 : vector<16xf32>, vector<16xi1> -> vector<16xf32>
        %swap3A_516 = arith.index_cast %add3A_466 : i32 to index
        %swap3A_517 = tpu.vector_load %arg14[%swap3A_516] masked %eq3A_190 {strides = array<i32>} : memref<96xf32, #tpu.memory_space<vmem>>, vector<16xf32>, vector<16xi1>
        tpu.vector_store %arg14[%swap3A_516], %cumsum3A_515 masked %eq3A_190 {strides = array<i32>} : memref<96xf32, #tpu.memory_space<vmem>>, vector<16xf32>, vector<16xi1>
        %mul3A_518 = arith.constant 16 : i32
        %mul3A_519 = arith.muli %scan3A_238, %mul3A_518 : i32
        %add3A_520 = arith.constant 5 : i32
        %add3A_521 = arith.addi %mul3A_519, %add3A_520 : i32
        %add3A_522 = arith.constant 1 : i32
        %add3A_523 = arith.addi %add3A_521, %add3A_522 : i32
        %min3A_524 = arith.constant 79 : i32
        %min3A_525 = arith.minsi %add3A_523, %min3A_524 : i32
        %get3A_526 = arith.index_cast %min3A_525 : i32 to index
        %get3A_527 = arith.constant 0 : index
        %get3A_528 = tpu.vector_load %arg11[%get3A_526, %get3A_527] {strides = array<i32>} : memref<80x64xi32, #tpu.memory_space<vmem>>, vector<16xi32>,
        %bitcast3A_529 = vector.bitcast %get3A_473 : vector<16xi32> to vector<32xbf16>
        %bitcast3A_530 = vector.bitcast %get3A_497 : vector<16xi32> to vector<32xbf16>
        %mul3A_531 = arith.mulf %bitcast3A_529, %bitcast3A_530 : vector<32xbf16>
        %get3A_532 = arith.index_cast %min3A_525 : i32 to index
        %get3A_533 = arith.constant 16 : index
        %get3A_534 = tpu.vector_load %arg11[%get3A_532, %get3A_533] {strides = array<i32>} : memref<80x64xi32, #tpu.memory_space<vmem>>, vector<16xi32>,
        %bitcast3A_535 = vector.bitcast %get3A_479 : vector<16xi32> to vector<32xbf16>
        %bitcast3A_536 = vector.bitcast %get3A_501 : vector<16xi32> to vector<32xbf16>
        %mul3A_537 = arith.mulf %bitcast3A_535, %bitcast3A_536 : vector<32xbf16>
        %get3A_538 = arith.index_cast %min3A_525 : i32 to index
        %get3A_539 = arith.constant 32 : index
        %get3A_540 = tpu.vector_load %arg11[%get3A_538, %get3A_539] {strides = array<i32>} : memref<80x64xi32, #tpu.memory_space<vmem>>, vector<16xi32>,
        %bitcast3A_541 = vector.bitcast %get3A_485 : vector<16xi32> to vector<32xbf16>
        %bitcast3A_542 = vector.bitcast %get3A_505 : vector<16xi32> to vector<32xbf16>
        %mul3A_543 = arith.mulf %bitcast3A_541, %bitcast3A_542 : vector<32xbf16>
        %get3A_544 = arith.index_cast %min3A_525 : i32 to index
        %get3A_545 = arith.constant 48 : index
        %get3A_546 = tpu.vector_load %arg11[%get3A_544, %get3A_545] {strides = array<i32>} : memref<80x64xi32, #tpu.memory_space<vmem>>, vector<16xi32>,
        %bitcast3A_547 = vector.bitcast %get3A_491 : vector<16xi32> to vector<32xbf16>
        %bitcast3A_548 = vector.bitcast %get3A_509 : vector<16xi32> to vector<32xbf16>
        %mul3A_549 = arith.mulf %bitcast3A_547, %bitcast3A_548 : vector<32xbf16>
        %get3A_550 = arith.index_cast %min3A_525 : i32 to index
        %get3A_551 = arith.constant 0 : index
        %get3A_552 = tpu.vector_load %arg12[%get3A_550, %get3A_551] {strides = array<i32>} : memref<80x64xi32, #tpu.memory_space<vmem>>, vector<16xi32>,
        %add3A_553 = arith.addf %mul3A_531, %mul3A_537 : vector<32xbf16>
        %get3A_554 = arith.index_cast %min3A_525 : i32 to index
        %get3A_555 = arith.constant 16 : index
        %get3A_556 = tpu.vector_load %arg12[%get3A_554, %get3A_555] {strides = array<i32>} : memref<80x64xi32, #tpu.memory_space<vmem>>, vector<16xi32>,
        %add3A_557 = arith.addf %mul3A_543, %mul3A_549 : vector<32xbf16>
        %get3A_558 = arith.index_cast %min3A_525 : i32 to index
        %get3A_559 = arith.constant 32 : index
        %get3A_560 = tpu.vector_load %arg12[%get3A_558, %get3A_559] {strides = array<i32>} : memref<80x64xi32, #tpu.memory_space<vmem>>, vector<16xi32>,
        %add3A_561 = arith.addf %add3A_553, %add3A_557 : vector<32xbf16>
        %get3A_562 = arith.index_cast %min3A_525 : i32 to index
        %get3A_563 = arith.constant 48 : index
        %get3A_564 = tpu.vector_load %arg12[%get3A_562, %get3A_563] {strides = array<i32>} : memref<80x64xi32, #tpu.memory_space<vmem>>, vector<16xi32>,
        %unpack3A_565 = tpu.unpack_subelements %add3A_561, 0 {pack_format = #tpu.pack_format<interleaved>} : vector<32xbf16> -> vector<16xf32>
        %unpack3A_566 = tpu.unpack_subelements %add3A_561, 1 {pack_format = #tpu.pack_format<interleaved>} : vector<32xbf16> -> vector<16xf32>
        %add3A_567 = arith.addf %unpack3A_565, %unpack3A_566 : vector<16xf32>
        %cumsum3A_568 = arith.constant true
        %cumsum3A_569 = vector.broadcast %cumsum3A_568 : i1 to vector<16xi1>
        %cumsum3A_570 = tpu.scan <sum>, %add3A_567 masked %cumsum3A_569 : vector<16xf32>, vector<16xi1> -> vector<16xf32>
        %swap3A_571 = arith.index_cast %add3A_521 : i32 to index
        %swap3A_572 = tpu.vector_load %arg14[%swap3A_571] masked %eq3A_190 {strides = array<i32>} : memref<96xf32, #tpu.memory_space<vmem>>, vector<16xf32>, vector<16xi1>
        tpu.vector_store %arg14[%swap3A_571], %cumsum3A_570 masked %eq3A_190 {strides = array<i32>} : memref<96xf32, #tpu.memory_space<vmem>>, vector<16xf32>, vector<16xi1>
        %mul3A_573 = arith.constant 16 : i32
        %mul3A_574 = arith.muli %scan3A_238, %mul3A_573 : i32
        %add3A_575 = arith.constant 6 : i32
        %add3A_576 = arith.addi %mul3A_574, %add3A_575 : i32
        %add3A_577 = arith.constant 1 : i32
        %add3A_578 = arith.addi %add3A_576, %add3A_577 : i32
        %min3A_579 = arith.constant 79 : i32
        %min3A_580 = arith.minsi %add3A_578, %min3A_579 : i32
        %get3A_581 = arith.index_cast %min3A_580 : i32 to index
        %get3A_582 = arith.constant 0 : index
        %get3A_583 = tpu.vector_load %arg11[%get3A_581, %get3A_582] {strides = array<i32>} : memref<80x64xi32, #tpu.memory_space<vmem>>, vector<16xi32>,
        %bitcast3A_584 = vector.bitcast %get3A_528 : vector<16xi32> to vector<32xbf16>
        %bitcast3A_585 = vector.bitcast %get3A_552 : vector<16xi32> to vector<32xbf16>
        %mul3A_586 = arith.mulf %bitcast3A_584, %bitcast3A_585 : vector<32xbf16>
        %get3A_587 = arith.index_cast %min3A_580 : i32 to index
        %get3A_588 = arith.constant 16 : index
        %get3A_589 = tpu.vector_load %arg11[%get3A_587, %get3A_588] {strides = array<i32>} : memref<80x64xi32, #tpu.memory_space<vmem>>, vector<16xi32>,
        %bitcast3A_590 = vector.bitcast %get3A_534 : vector<16xi32> to vector<32xbf16>
        %bitcast3A_591 = vector.bitcast %get3A_556 : vector<16xi32> to vector<32xbf16>
        %mul3A_592 = arith.mulf %bitcast3A_590, %bitcast3A_591 : vector<32xbf16>
        %get3A_593 = arith.index_cast %min3A_580 : i32 to index
        %get3A_594 = arith.constant 32 : index
        %get3A_595 = tpu.vector_load %arg11[%get3A_593, %get3A_594] {strides = array<i32>} : memref<80x64xi32, #tpu.memory_space<vmem>>, vector<16xi32>,
        %bitcast3A_596 = vector.bitcast %get3A_540 : vector<16xi32> to vector<32xbf16>
        %bitcast3A_597 = vector.bitcast %get3A_560 : vector<16xi32> to vector<32xbf16>
        %mul3A_598 = arith.mulf %bitcast3A_596, %bitcast3A_597 : vector<32xbf16>
        %get3A_599 = arith.index_cast %min3A_580 : i32 to index
        %get3A_600 = arith.constant 48 : index
        %get3A_601 = tpu.vector_load %arg11[%get3A_599, %get3A_600] {strides = array<i32>} : memref<80x64xi32, #tpu.memory_space<vmem>>, vector<16xi32>,
        %bitcast3A_602 = vector.bitcast %get3A_546 : vector<16xi32> to vector<32xbf16>
        %bitcast3A_603 = vector.bitcast %get3A_564 : vector<16xi32> to vector<32xbf16>
        %mul3A_604 = arith.mulf %bitcast3A_602, %bitcast3A_603 : vector<32xbf16>
        %get3A_605 = arith.index_cast %min3A_580 : i32 to index
        %get3A_606 = arith.constant 0 : index
        %get3A_607 = tpu.vector_load %arg12[%get3A_605, %get3A_606] {strides = array<i32>} : memref<80x64xi32, #tpu.memory_space<vmem>>, vector<16xi32>,
        %add3A_608 = arith.addf %mul3A_586, %mul3A_592 : vector<32xbf16>
        %get3A_609 = arith.index_cast %min3A_580 : i32 to index
        %get3A_610 = arith.constant 16 : index
        %get3A_611 = tpu.vector_load %arg12[%get3A_609, %get3A_610] {strides = array<i32>} : memref<80x64xi32, #tpu.memory_space<vmem>>, vector<16xi32>,
        %add3A_612 = arith.addf %mul3A_598, %mul3A_604 : vector<32xbf16>
        %get3A_613 = arith.index_cast %min3A_580 : i32 to index
        %get3A_614 = arith.constant 32 : index
        %get3A_615 = tpu.vector_load %arg12[%get3A_613, %get3A_614] {strides = array<i32>} : memref<80x64xi32, #tpu.memory_space<vmem>>, vector<16xi32>,
        %add3A_616 = arith.addf %add3A_608, %add3A_612 : vector<32xbf16>
        %get3A_617 = arith.index_cast %min3A_580 : i32 to index
        %get3A_618 = arith.constant 48 : index
        %get3A_619 = tpu.vector_load %arg12[%get3A_617, %get3A_618] {strides = array<i32>} : memref<80x64xi32, #tpu.memory_space<vmem>>, vector<16xi32>,
        %unpack3A_620 = tpu.unpack_subelements %add3A_616, 0 {pack_format = #tpu.pack_format<interleaved>} : vector<32xbf16> -> vector<16xf32>
        %unpack3A_621 = tpu.unpack_subelements %add3A_616, 1 {pack_format = #tpu.pack_format<interleaved>} : vector<32xbf16> -> vector<16xf32>
        %add3A_622 = arith.addf %unpack3A_620, %unpack3A_621 : vector<16xf32>
        %cumsum3A_623 = arith.constant true
        %cumsum3A_624 = vector.broadcast %cumsum3A_623 : i1 to vector<16xi1>
        %cumsum3A_625 = tpu.scan <sum>, %add3A_622 masked %cumsum3A_624 : vector<16xf32>, vector<16xi1> -> vector<16xf32>
        %swap3A_626 = arith.index_cast %add3A_576 : i32 to index
        %swap3A_627 = tpu.vector_load %arg14[%swap3A_626] masked %eq3A_190 {strides = array<i32>} : memref<96xf32, #tpu.memory_space<vmem>>, vector<16xf32>, vector<16xi1>
        tpu.vector_store %arg14[%swap3A_626], %cumsum3A_625 masked %eq3A_190 {strides = array<i32>} : memref<96xf32, #tpu.memory_space<vmem>>, vector<16xf32>, vector<16xi1>
        %mul3A_628 = arith.constant 16 : i32
        %mul3A_629 = arith.muli %scan3A_238, %mul3A_628 : i32
        %add3A_630 = arith.constant 7 : i32
        %add3A_631 = arith.addi %mul3A_629, %add3A_630 : i32
        %add3A_632 = arith.constant 1 : i32
        %add3A_633 = arith.addi %add3A_631, %add3A_632 : i32
        %min3A_634 = arith.constant 79 : i32
        %min3A_635 = arith.minsi %add3A_633, %min3A_634 : i32
        %get3A_636 = arith.index_cast %min3A_635 : i32 to index
        %get3A_637 = arith.constant 0 : index
        %get3A_638 = tpu.vector_load %arg11[%get3A_636, %get3A_637] {strides = array<i32>} : memref<80x64xi32, #tpu.memory_space<vmem>>, vector<16xi32>,
        %bitcast3A_639 = vector.bitcast %get3A_583 : vector<16xi32> to vector<32xbf16>
        %bitcast3A_640 = vector.bitcast %get3A_607 : vector<16xi32> to vector<32xbf16>
        %mul3A_641 = arith.mulf %bitcast3A_639, %bitcast3A_640 : vector<32xbf16>
        %get3A_642 = arith.index_cast %min3A_635 : i32 to index
        %get3A_643 = arith.constant 16 : index
        %get3A_644 = tpu.vector_load %arg11[%get3A_642, %get3A_643] {strides = array<i32>} : memref<80x64xi32, #tpu.memory_space<vmem>>, vector<16xi32>,
        %bitcast3A_645 = vector.bitcast %get3A_589 : vector<16xi32> to vector<32xbf16>
        %bitcast3A_646 = vector.bitcast %get3A_611 : vector<16xi32> to vector<32xbf16>
        %mul3A_647 = arith.mulf %bitcast3A_645, %bitcast3A_646 : vector<32xbf16>
        %get3A_648 = arith.index_cast %min3A_635 : i32 to index
        %get3A_649 = arith.constant 32 : index
        %get3A_650 = tpu.vector_load %arg11[%get3A_648, %get3A_649] {strides = array<i32>} : memref<80x64xi32, #tpu.memory_space<vmem>>, vector<16xi32>,
        %bitcast3A_651 = vector.bitcast %get3A_595 : vector<16xi32> to vector<32xbf16>
        %bitcast3A_652 = vector.bitcast %get3A_615 : vector<16xi32> to vector<32xbf16>
        %mul3A_653 = arith.mulf %bitcast3A_651, %bitcast3A_652 : vector<32xbf16>
        %get3A_654 = arith.index_cast %min3A_635 : i32 to index
        %get3A_655 = arith.constant 48 : index
        %get3A_656 = tpu.vector_load %arg11[%get3A_654, %get3A_655] {strides = array<i32>} : memref<80x64xi32, #tpu.memory_space<vmem>>, vector<16xi32>,
        %bitcast3A_657 = vector.bitcast %get3A_601 : vector<16xi32> to vector<32xbf16>
        %bitcast3A_658 = vector.bitcast %get3A_619 : vector<16xi32> to vector<32xbf16>
        %mul3A_659 = arith.mulf %bitcast3A_657, %bitcast3A_658 : vector<32xbf16>
        %get3A_660 = arith.index_cast %min3A_635 : i32 to index
        %get3A_661 = arith.constant 0 : index
        %get3A_662 = tpu.vector_load %arg12[%get3A_660, %get3A_661] {strides = array<i32>} : memref<80x64xi32, #tpu.memory_space<vmem>>, vector<16xi32>,
        %add3A_663 = arith.addf %mul3A_641, %mul3A_647 : vector<32xbf16>
        %get3A_664 = arith.index_cast %min3A_635 : i32 to index
        %get3A_665 = arith.constant 16 : index
        %get3A_666 = tpu.vector_load %arg12[%get3A_664, %get3A_665] {strides = array<i32>} : memref<80x64xi32, #tpu.memory_space<vmem>>, vector<16xi32>,
        %add3A_667 = arith.addf %mul3A_653, %mul3A_659 : vector<32xbf16>
        %get3A_668 = arith.index_cast %min3A_635 : i32 to index
        %get3A_669 = arith.constant 32 : index
        %get3A_670 = tpu.vector_load %arg12[%get3A_668, %get3A_669] {strides = array<i32>} : memref<80x64xi32, #tpu.memory_space<vmem>>, vector<16xi32>,
        %add3A_671 = arith.addf %add3A_663, %add3A_667 : vector<32xbf16>
        %get3A_672 = arith.index_cast %min3A_635 : i32 to index
        %get3A_673 = arith.constant 48 : index
        %get3A_674 = tpu.vector_load %arg12[%get3A_672, %get3A_673] {strides = array<i32>} : memref<80x64xi32, #tpu.memory_space<vmem>>, vector<16xi32>,
        %unpack3A_675 = tpu.unpack_subelements %add3A_671, 0 {pack_format = #tpu.pack_format<interleaved>} : vector<32xbf16> -> vector<16xf32>
        %unpack3A_676 = tpu.unpack_subelements %add3A_671, 1 {pack_format = #tpu.pack_format<interleaved>} : vector<32xbf16> -> vector<16xf32>
        %add3A_677 = arith.addf %unpack3A_675, %unpack3A_676 : vector<16xf32>
        %cumsum3A_678 = arith.constant true
        %cumsum3A_679 = vector.broadcast %cumsum3A_678 : i1 to vector<16xi1>
        %cumsum3A_680 = tpu.scan <sum>, %add3A_677 masked %cumsum3A_679 : vector<16xf32>, vector<16xi1> -> vector<16xf32>
        %swap3A_681 = arith.index_cast %add3A_631 : i32 to index
        %swap3A_682 = tpu.vector_load %arg14[%swap3A_681] masked %eq3A_190 {strides = array<i32>} : memref<96xf32, #tpu.memory_space<vmem>>, vector<16xf32>, vector<16xi1>
        tpu.vector_store %arg14[%swap3A_681], %cumsum3A_680 masked %eq3A_190 {strides = array<i32>} : memref<96xf32, #tpu.memory_space<vmem>>, vector<16xf32>, vector<16xi1>
        %mul3A_683 = arith.constant 16 : i32
        %mul3A_684 = arith.muli %scan3A_238, %mul3A_683 : i32
        %add3A_685 = arith.constant 8 : i32
        %add3A_686 = arith.addi %mul3A_684, %add3A_685 : i32
        %add3A_687 = arith.constant 1 : i32
        %add3A_688 = arith.addi %add3A_686, %add3A_687 : i32
        %min3A_689 = arith.constant 79 : i32
        %min3A_690 = arith.minsi %add3A_688, %min3A_689 : i32
        %get3A_691 = arith.index_cast %min3A_690 : i32 to index
        %get3A_692 = arith.constant 0 : index
        %get3A_693 = tpu.vector_load %arg11[%get3A_691, %get3A_692] {strides = array<i32>} : memref<80x64xi32, #tpu.memory_space<vmem>>, vector<16xi32>,
        %bitcast3A_694 = vector.bitcast %get3A_638 : vector<16xi32> to vector<32xbf16>
        %bitcast3A_695 = vector.bitcast %get3A_662 : vector<16xi32> to vector<32xbf16>
        %mul3A_696 = arith.mulf %bitcast3A_694, %bitcast3A_695 : vector<32xbf16>
        %get3A_697 = arith.index_cast %min3A_690 : i32 to index
        %get3A_698 = arith.constant 16 : index
        %get3A_699 = tpu.vector_load %arg11[%get3A_697, %get3A_698] {strides = array<i32>} : memref<80x64xi32, #tpu.memory_space<vmem>>, vector<16xi32>,
        %bitcast3A_700 = vector.bitcast %get3A_644 : vector<16xi32> to vector<32xbf16>
        %bitcast3A_701 = vector.bitcast %get3A_666 : vector<16xi32> to vector<32xbf16>
        %mul3A_702 = arith.mulf %bitcast3A_700, %bitcast3A_701 : vector<32xbf16>
        %get3A_703 = arith.index_cast %min3A_690 : i32 to index
        %get3A_704 = arith.constant 32 : index
        %get3A_705 = tpu.vector_load %arg11[%get3A_703, %get3A_704] {strides = array<i32>} : memref<80x64xi32, #tpu.memory_space<vmem>>, vector<16xi32>,
        %bitcast3A_706 = vector.bitcast %get3A_650 : vector<16xi32> to vector<32xbf16>
        %bitcast3A_707 = vector.bitcast %get3A_670 : vector<16xi32> to vector<32xbf16>
        %mul3A_708 = arith.mulf %bitcast3A_706, %bitcast3A_707 : vector<32xbf16>
        %get3A_709 = arith.index_cast %min3A_690 : i32 to index
        %get3A_710 = arith.constant 48 : index
        %get3A_711 = tpu.vector_load %arg11[%get3A_709, %get3A_710] {strides = array<i32>} : memref<80x64xi32, #tpu.memory_space<vmem>>, vector<16xi32>,
        %bitcast3A_712 = vector.bitcast %get3A_656 : vector<16xi32> to vector<32xbf16>
        %bitcast3A_713 = vector.bitcast %get3A_674 : vector<16xi32> to vector<32xbf16>
        %mul3A_714 = arith.mulf %bitcast3A_712, %bitcast3A_713 : vector<32xbf16>
        %get3A_715 = arith.index_cast %min3A_690 : i32 to index
        %get3A_716 = arith.constant 0 : index
        %get3A_717 = tpu.vector_load %arg12[%get3A_715, %get3A_716] {strides = array<i32>} : memref<80x64xi32, #tpu.memory_space<vmem>>, vector<16xi32>,
        %add3A_718 = arith.addf %mul3A_696, %mul3A_702 : vector<32xbf16>
        %get3A_719 = arith.index_cast %min3A_690 : i32 to index
        %get3A_720 = arith.constant 16 : index
        %get3A_721 = tpu.vector_load %arg12[%get3A_719, %get3A_720] {strides = array<i32>} : memref<80x64xi32, #tpu.memory_space<vmem>>, vector<16xi32>,
        %add3A_722 = arith.addf %mul3A_708, %mul3A_714 : vector<32xbf16>
        %get3A_723 = arith.index_cast %min3A_690 : i32 to index
        %get3A_724 = arith.constant 32 : index
        %get3A_725 = tpu.vector_load %arg12[%get3A_723, %get3A_724] {strides = array<i32>} : memref<80x64xi32, #tpu.memory_space<vmem>>, vector<16xi32>,
        %add3A_726 = arith.addf %add3A_718, %add3A_722 : vector<32xbf16>
        %get3A_727 = arith.index_cast %min3A_690 : i32 to index
        %get3A_728 = arith.constant 48 : index
        %get3A_729 = tpu.vector_load %arg12[%get3A_727, %get3A_728] {strides = array<i32>} : memref<80x64xi32, #tpu.memory_space<vmem>>, vector<16xi32>,
        %unpack3A_730 = tpu.unpack_subelements %add3A_726, 0 {pack_format = #tpu.pack_format<interleaved>} : vector<32xbf16> -> vector<16xf32>
        %unpack3A_731 = tpu.unpack_subelements %add3A_726, 1 {pack_format = #tpu.pack_format<interleaved>} : vector<32xbf16> -> vector<16xf32>
        %add3A_732 = arith.addf %unpack3A_730, %unpack3A_731 : vector<16xf32>
        %cumsum3A_733 = arith.constant true
        %cumsum3A_734 = vector.broadcast %cumsum3A_733 : i1 to vector<16xi1>
        %cumsum3A_735 = tpu.scan <sum>, %add3A_732 masked %cumsum3A_734 : vector<16xf32>, vector<16xi1> -> vector<16xf32>
        %swap3A_736 = arith.index_cast %add3A_686 : i32 to index
        %swap3A_737 = tpu.vector_load %arg14[%swap3A_736] masked %eq3A_190 {strides = array<i32>} : memref<96xf32, #tpu.memory_space<vmem>>, vector<16xf32>, vector<16xi1>
        tpu.vector_store %arg14[%swap3A_736], %cumsum3A_735 masked %eq3A_190 {strides = array<i32>} : memref<96xf32, #tpu.memory_space<vmem>>, vector<16xf32>, vector<16xi1>
        %mul3A_738 = arith.constant 16 : i32
        %mul3A_739 = arith.muli %scan3A_238, %mul3A_738 : i32
        %add3A_740 = arith.constant 9 : i32
        %add3A_741 = arith.addi %mul3A_739, %add3A_740 : i32
        %add3A_742 = arith.constant 1 : i32
        %add3A_743 = arith.addi %add3A_741, %add3A_742 : i32
        %min3A_744 = arith.constant 79 : i32
        %min3A_745 = arith.minsi %add3A_743, %min3A_744 : i32
        %get3A_746 = arith.index_cast %min3A_745 : i32 to index
        %get3A_747 = arith.constant 0 : index
        %get3A_748 = tpu.vector_load %arg11[%get3A_746, %get3A_747] {strides = array<i32>} : memref<80x64xi32, #tpu.memory_space<vmem>>, vector<16xi32>,
        %bitcast3A_749 = vector.bitcast %get3A_693 : vector<16xi32> to vector<32xbf16>
        %bitcast3A_750 = vector.bitcast %get3A_717 : vector<16xi32> to vector<32xbf16>
        %mul3A_751 = arith.mulf %bitcast3A_749, %bitcast3A_750 : vector<32xbf16>
        %get3A_752 = arith.index_cast %min3A_745 : i32 to index
        %get3A_753 = arith.constant 16 : index
        %get3A_754 = tpu.vector_load %arg11[%get3A_752, %get3A_753] {strides = array<i32>} : memref<80x64xi32, #tpu.memory_space<vmem>>, vector<16xi32>,
        %bitcast3A_755 = vector.bitcast %get3A_699 : vector<16xi32> to vector<32xbf16>
        %bitcast3A_756 = vector.bitcast %get3A_721 : vector<16xi32> to vector<32xbf16>
        %mul3A_757 = arith.mulf %bitcast3A_755, %bitcast3A_756 : vector<32xbf16>
        %get3A_758 = arith.index_cast %min3A_745 : i32 to index
        %get3A_759 = arith.constant 32 : index
        %get3A_760 = tpu.vector_load %arg11[%get3A_758, %get3A_759] {strides = array<i32>} : memref<80x64xi32, #tpu.memory_space<vmem>>, vector<16xi32>,
        %bitcast3A_761 = vector.bitcast %get3A_705 : vector<16xi32> to vector<32xbf16>
        %bitcast3A_762 = vector.bitcast %get3A_725 : vector<16xi32> to vector<32xbf16>
        %mul3A_763 = arith.mulf %bitcast3A_761, %bitcast3A_762 : vector<32xbf16>
        %get3A_764 = arith.index_cast %min3A_745 : i32 to index
        %get3A_765 = arith.constant 48 : index
        %get3A_766 = tpu.vector_load %arg11[%get3A_764, %get3A_765] {strides = array<i32>} : memref<80x64xi32, #tpu.memory_space<vmem>>, vector<16xi32>,
        %bitcast3A_767 = vector.bitcast %get3A_711 : vector<16xi32> to vector<32xbf16>
        %bitcast3A_768 = vector.bitcast %get3A_729 : vector<16xi32> to vector<32xbf16>
        %mul3A_769 = arith.mulf %bitcast3A_767, %bitcast3A_768 : vector<32xbf16>
        %get3A_770 = arith.index_cast %min3A_745 : i32 to index
        %get3A_771 = arith.constant 0 : index
        %get3A_772 = tpu.vector_load %arg12[%get3A_770, %get3A_771] {strides = array<i32>} : memref<80x64xi32, #tpu.memory_space<vmem>>, vector<16xi32>,
        %add3A_773 = arith.addf %mul3A_751, %mul3A_757 : vector<32xbf16>
        %get3A_774 = arith.index_cast %min3A_745 : i32 to index
        %get3A_775 = arith.constant 16 : index
        %get3A_776 = tpu.vector_load %arg12[%get3A_774, %get3A_775] {strides = array<i32>} : memref<80x64xi32, #tpu.memory_space<vmem>>, vector<16xi32>,
        %add3A_777 = arith.addf %mul3A_763, %mul3A_769 : vector<32xbf16>
        %get3A_778 = arith.index_cast %min3A_745 : i32 to index
        %get3A_779 = arith.constant 32 : index
        %get3A_780 = tpu.vector_load %arg12[%get3A_778, %get3A_779] {strides = array<i32>} : memref<80x64xi32, #tpu.memory_space<vmem>>, vector<16xi32>,
        %add3A_781 = arith.addf %add3A_773, %add3A_777 : vector<32xbf16>
        %get3A_782 = arith.index_cast %min3A_745 : i32 to index
        %get3A_783 = arith.constant 48 : index
        %get3A_784 = tpu.vector_load %arg12[%get3A_782, %get3A_783] {strides = array<i32>} : memref<80x64xi32, #tpu.memory_space<vmem>>, vector<16xi32>,
        %unpack3A_785 = tpu.unpack_subelements %add3A_781, 0 {pack_format = #tpu.pack_format<interleaved>} : vector<32xbf16> -> vector<16xf32>
        %unpack3A_786 = tpu.unpack_subelements %add3A_781, 1 {pack_format = #tpu.pack_format<interleaved>} : vector<32xbf16> -> vector<16xf32>
        %add3A_787 = arith.addf %unpack3A_785, %unpack3A_786 : vector<16xf32>
        %cumsum3A_788 = arith.constant true
        %cumsum3A_789 = vector.broadcast %cumsum3A_788 : i1 to vector<16xi1>
        %cumsum3A_790 = tpu.scan <sum>, %add3A_787 masked %cumsum3A_789 : vector<16xf32>, vector<16xi1> -> vector<16xf32>
        %swap3A_791 = arith.index_cast %add3A_741 : i32 to index
        %swap3A_792 = tpu.vector_load %arg14[%swap3A_791] masked %eq3A_190 {strides = array<i32>} : memref<96xf32, #tpu.memory_space<vmem>>, vector<16xf32>, vector<16xi1>
        tpu.vector_store %arg14[%swap3A_791], %cumsum3A_790 masked %eq3A_190 {strides = array<i32>} : memref<96xf32, #tpu.memory_space<vmem>>, vector<16xf32>, vector<16xi1>
        %mul3A_793 = arith.constant 16 : i32
        %mul3A_794 = arith.muli %scan3A_238, %mul3A_793 : i32
        %add3A_795 = arith.constant 10 : i32
        %add3A_796 = arith.addi %mul3A_794, %add3A_795 : i32
        %add3A_797 = arith.constant 1 : i32
        %add3A_798 = arith.addi %add3A_796, %add3A_797 : i32
        %min3A_799 = arith.constant 79 : i32
        %min3A_800 = arith.minsi %add3A_798, %min3A_799 : i32
        %get3A_801 = arith.index_cast %min3A_800 : i32 to index
        %get3A_802 = arith.constant 0 : index
        %get3A_803 = tpu.vector_load %arg11[%get3A_801, %get3A_802] {strides = array<i32>} : memref<80x64xi32, #tpu.memory_space<vmem>>, vector<16xi32>,
        %bitcast3A_804 = vector.bitcast %get3A_748 : vector<16xi32> to vector<32xbf16>
        %bitcast3A_805 = vector.bitcast %get3A_772 : vector<16xi32> to vector<32xbf16>
        %mul3A_806 = arith.mulf %bitcast3A_804, %bitcast3A_805 : vector<32xbf16>
        %get3A_807 = arith.index_cast %min3A_800 : i32 to index
        %get3A_808 = arith.constant 16 : index
        %get3A_809 = tpu.vector_load %arg11[%get3A_807, %get3A_808] {strides = array<i32>} : memref<80x64xi32, #tpu.memory_space<vmem>>, vector<16xi32>,
        %bitcast3A_810 = vector.bitcast %get3A_754 : vector<16xi32> to vector<32xbf16>
        %bitcast3A_811 = vector.bitcast %get3A_776 : vector<16xi32> to vector<32xbf16>
        %mul3A_812 = arith.mulf %bitcast3A_810, %bitcast3A_811 : vector<32xbf16>
        %get3A_813 = arith.index_cast %min3A_800 : i32 to index
        %get3A_814 = arith.constant 32 : index
        %get3A_815 = tpu.vector_load %arg11[%get3A_813, %get3A_814] {strides = array<i32>} : memref<80x64xi32, #tpu.memory_space<vmem>>, vector<16xi32>,
        %bitcast3A_816 = vector.bitcast %get3A_760 : vector<16xi32> to vector<32xbf16>
        %bitcast3A_817 = vector.bitcast %get3A_780 : vector<16xi32> to vector<32xbf16>
        %mul3A_818 = arith.mulf %bitcast3A_816, %bitcast3A_817 : vector<32xbf16>
        %get3A_819 = arith.index_cast %min3A_800 : i32 to index
        %get3A_820 = arith.constant 48 : index
        %get3A_821 = tpu.vector_load %arg11[%get3A_819, %get3A_820] {strides = array<i32>} : memref<80x64xi32, #tpu.memory_space<vmem>>, vector<16xi32>,
        %bitcast3A_822 = vector.bitcast %get3A_766 : vector<16xi32> to vector<32xbf16>
        %bitcast3A_823 = vector.bitcast %get3A_784 : vector<16xi32> to vector<32xbf16>
        %mul3A_824 = arith.mulf %bitcast3A_822, %bitcast3A_823 : vector<32xbf16>
        %get3A_825 = arith.index_cast %min3A_800 : i32 to index
        %get3A_826 = arith.constant 0 : index
        %get3A_827 = tpu.vector_load %arg12[%get3A_825, %get3A_826] {strides = array<i32>} : memref<80x64xi32, #tpu.memory_space<vmem>>, vector<16xi32>,
        %add3A_828 = arith.addf %mul3A_806, %mul3A_812 : vector<32xbf16>
        %get3A_829 = arith.index_cast %min3A_800 : i32 to index
        %get3A_830 = arith.constant 16 : index
        %get3A_831 = tpu.vector_load %arg12[%get3A_829, %get3A_830] {strides = array<i32>} : memref<80x64xi32, #tpu.memory_space<vmem>>, vector<16xi32>,
        %add3A_832 = arith.addf %mul3A_818, %mul3A_824 : vector<32xbf16>
        %get3A_833 = arith.index_cast %min3A_800 : i32 to index
        %get3A_834 = arith.constant 32 : index
        %get3A_835 = tpu.vector_load %arg12[%get3A_833, %get3A_834] {strides = array<i32>} : memref<80x64xi32, #tpu.memory_space<vmem>>, vector<16xi32>,
        %add3A_836 = arith.addf %add3A_828, %add3A_832 : vector<32xbf16>
        %get3A_837 = arith.index_cast %min3A_800 : i32 to index
        %get3A_838 = arith.constant 48 : index
        %get3A_839 = tpu.vector_load %arg12[%get3A_837, %get3A_838] {strides = array<i32>} : memref<80x64xi32, #tpu.memory_space<vmem>>, vector<16xi32>,
        %unpack3A_840 = tpu.unpack_subelements %add3A_836, 0 {pack_format = #tpu.pack_format<interleaved>} : vector<32xbf16> -> vector<16xf32>
        %unpack3A_841 = tpu.unpack_subelements %add3A_836, 1 {pack_format = #tpu.pack_format<interleaved>} : vector<32xbf16> -> vector<16xf32>
        %add3A_842 = arith.addf %unpack3A_840, %unpack3A_841 : vector<16xf32>
        %cumsum3A_843 = arith.constant true
        %cumsum3A_844 = vector.broadcast %cumsum3A_843 : i1 to vector<16xi1>
        %cumsum3A_845 = tpu.scan <sum>, %add3A_842 masked %cumsum3A_844 : vector<16xf32>, vector<16xi1> -> vector<16xf32>
        %swap3A_846 = arith.index_cast %add3A_796 : i32 to index
        %swap3A_847 = tpu.vector_load %arg14[%swap3A_846] masked %eq3A_190 {strides = array<i32>} : memref<96xf32, #tpu.memory_space<vmem>>, vector<16xf32>, vector<16xi1>
        tpu.vector_store %arg14[%swap3A_846], %cumsum3A_845 masked %eq3A_190 {strides = array<i32>} : memref<96xf32, #tpu.memory_space<vmem>>, vector<16xf32>, vector<16xi1>
        %mul3A_848 = arith.constant 16 : i32
        %mul3A_849 = arith.muli %scan3A_238, %mul3A_848 : i32
        %add3A_850 = arith.constant 11 : i32
        %add3A_851 = arith.addi %mul3A_849, %add3A_850 : i32
        %add3A_852 = arith.constant 1 : i32
        %add3A_853 = arith.addi %add3A_851, %add3A_852 : i32
        %min3A_854 = arith.constant 79 : i32
        %min3A_855 = arith.minsi %add3A_853, %min3A_854 : i32
        %get3A_856 = arith.index_cast %min3A_855 : i32 to index
        %get3A_857 = arith.constant 0 : index
        %get3A_858 = tpu.vector_load %arg11[%get3A_856, %get3A_857] {strides = array<i32>} : memref<80x64xi32, #tpu.memory_space<vmem>>, vector<16xi32>,
        %bitcast3A_859 = vector.bitcast %get3A_803 : vector<16xi32> to vector<32xbf16>
        %bitcast3A_860 = vector.bitcast %get3A_827 : vector<16xi32> to vector<32xbf16>
        %mul3A_861 = arith.mulf %bitcast3A_859, %bitcast3A_860 : vector<32xbf16>
        %get3A_862 = arith.index_cast %min3A_855 : i32 to index
        %get3A_863 = arith.constant 16 : index
        %get3A_864 = tpu.vector_load %arg11[%get3A_862, %get3A_863] {strides = array<i32>} : memref<80x64xi32, #tpu.memory_space<vmem>>, vector<16xi32>,
        %bitcast3A_865 = vector.bitcast %get3A_809 : vector<16xi32> to vector<32xbf16>
        %bitcast3A_866 = vector.bitcast %get3A_831 : vector<16xi32> to vector<32xbf16>
        %mul3A_867 = arith.mulf %bitcast3A_865, %bitcast3A_866 : vector<32xbf16>
        %get3A_868 = arith.index_cast %min3A_855 : i32 to index
        %get3A_869 = arith.constant 32 : index
        %get3A_870 = tpu.vector_load %arg11[%get3A_868, %get3A_869] {strides = array<i32>} : memref<80x64xi32, #tpu.memory_space<vmem>>, vector<16xi32>,
        %bitcast3A_871 = vector.bitcast %get3A_815 : vector<16xi32> to vector<32xbf16>
        %bitcast3A_872 = vector.bitcast %get3A_835 : vector<16xi32> to vector<32xbf16>
        %mul3A_873 = arith.mulf %bitcast3A_871, %bitcast3A_872 : vector<32xbf16>
        %get3A_874 = arith.index_cast %min3A_855 : i32 to index
        %get3A_875 = arith.constant 48 : index
        %get3A_876 = tpu.vector_load %arg11[%get3A_874, %get3A_875] {strides = array<i32>} : memref<80x64xi32, #tpu.memory_space<vmem>>, vector<16xi32>,
        %bitcast3A_877 = vector.bitcast %get3A_821 : vector<16xi32> to vector<32xbf16>
        %bitcast3A_878 = vector.bitcast %get3A_839 : vector<16xi32> to vector<32xbf16>
        %mul3A_879 = arith.mulf %bitcast3A_877, %bitcast3A_878 : vector<32xbf16>
        %get3A_880 = arith.index_cast %min3A_855 : i32 to index
        %get3A_881 = arith.constant 0 : index
        %get3A_882 = tpu.vector_load %arg12[%get3A_880, %get3A_881] {strides = array<i32>} : memref<80x64xi32, #tpu.memory_space<vmem>>, vector<16xi32>,
        %add3A_883 = arith.addf %mul3A_861, %mul3A_867 : vector<32xbf16>
        %get3A_884 = arith.index_cast %min3A_855 : i32 to index
        %get3A_885 = arith.constant 16 : index
        %get3A_886 = tpu.vector_load %arg12[%get3A_884, %get3A_885] {strides = array<i32>} : memref<80x64xi32, #tpu.memory_space<vmem>>, vector<16xi32>,
        %add3A_887 = arith.addf %mul3A_873, %mul3A_879 : vector<32xbf16>
        %get3A_888 = arith.index_cast %min3A_855 : i32 to index
        %get3A_889 = arith.constant 32 : index
        %get3A_890 = tpu.vector_load %arg12[%get3A_888, %get3A_889] {strides = array<i32>} : memref<80x64xi32, #tpu.memory_space<vmem>>, vector<16xi32>,
        %add3A_891 = arith.addf %add3A_883, %add3A_887 : vector<32xbf16>
        %get3A_892 = arith.index_cast %min3A_855 : i32 to index
        %get3A_893 = arith.constant 48 : index
        %get3A_894 = tpu.vector_load %arg12[%get3A_892, %get3A_893] {strides = array<i32>} : memref<80x64xi32, #tpu.memory_space<vmem>>, vector<16xi32>,
        %unpack3A_895 = tpu.unpack_subelements %add3A_891, 0 {pack_format = #tpu.pack_format<interleaved>} : vector<32xbf16> -> vector<16xf32>
        %unpack3A_896 = tpu.unpack_subelements %add3A_891, 1 {pack_format = #tpu.pack_format<interleaved>} : vector<32xbf16> -> vector<16xf32>
        %add3A_897 = arith.addf %unpack3A_895, %unpack3A_896 : vector<16xf32>
        %cumsum3A_898 = arith.constant true
        %cumsum3A_899 = vector.broadcast %cumsum3A_898 : i1 to vector<16xi1>
        %cumsum3A_900 = tpu.scan <sum>, %add3A_897 masked %cumsum3A_899 : vector<16xf32>, vector<16xi1> -> vector<16xf32>
        %swap3A_901 = arith.index_cast %add3A_851 : i32 to index
        %swap3A_902 = tpu.vector_load %arg14[%swap3A_901] masked %eq3A_190 {strides = array<i32>} : memref<96xf32, #tpu.memory_space<vmem>>, vector<16xf32>, vector<16xi1>
        tpu.vector_store %arg14[%swap3A_901], %cumsum3A_900 masked %eq3A_190 {strides = array<i32>} : memref<96xf32, #tpu.memory_space<vmem>>, vector<16xf32>, vector<16xi1>
        %mul3A_903 = arith.constant 16 : i32
        %mul3A_904 = arith.muli %scan3A_238, %mul3A_903 : i32
        %add3A_905 = arith.constant 12 : i32
        %add3A_906 = arith.addi %mul3A_904, %add3A_905 : i32
        %add3A_907 = arith.constant 1 : i32
        %add3A_908 = arith.addi %add3A_906, %add3A_907 : i32
        %min3A_909 = arith.constant 79 : i32
        %min3A_910 = arith.minsi %add3A_908, %min3A_909 : i32
        %get3A_911 = arith.index_cast %min3A_910 : i32 to index
        %get3A_912 = arith.constant 0 : index
        %get3A_913 = tpu.vector_load %arg11[%get3A_911, %get3A_912] {strides = array<i32>} : memref<80x64xi32, #tpu.memory_space<vmem>>, vector<16xi32>,
        %bitcast3A_914 = vector.bitcast %get3A_858 : vector<16xi32> to vector<32xbf16>
        %bitcast3A_915 = vector.bitcast %get3A_882 : vector<16xi32> to vector<32xbf16>
        %mul3A_916 = arith.mulf %bitcast3A_914, %bitcast3A_915 : vector<32xbf16>
        %get3A_917 = arith.index_cast %min3A_910 : i32 to index
        %get3A_918 = arith.constant 16 : index
        %get3A_919 = tpu.vector_load %arg11[%get3A_917, %get3A_918] {strides = array<i32>} : memref<80x64xi32, #tpu.memory_space<vmem>>, vector<16xi32>,
        %bitcast3A_920 = vector.bitcast %get3A_864 : vector<16xi32> to vector<32xbf16>
        %bitcast3A_921 = vector.bitcast %get3A_886 : vector<16xi32> to vector<32xbf16>
        %mul3A_922 = arith.mulf %bitcast3A_920, %bitcast3A_921 : vector<32xbf16>
        %get3A_923 = arith.index_cast %min3A_910 : i32 to index
        %get3A_924 = arith.constant 32 : index
        %get3A_925 = tpu.vector_load %arg11[%get3A_923, %get3A_924] {strides = array<i32>} : memref<80x64xi32, #tpu.memory_space<vmem>>, vector<16xi32>,
        %bitcast3A_926 = vector.bitcast %get3A_870 : vector<16xi32> to vector<32xbf16>
        %bitcast3A_927 = vector.bitcast %get3A_890 : vector<16xi32> to vector<32xbf16>
        %mul3A_928 = arith.mulf %bitcast3A_926, %bitcast3A_927 : vector<32xbf16>
        %get3A_929 = arith.index_cast %min3A_910 : i32 to index
        %get3A_930 = arith.constant 48 : index
        %get3A_931 = tpu.vector_load %arg11[%get3A_929, %get3A_930] {strides = array<i32>} : memref<80x64xi32, #tpu.memory_space<vmem>>, vector<16xi32>,
        %bitcast3A_932 = vector.bitcast %get3A_876 : vector<16xi32> to vector<32xbf16>
        %bitcast3A_933 = vector.bitcast %get3A_894 : vector<16xi32> to vector<32xbf16>
        %mul3A_934 = arith.mulf %bitcast3A_932, %bitcast3A_933 : vector<32xbf16>
        %get3A_935 = arith.index_cast %min3A_910 : i32 to index
        %get3A_936 = arith.constant 0 : index
        %get3A_937 = tpu.vector_load %arg12[%get3A_935, %get3A_936] {strides = array<i32>} : memref<80x64xi32, #tpu.memory_space<vmem>>, vector<16xi32>,
        %add3A_938 = arith.addf %mul3A_916, %mul3A_922 : vector<32xbf16>
        %get3A_939 = arith.index_cast %min3A_910 : i32 to index
        %get3A_940 = arith.constant 16 : index
        %get3A_941 = tpu.vector_load %arg12[%get3A_939, %get3A_940] {strides = array<i32>} : memref<80x64xi32, #tpu.memory_space<vmem>>, vector<16xi32>,
        %add3A_942 = arith.addf %mul3A_928, %mul3A_934 : vector<32xbf16>
        %get3A_943 = arith.index_cast %min3A_910 : i32 to index
        %get3A_944 = arith.constant 32 : index
        %get3A_945 = tpu.vector_load %arg12[%get3A_943, %get3A_944] {strides = array<i32>} : memref<80x64xi32, #tpu.memory_space<vmem>>, vector<16xi32>,
        %add3A_946 = arith.addf %add3A_938, %add3A_942 : vector<32xbf16>
        %get3A_947 = arith.index_cast %min3A_910 : i32 to index
        %get3A_948 = arith.constant 48 : index
        %get3A_949 = tpu.vector_load %arg12[%get3A_947, %get3A_948] {strides = array<i32>} : memref<80x64xi32, #tpu.memory_space<vmem>>, vector<16xi32>,
        %unpack3A_950 = tpu.unpack_subelements %add3A_946, 0 {pack_format = #tpu.pack_format<interleaved>} : vector<32xbf16> -> vector<16xf32>
        %unpack3A_951 = tpu.unpack_subelements %add3A_946, 1 {pack_format = #tpu.pack_format<interleaved>} : vector<32xbf16> -> vector<16xf32>
        %add3A_952 = arith.addf %unpack3A_950, %unpack3A_951 : vector<16xf32>
        %cumsum3A_953 = arith.constant true
        %cumsum3A_954 = vector.broadcast %cumsum3A_953 : i1 to vector<16xi1>
        %cumsum3A_955 = tpu.scan <sum>, %add3A_952 masked %cumsum3A_954 : vector<16xf32>, vector<16xi1> -> vector<16xf32>
        %swap3A_956 = arith.index_cast %add3A_906 : i32 to index
        %swap3A_957 = tpu.vector_load %arg14[%swap3A_956] masked %eq3A_190 {strides = array<i32>} : memref<96xf32, #tpu.memory_space<vmem>>, vector<16xf32>, vector<16xi1>
        tpu.vector_store %arg14[%swap3A_956], %cumsum3A_955 masked %eq3A_190 {strides = array<i32>} : memref<96xf32, #tpu.memory_space<vmem>>, vector<16xf32>, vector<16xi1>
        %mul3A_958 = arith.constant 16 : i32
        %mul3A_959 = arith.muli %scan3A_238, %mul3A_958 : i32
        %add3A_960 = arith.constant 13 : i32
        %add3A_961 = arith.addi %mul3A_959, %add3A_960 : i32
        %add3A_962 = arith.constant 1 : i32
        %add3A_963 = arith.addi %add3A_961, %add3A_962 : i32
        %min3A_964 = arith.constant 79 : i32
        %min3A_965 = arith.minsi %add3A_963, %min3A_964 : i32
        %get3A_966 = arith.index_cast %min3A_965 : i32 to index
        %get3A_967 = arith.constant 0 : index
        %get3A_968 = tpu.vector_load %arg11[%get3A_966, %get3A_967] {strides = array<i32>} : memref<80x64xi32, #tpu.memory_space<vmem>>, vector<16xi32>,
        %bitcast3A_969 = vector.bitcast %get3A_913 : vector<16xi32> to vector<32xbf16>
        %bitcast3A_970 = vector.bitcast %get3A_937 : vector<16xi32> to vector<32xbf16>
        %mul3A_971 = arith.mulf %bitcast3A_969, %bitcast3A_970 : vector<32xbf16>
        %get3A_972 = arith.index_cast %min3A_965 : i32 to index
        %get3A_973 = arith.constant 16 : index
        %get3A_974 = tpu.vector_load %arg11[%get3A_972, %get3A_973] {strides = array<i32>} : memref<80x64xi32, #tpu.memory_space<vmem>>, vector<16xi32>,
        %bitcast3A_975 = vector.bitcast %get3A_919 : vector<16xi32> to vector<32xbf16>
        %bitcast3A_976 = vector.bitcast %get3A_941 : vector<16xi32> to vector<32xbf16>
        %mul3A_977 = arith.mulf %bitcast3A_975, %bitcast3A_976 : vector<32xbf16>
        %get3A_978 = arith.index_cast %min3A_965 : i32 to index
        %get3A_979 = arith.constant 32 : index
        %get3A_980 = tpu.vector_load %arg11[%get3A_978, %get3A_979] {strides = array<i32>} : memref<80x64xi32, #tpu.memory_space<vmem>>, vector<16xi32>,
        %bitcast3A_981 = vector.bitcast %get3A_925 : vector<16xi32> to vector<32xbf16>
        %bitcast3A_982 = vector.bitcast %get3A_945 : vector<16xi32> to vector<32xbf16>
        %mul3A_983 = arith.mulf %bitcast3A_981, %bitcast3A_982 : vector<32xbf16>
        %get3A_984 = arith.index_cast %min3A_965 : i32 to index
        %get3A_985 = arith.constant 48 : index
        %get3A_986 = tpu.vector_load %arg11[%get3A_984, %get3A_985] {strides = array<i32>} : memref<80x64xi32, #tpu.memory_space<vmem>>, vector<16xi32>,
        %bitcast3A_987 = vector.bitcast %get3A_931 : vector<16xi32> to vector<32xbf16>
        %bitcast3A_988 = vector.bitcast %get3A_949 : vector<16xi32> to vector<32xbf16>
        %mul3A_989 = arith.mulf %bitcast3A_987, %bitcast3A_988 : vector<32xbf16>
        %get3A_990 = arith.index_cast %min3A_965 : i32 to index
        %get3A_991 = arith.constant 0 : index
        %get3A_992 = tpu.vector_load %arg12[%get3A_990, %get3A_991] {strides = array<i32>} : memref<80x64xi32, #tpu.memory_space<vmem>>, vector<16xi32>,
        %add3A_993 = arith.addf %mul3A_971, %mul3A_977 : vector<32xbf16>
        %get3A_994 = arith.index_cast %min3A_965 : i32 to index
        %get3A_995 = arith.constant 16 : index
        %get3A_996 = tpu.vector_load %arg12[%get3A_994, %get3A_995] {strides = array<i32>} : memref<80x64xi32, #tpu.memory_space<vmem>>, vector<16xi32>,
        %add3A_997 = arith.addf %mul3A_983, %mul3A_989 : vector<32xbf16>
        %get3A_998 = arith.index_cast %min3A_965 : i32 to index
        %get3A_999 = arith.constant 32 : index
        %get3A_1000 = tpu.vector_load %arg12[%get3A_998, %get3A_999] {strides = array<i32>} : memref<80x64xi32, #tpu.memory_space<vmem>>, vector<16xi32>,
        %add3A_1001 = arith.addf %add3A_993, %add3A_997 : vector<32xbf16>
        %get3A_1002 = arith.index_cast %min3A_965 : i32 to index
        %get3A_1003 = arith.constant 48 : index
        %get3A_1004 = tpu.vector_load %arg12[%get3A_1002, %get3A_1003] {strides = array<i32>} : memref<80x64xi32, #tpu.memory_space<vmem>>, vector<16xi32>,
        %unpack3A_1005 = tpu.unpack_subelements %add3A_1001, 0 {pack_format = #tpu.pack_format<interleaved>} : vector<32xbf16> -> vector<16xf32>
        %unpack3A_1006 = tpu.unpack_subelements %add3A_1001, 1 {pack_format = #tpu.pack_format<interleaved>} : vector<32xbf16> -> vector<16xf32>
        %add3A_1007 = arith.addf %unpack3A_1005, %unpack3A_1006 : vector<16xf32>
        %cumsum3A_1008 = arith.constant true
        %cumsum3A_1009 = vector.broadcast %cumsum3A_1008 : i1 to vector<16xi1>
        %cumsum3A_1010 = tpu.scan <sum>, %add3A_1007 masked %cumsum3A_1009 : vector<16xf32>, vector<16xi1> -> vector<16xf32>
        %swap3A_1011 = arith.index_cast %add3A_961 : i32 to index
        %swap3A_1012 = tpu.vector_load %arg14[%swap3A_1011] masked %eq3A_190 {strides = array<i32>} : memref<96xf32, #tpu.memory_space<vmem>>, vector<16xf32>, vector<16xi1>
        tpu.vector_store %arg14[%swap3A_1011], %cumsum3A_1010 masked %eq3A_190 {strides = array<i32>} : memref<96xf32, #tpu.memory_space<vmem>>, vector<16xf32>, vector<16xi1>
        %mul3A_1013 = arith.constant 16 : i32
        %mul3A_1014 = arith.muli %scan3A_238, %mul3A_1013 : i32
        %add3A_1015 = arith.constant 14 : i32
        %add3A_1016 = arith.addi %mul3A_1014, %add3A_1015 : i32
        %add3A_1017 = arith.constant 1 : i32
        %add3A_1018 = arith.addi %add3A_1016, %add3A_1017 : i32
        %min3A_1019 = arith.constant 79 : i32
        %min3A_1020 = arith.minsi %add3A_1018, %min3A_1019 : i32
        %get3A_1021 = arith.index_cast %min3A_1020 : i32 to index
        %get3A_1022 = arith.constant 0 : index
        %get3A_1023 = tpu.vector_load %arg11[%get3A_1021, %get3A_1022] {strides = array<i32>} : memref<80x64xi32, #tpu.memory_space<vmem>>, vector<16xi32>,
        %bitcast3A_1024 = vector.bitcast %get3A_968 : vector<16xi32> to vector<32xbf16>
        %bitcast3A_1025 = vector.bitcast %get3A_992 : vector<16xi32> to vector<32xbf16>
        %mul3A_1026 = arith.mulf %bitcast3A_1024, %bitcast3A_1025 : vector<32xbf16>
        %get3A_1027 = arith.index_cast %min3A_1020 : i32 to index
        %get3A_1028 = arith.constant 16 : index
        %get3A_1029 = tpu.vector_load %arg11[%get3A_1027, %get3A_1028] {strides = array<i32>} : memref<80x64xi32, #tpu.memory_space<vmem>>, vector<16xi32>,
        %bitcast3A_1030 = vector.bitcast %get3A_974 : vector<16xi32> to vector<32xbf16>
        %bitcast3A_1031 = vector.bitcast %get3A_996 : vector<16xi32> to vector<32xbf16>
        %mul3A_1032 = arith.mulf %bitcast3A_1030, %bitcast3A_1031 : vector<32xbf16>
        %get3A_1033 = arith.index_cast %min3A_1020 : i32 to index
        %get3A_1034 = arith.constant 32 : index
        %get3A_1035 = tpu.vector_load %arg11[%get3A_1033, %get3A_1034] {strides = array<i32>} : memref<80x64xi32, #tpu.memory_space<vmem>>, vector<16xi32>,
        %bitcast3A_1036 = vector.bitcast %get3A_980 : vector<16xi32> to vector<32xbf16>
        %bitcast3A_1037 = vector.bitcast %get3A_1000 : vector<16xi32> to vector<32xbf16>
        %mul3A_1038 = arith.mulf %bitcast3A_1036, %bitcast3A_1037 : vector<32xbf16>
        %get3A_1039 = arith.index_cast %min3A_1020 : i32 to index
        %get3A_1040 = arith.constant 48 : index
        %get3A_1041 = tpu.vector_load %arg11[%get3A_1039, %get3A_1040] {strides = array<i32>} : memref<80x64xi32, #tpu.memory_space<vmem>>, vector<16xi32>,
        %bitcast3A_1042 = vector.bitcast %get3A_986 : vector<16xi32> to vector<32xbf16>
        %bitcast3A_1043 = vector.bitcast %get3A_1004 : vector<16xi32> to vector<32xbf16>
        %mul3A_1044 = arith.mulf %bitcast3A_1042, %bitcast3A_1043 : vector<32xbf16>
        %get3A_1045 = arith.index_cast %min3A_1020 : i32 to index
        %get3A_1046 = arith.constant 0 : index
        %get3A_1047 = tpu.vector_load %arg12[%get3A_1045, %get3A_1046] {strides = array<i32>} : memref<80x64xi32, #tpu.memory_space<vmem>>, vector<16xi32>,
        %add3A_1048 = arith.addf %mul3A_1026, %mul3A_1032 : vector<32xbf16>
        %get3A_1049 = arith.index_cast %min3A_1020 : i32 to index
        %get3A_1050 = arith.constant 16 : index
        %get3A_1051 = tpu.vector_load %arg12[%get3A_1049, %get3A_1050] {strides = array<i32>} : memref<80x64xi32, #tpu.memory_space<vmem>>, vector<16xi32>,
        %add3A_1052 = arith.addf %mul3A_1038, %mul3A_1044 : vector<32xbf16>
        %get3A_1053 = arith.index_cast %min3A_1020 : i32 to index
        %get3A_1054 = arith.constant 32 : index
        %get3A_1055 = tpu.vector_load %arg12[%get3A_1053, %get3A_1054] {strides = array<i32>} : memref<80x64xi32, #tpu.memory_space<vmem>>, vector<16xi32>,
        %add3A_1056 = arith.addf %add3A_1048, %add3A_1052 : vector<32xbf16>
        %get3A_1057 = arith.index_cast %min3A_1020 : i32 to index
        %get3A_1058 = arith.constant 48 : index
        %get3A_1059 = tpu.vector_load %arg12[%get3A_1057, %get3A_1058] {strides = array<i32>} : memref<80x64xi32, #tpu.memory_space<vmem>>, vector<16xi32>,
        %unpack3A_1060 = tpu.unpack_subelements %add3A_1056, 0 {pack_format = #tpu.pack_format<interleaved>} : vector<32xbf16> -> vector<16xf32>
        %unpack3A_1061 = tpu.unpack_subelements %add3A_1056, 1 {pack_format = #tpu.pack_format<interleaved>} : vector<32xbf16> -> vector<16xf32>
        %add3A_1062 = arith.addf %unpack3A_1060, %unpack3A_1061 : vector<16xf32>
        %cumsum3A_1063 = arith.constant true
        %cumsum3A_1064 = vector.broadcast %cumsum3A_1063 : i1 to vector<16xi1>
        %cumsum3A_1065 = tpu.scan <sum>, %add3A_1062 masked %cumsum3A_1064 : vector<16xf32>, vector<16xi1> -> vector<16xf32>
        %swap3A_1066 = arith.index_cast %add3A_1016 : i32 to index
        %swap3A_1067 = tpu.vector_load %arg14[%swap3A_1066] masked %eq3A_190 {strides = array<i32>} : memref<96xf32, #tpu.memory_space<vmem>>, vector<16xf32>, vector<16xi1>
        tpu.vector_store %arg14[%swap3A_1066], %cumsum3A_1065 masked %eq3A_190 {strides = array<i32>} : memref<96xf32, #tpu.memory_space<vmem>>, vector<16xf32>, vector<16xi1>
        %mul3A_1068 = arith.constant 16 : i32
        %mul3A_1069 = arith.muli %scan3A_238, %mul3A_1068 : i32
        %add3A_1070 = arith.constant 15 : i32
        %add3A_1071 = arith.addi %mul3A_1069, %add3A_1070 : i32
        %add3A_1072 = arith.constant 1 : i32
        %add3A_1073 = arith.addi %add3A_1071, %add3A_1072 : i32
        %min3A_1074 = arith.constant 79 : i32
        %min3A_1075 = arith.minsi %add3A_1073, %min3A_1074 : i32
        %get3A_1076 = arith.index_cast %min3A_1075 : i32 to index
        %get3A_1077 = arith.constant 0 : index
        %get3A_1078 = tpu.vector_load %arg11[%get3A_1076, %get3A_1077] {strides = array<i32>} : memref<80x64xi32, #tpu.memory_space<vmem>>, vector<16xi32>,
        %bitcast3A_1079 = vector.bitcast %get3A_1023 : vector<16xi32> to vector<32xbf16>
        %bitcast3A_1080 = vector.bitcast %get3A_1047 : vector<16xi32> to vector<32xbf16>
        %mul3A_1081 = arith.mulf %bitcast3A_1079, %bitcast3A_1080 : vector<32xbf16>
        %get3A_1082 = arith.index_cast %min3A_1075 : i32 to index
        %get3A_1083 = arith.constant 16 : index
        %get3A_1084 = tpu.vector_load %arg11[%get3A_1082, %get3A_1083] {strides = array<i32>} : memref<80x64xi32, #tpu.memory_space<vmem>>, vector<16xi32>,
        %bitcast3A_1085 = vector.bitcast %get3A_1029 : vector<16xi32> to vector<32xbf16>
        %bitcast3A_1086 = vector.bitcast %get3A_1051 : vector<16xi32> to vector<32xbf16>
        %mul3A_1087 = arith.mulf %bitcast3A_1085, %bitcast3A_1086 : vector<32xbf16>
        %get3A_1088 = arith.index_cast %min3A_1075 : i32 to index
        %get3A_1089 = arith.constant 32 : index
        %get3A_1090 = tpu.vector_load %arg11[%get3A_1088, %get3A_1089] {strides = array<i32>} : memref<80x64xi32, #tpu.memory_space<vmem>>, vector<16xi32>,
        %bitcast3A_1091 = vector.bitcast %get3A_1035 : vector<16xi32> to vector<32xbf16>
        %bitcast3A_1092 = vector.bitcast %get3A_1055 : vector<16xi32> to vector<32xbf16>
        %mul3A_1093 = arith.mulf %bitcast3A_1091, %bitcast3A_1092 : vector<32xbf16>
        %get3A_1094 = arith.index_cast %min3A_1075 : i32 to index
        %get3A_1095 = arith.constant 48 : index
        %get3A_1096 = tpu.vector_load %arg11[%get3A_1094, %get3A_1095] {strides = array<i32>} : memref<80x64xi32, #tpu.memory_space<vmem>>, vector<16xi32>,
        %bitcast3A_1097 = vector.bitcast %get3A_1041 : vector<16xi32> to vector<32xbf16>
        %bitcast3A_1098 = vector.bitcast %get3A_1059 : vector<16xi32> to vector<32xbf16>
        %mul3A_1099 = arith.mulf %bitcast3A_1097, %bitcast3A_1098 : vector<32xbf16>
        %get3A_1100 = arith.index_cast %min3A_1075 : i32 to index
        %get3A_1101 = arith.constant 0 : index
        %get3A_1102 = tpu.vector_load %arg12[%get3A_1100, %get3A_1101] {strides = array<i32>} : memref<80x64xi32, #tpu.memory_space<vmem>>, vector<16xi32>,
        %add3A_1103 = arith.addf %mul3A_1081, %mul3A_1087 : vector<32xbf16>
        %get3A_1104 = arith.index_cast %min3A_1075 : i32 to index
        %get3A_1105 = arith.constant 16 : index
        %get3A_1106 = tpu.vector_load %arg12[%get3A_1104, %get3A_1105] {strides = array<i32>} : memref<80x64xi32, #tpu.memory_space<vmem>>, vector<16xi32>,
        %add3A_1107 = arith.addf %mul3A_1093, %mul3A_1099 : vector<32xbf16>
        %get3A_1108 = arith.index_cast %min3A_1075 : i32 to index
        %get3A_1109 = arith.constant 32 : index
        %get3A_1110 = tpu.vector_load %arg12[%get3A_1108, %get3A_1109] {strides = array<i32>} : memref<80x64xi32, #tpu.memory_space<vmem>>, vector<16xi32>,
        %add3A_1111 = arith.addf %add3A_1103, %add3A_1107 : vector<32xbf16>
        %get3A_1112 = arith.index_cast %min3A_1075 : i32 to index
        %get3A_1113 = arith.constant 48 : index
        %get3A_1114 = tpu.vector_load %arg12[%get3A_1112, %get3A_1113] {strides = array<i32>} : memref<80x64xi32, #tpu.memory_space<vmem>>, vector<16xi32>,
        %unpack3A_1115 = tpu.unpack_subelements %add3A_1111, 0 {pack_format = #tpu.pack_format<interleaved>} : vector<32xbf16> -> vector<16xf32>
        %unpack3A_1116 = tpu.unpack_subelements %add3A_1111, 1 {pack_format = #tpu.pack_format<interleaved>} : vector<32xbf16> -> vector<16xf32>
        %add3A_1117 = arith.addf %unpack3A_1115, %unpack3A_1116 : vector<16xf32>
        %cumsum3A_1118 = arith.constant true
        %cumsum3A_1119 = vector.broadcast %cumsum3A_1118 : i1 to vector<16xi1>
        %cumsum3A_1120 = tpu.scan <sum>, %add3A_1117 masked %cumsum3A_1119 : vector<16xf32>, vector<16xi1> -> vector<16xf32>
        %swap3A_1121 = arith.index_cast %add3A_1071 : i32 to index
        %swap3A_1122 = tpu.vector_load %arg14[%swap3A_1121] masked %eq3A_190 {strides = array<i32>} : memref<96xf32, #tpu.memory_space<vmem>>, vector<16xf32>, vector<16xi1>
        tpu.vector_store %arg14[%swap3A_1121], %cumsum3A_1120 masked %eq3A_190 {strides = array<i32>} : memref<96xf32, #tpu.memory_space<vmem>>, vector<16xf32>, vector<16xi1>
        scf.yield %get3A_1078, %get3A_1084, %get3A_1090, %get3A_1096, %get3A_1102, %get3A_1106, %get3A_1110, %get3A_1114 : vector<16xi32>, vector<16xi32>, vector<16xi32>, vector<16xi32>, vector<16xi32>, vector<16xi32>, vector<16xi32>, vector<16xi32>
      }
      %scan3A_228 = arith.constant 5 : i32
      %mul3A_229 = arith.constant 80 : i32
      %mul3A_230 = arith.muli %add3A_150, %mul3A_229 : i32
      %add3A_231 = arith.addi %mul3A_2, %mul3A_230 : i32
      %dma_start3A_232 = arith.constant 0 : i32
      %dma_start3A_233 = tpu.memref_slice %arg14[%dma_start3A_232] : memref<96xf32, #tpu.memory_space<vmem>> -> memref<80xf32, #tpu.memory_space<vmem>>
      %dma_start3A_234 = tpu.memref_slice %arg4[%add3A_231] : memref<640000xf32, #tpu.memory_space<hbm>> -> memref<80xf32, #tpu.memory_space<hbm>>
      %dma_start3A_235 = tpu.memref_slice %arg4[%add3A_231] : memref<640000xf32, #tpu.memory_space<hbm>> -> memref<80xf32, #tpu.memory_space<hbm>>
      %dma_start3A_236 = arith.constant 0 : i32
      %dma_start3A_237 = tpu.memref_slice %arg14[%dma_start3A_236] : memref<96xf32, #tpu.memory_space<vmem>> -> memref<80xf32, #tpu.memory_space<vmem>>
      tpu.enqueue_dma source(%dma_start3A_237 : memref<80xf32, #tpu.memory_space<vmem>>) target(%dma_start3A_235 : memref<80xf32, #tpu.memory_space<hbm>>) target_semaphore(%arg20 : memref<!tpu.dma_semaphore, #tpu.memory_space<semaphore_mem>>)
    }
    %scan3A_33 = arith.constant 125 : i32
    %dma_wait3A_34 = arith.constant 0 : i32
    %dma_wait3A_35 = arith.constant 0 : i32
    %dma_wait3A_36 = tpu.memref_slice %arg2[%dma_wait3A_34, %dma_wait3A_35] : memref<10000x64xi32, #tpu.memory_space<hbm>> -> memref<10000x64xi32, #tpu.memory_space<hbm>>
    tpu.wait_indirect_dma semaphore(%arg15 : memref<!tpu.dma_semaphore, #tpu.memory_space<semaphore_mem>>) src(%dma_wait3A_36 : memref<10000x64xi32, #tpu.memory_space<hbm>>) dst(%arg9 : memref<80x64xi32, #tpu.memory_space<vmem>>)
    %dma_wait3A_37 = arith.constant 0 : i32
    %dma_wait3A_38 = arith.constant 0 : i32
    %dma_wait3A_39 = tpu.memref_slice %arg2[%dma_wait3A_37, %dma_wait3A_38] : memref<10000x64xi32, #tpu.memory_space<hbm>> -> memref<10000x64xi32, #tpu.memory_space<hbm>>
    tpu.wait_indirect_dma semaphore(%arg15 : memref<!tpu.dma_semaphore, #tpu.memory_space<semaphore_mem>>) src(%dma_wait3A_39 : memref<10000x64xi32, #tpu.memory_space<hbm>>) dst(%arg10 : memref<80x64xi32, #tpu.memory_space<vmem>>)
    %add3A_40 = arith.constant 0 : i32
    %add3A_41 = arith.addi %mul3A_2, %add3A_40 : i32
    %dma_wait3A_42 = tpu.memref_slice %arg3[%add3A_41] : memref<1280000xi32, #tpu.memory_space<hbm>> -> memref<80xi32, #tpu.memory_space<hbm>>
    %dma_wait3A_43 = tpu.memref_slice %arg3[%add3A_41] : memref<1280000xi32, #tpu.memory_space<hbm>> -> memref<80xi32, #tpu.memory_space<hbm>>
    tpu.wait_dma2 semaphore(%arg18 : memref<!tpu.dma_semaphore, #tpu.memory_space<semaphore_mem>>) src(%dma_wait3A_43 : memref<80xi32, #tpu.memory_space<hbm>>) dst(%arg7 : memref<80xi32, #tpu.memory_space<vmem>>)
    %dma_wait3A_44 = tpu.memref_slice %arg3[%add3A_41] : memref<1280000xi32, #tpu.memory_space<hbm>> -> memref<80xi32, #tpu.memory_space<hbm>>
    %dma_wait3A_45 = tpu.memref_slice %arg3[%add3A_41] : memref<1280000xi32, #tpu.memory_space<hbm>> -> memref<80xi32, #tpu.memory_space<hbm>>
    tpu.wait_dma2 semaphore(%arg18 : memref<!tpu.dma_semaphore, #tpu.memory_space<semaphore_mem>>) src(%dma_wait3A_45 : memref<80xi32, #tpu.memory_space<hbm>>) dst(%arg8 : memref<80xi32, #tpu.memory_space<vmem>>)
    %dma_wait3A_46 = arith.constant 0 : i32
    %dma_wait3A_47 = tpu.memref_slice %arg13[%dma_wait3A_46] : memref<96xf32, #tpu.memory_space<vmem>> -> memref<80xf32, #tpu.memory_space<vmem>>
    %dma_wait3A_48 = arith.constant 0 : i32
    %dma_wait3A_49 = tpu.memref_slice %arg4[%dma_wait3A_48] : memref<640000xf32, #tpu.memory_space<hbm>> -> memref<80xf32, #tpu.memory_space<hbm>>
    %dma_wait3A_50 = arith.constant 0 : i32
    %dma_wait3A_51 = tpu.memref_slice %arg4[%dma_wait3A_50] : memref<640000xf32, #tpu.memory_space<hbm>> -> memref<80xf32, #tpu.memory_space<hbm>>
    %dma_wait3A_52 = arith.constant 0 : i32
    %dma_wait3A_53 = tpu.memref_slice %arg13[%dma_wait3A_52] : memref<96xf32, #tpu.memory_space<vmem>> -> memref<80xf32, #tpu.memory_space<vmem>>
    tpu.wait_dma2 semaphore(%arg19 : memref<!tpu.dma_semaphore, #tpu.memory_space<semaphore_mem>>) src(%dma_wait3A_53 : memref<80xf32, #tpu.memory_space<vmem>>) dst(%dma_wait3A_51 : memref<80xf32, #tpu.memory_space<hbm>>)
    %dma_wait3A_54 = arith.constant 0 : i32
    %dma_wait3A_55 = tpu.memref_slice %arg14[%dma_wait3A_54] : memref<96xf32, #tpu.memory_space<vmem>> -> memref<80xf32, #tpu.memory_space<vmem>>
    %dma_wait3A_56 = arith.constant 0 : i32
    %dma_wait3A_57 = tpu.memref_slice %arg4[%dma_wait3A_56] : memref<640000xf32, #tpu.memory_space<hbm>> -> memref<80xf32, #tpu.memory_space<hbm>>
    %dma_wait3A_58 = arith.constant 0 : i32
    %dma_wait3A_59 = tpu.memref_slice %arg4[%dma_wait3A_58] : memref<640000xf32, #tpu.memory_space<hbm>> -> memref<80xf32, #tpu.memory_space<hbm>>
    %dma_wait3A_60 = arith.constant 0 : i32
    %dma_wait3A_61 = tpu.memref_slice %arg14[%dma_wait3A_60] : memref<96xf32, #tpu.memory_space<vmem>> -> memref<80xf32, #tpu.memory_space<vmem>>
    tpu.wait_dma2 semaphore(%arg20 : memref<!tpu.dma_semaphore, #tpu.memory_space<semaphore_mem>>) src(%dma_wait3A_61 : memref<80xf32, #tpu.memory_space<vmem>>) dst(%dma_wait3A_59 : memref<80xf32, #tpu.memory_space<hbm>>)
    return
  }
}

module attributes {stable_mosaic.version = 14 : i64} {
  func.func @_tc_reduce_body(%arg0: memref<5000x128xf32, #tpu.memory_space<vmem>>, %arg1: memref<1x1xf32, #tpu.memory_space<smem>>) attributes {dimension_semantics = [], scalar_prefetch = 0 : i64, scratch_operands = 0 : i64, tpu.core_type = #tpu.core_type<tc>} {
    %iota3A = tpu.iota {dimensions = array<i32: 0>} : vector<5000x128xi32>
    %lt3A = arith.constant 2500 : i32
    %lt3A_0 = vector.broadcast %lt3A : i32 to vector<5000x128xi32>
    %lt3A_1 = arith.cmpi slt, %iota3A, %lt3A_0 : vector<5000x128xi32>
    %jit3A = arith.constant -1.000000e+00 : f32
    %jit3A_2 = arith.constant 1.000000e+00 : f32
    %broadcast_in_dim3A = vector.broadcast %jit3A : f32 to vector<5000x128xf32>
    %broadcast_in_dim3A_3 = vector.broadcast %jit3A_2 : f32 to vector<5000x128xf32>
    %select_n3A = arith.select %lt3A_1, %broadcast_in_dim3A, %broadcast_in_dim3A_3 : vector<5000x128xi1>, vector<5000x128xf32>
    %get3A = arith.constant 0 : index
    %get3A_4 = arith.constant 0 : index
    %get3A_5 = vector.load %arg0[%get3A, %get3A_4] : memref<5000x128xf32, #tpu.memory_space<vmem>>, vector<5000x128xf32>
    %mul3A = arith.mulf %get3A_5, %select_n3A : vector<5000x128xf32>
    %max3A = arith.constant 0.000000e+00 : f32
    %max3A_6 = vector.broadcast %max3A : f32 to vector<5000x128xf32>
    %max3A_7 = arith.maximumf %mul3A, %max3A_6 : vector<5000x128xf32>
    %abs3A = math.absf %mul3A : vector<5000x128xf32>
    %neg3A = arith.constant 0.000000e+00 : f32
    %neg3A_8 = vector.broadcast %neg3A : f32 to vector<5000x128xf32>
    %neg3A_9 = arith.subf %neg3A_8, %abs3A : vector<5000x128xf32>
    %exp3A = math.exp %neg3A_9 : vector<5000x128xf32>
    %add3A = arith.constant 1.000000e+00 : f32
    %add3A_10 = vector.broadcast %add3A : f32 to vector<5000x128xf32>
    %add3A_11 = arith.addf %add3A_10, %exp3A : vector<5000x128xf32>
    %log3A = math.log %add3A_11 : vector<5000x128xf32>
    %add3A_12 = arith.addf %max3A_7, %log3A : vector<5000x128xf32>
    %reduce_sum3A = vector.shape_cast %add3A_12 : vector<5000x128xf32> to vector<1x5000x128xf32>
    %reduce_sum3A_13 = arith.constant dense<0.000000e+00> : vector<1xf32>
    %reduce_sum3A_14 = vector.multi_reduction <add>, %reduce_sum3A, %reduce_sum3A_13 [1, 2] : vector<1x5000x128xf32> to vector<1xf32>
    %reduce_sum3A_15 = vector.shape_cast %reduce_sum3A_14 : vector<1xf32> to vector<1x1x1xf32>
    %reduce_sum3A_16 = vector.extract %reduce_sum3A_15[0, 0, 0] : f32 from vector<1x1x1xf32>
    %mul3A_17 = arith.constant 3.125000e-06 : f32
    %mul3A_18 = arith.mulf %reduce_sum3A_16, %mul3A_17 : f32
    %swap3A = arith.constant 0 : index
    %swap3A_19 = arith.constant 0 : index
    %swap3A_20 = memref.load %arg1[%swap3A, %swap3A_19] : memref<1x1xf32, #tpu.memory_space<smem>>
    memref.store %mul3A_18, %arg1[%swap3A, %swap3A_19] : memref<1x1xf32, #tpu.memory_space<smem>>
    return
  }
}

</mosaic_0001>

<sc_bundles>
// kernel: kernel.4.cloned.1.call-start
scs
__scs_entry_jumppad:
0x0: {  	(pc) =	sbr.rel $0x88, $3  }
0x1: {  	(tag) =	ssettag $0x0;
	lr =	simm.s32 $0x1  }
0x2: {  	[smem:$0x3F9E] =	sst lr;
	_ =	strace $0xD0000000  }
0x3: {  	_ = 	snop  }
0x4: {  	_ = 	snop  }
0x5: {  	_ = 	snop  }
0x6: {  	_ = 	snop  }
0x7: {  	_ = 	snop  }
__scs_overlays_trampoline_lowered:
0x8: {  	[smem:$0x3FAD] =	sst s0  }
0x9: {  	[smem:$0x3FAE] =	sst s1  }
0xa: {  	[smem:$0x3FAF] =	sst s2  }
0xb: {  	[smem:$0x3FB0] =	sst s3  }
0xc: {  	[smem:$0x3FB1] =	sst s4  }
0xd: {  	[smem:$0x3FB2] =	sst s5  }
0xe: {  	[smem:$0x3FB3] =	sst s6  }
0xf: {  	[smem:$0x3FB4] =	sst s7  }
0x10: {  	[smem:$0x3FB5] =	sst s8  }
0x11: {  	[smem:$0x3FB6] =	sst s9;
	s0 =	simm.s32 @!p0 $0x0  }
0x12: {  	s1 =	sld [smem:$0x3F9C];
	s0 =	simm.s32 @p0 $0x1  }
0x13: {  	[smem:$0x3FB7] =	sst s0;
	s0 =	simm.s32 @!p1 $0x0  }
0x14: {  	s2 =	sld [smem:$0x3F9B];
	s0 =	simm.s32 @p1 $0x1  }
0x15: {  	[smem:$0x3FB8] =	sst s0;
	s0 =	simm.s32 @!p2 $0x0  }
0x16: {  	s3 =	sld [smem:$0x3FDB];
	s0 =	simm.s32 @p2 $0x1  }
0x17: {  	s4 =	simm.s32 $0x1BF5;
	[smem:$0x3FBA] =	sst s0  }
0x18: {  	s0 =	sld [smem:$0x3F9D];
	_ =	swait.ge [sflag:s4], $0x0  }
0x19: {  	s7 =	sld [smem:$0x3F9E]  }
0x1a: {  	s8 =	sadd.s32 $0xFFFFE003, lr  }
0x1b: {  	s9 =	sadd.s32 $0xFFFFFEF7, lr;
	s5 =	simm.s32 $0xFFFFFFFF;
	p2 =	slt.u32 s8, $0xFFFFF086  }
0x1c: {  	p1 =	slt.u32 s9, $0xF7A;
	s5 =	simm.s32 @!p2 $0x0  }
0x1d: {  	s5 =	simm.s32 @p1 $0x1;
	p0 =	seq.s32 s7, s2  }
0x1e: {  	s7 =	smul.u32 @!p0 $0xF7A, s2;
	p2 =	seq.s32 @!p0 s5, $0x0  }
0x1f: {  	s9 =	smul.u32 $0xF7A, s1;
	s8 =	simm.s32 @!p0 $0x1BF5;
	p2 =	por !p2, p0  }
0x20: {  	[sflag:s8] =	ssyncset.s32 @!p0 $0xFFFFF086;
	s6 =	sadd.s32 @!p0 s3, s7;
	s7 =	simm.s32 @!p0 $0x108  }
0x21: {  	s3 =	sadd.s32 s3, s9;
	s6 =	sadd.s32 @!p0 $0x88, s6;
	s7 =	simm.s32 @p2 $0x1082  }
0x22: {  	[simem:s7], [sflag:s8] =	dma.local @!p0 [hbm:s6], $0xF7A  }
0x23: {  	s9 =	sor.u32 $0xD0000000, s2;
	s6 =	simm.s32 $0x108;
	_ =	swait.ge @!p0 [sflag:s8], $0x0  }
0x24: {  	s3 =	sadd.s32 $0x88, s3;
	s6 =	simm.s32 @!p1 $0x1082;
	[sflag:s4] =	ssyncset.s32 $0xFFFFF086  }
0x25: {  	[simem:s6], [sflag:s4] =	dma.local [hbm:s3], $0xF7A  }
0x26: {  	[smem:$0x3F9E] =	sst s1;
	(tag) =	ssettag s2;
	_ =	strace s9  }
0x27: {  	s1 =	sld [smem:$0x3FAE]  }
0x28: {  	s2 =	sld [smem:$0x3FAF]  }
0x29: {  	s4 =	sld [smem:$0x3FB1]  }
0x2a: {  	p0 =	seq.s32 s5, $0x0;
	s5 =	sld [smem:$0x3FB2]  }
0x2b: {  	s6 =	sld [smem:$0x3FB3]  }
0x2c: {  	s7 =	sld [smem:$0x3FB4]  }
0x2d: {  	s3 =	simm.s32 $0x108;
	s8 =	sld [smem:$0x3FB5]  }
0x2e: {  	s3 =	simm.s32 @!p0 $0x1082;
	s9 =	sld [smem:$0x3FB6]  }
0x2f: {  	lr =	sadd.s32 s0, s3;
	s0 =	sld [smem:$0x3FAD]  }
0x30: {  	s3 =	sld [smem:$0x3FB0]  }
0x31: {  	[smem:$0x3FB9] =	sst s10  }
0x32: {  	s10 =	sld [smem:$0x3FB7];
	_ =	sdelay $0x3  }
0x33: {  	p0 =	seq.s32 s10, $0x1;
	s10 =	sld [smem:$0x3FB9];
	_ =	sdelay $0x3  }
0x34: {  	[smem:$0x3FB9] =	sst s10  }
0x35: {  	s10 =	sld [smem:$0x3FB8];
	_ =	sdelay $0x3  }
0x36: {  	p1 =	seq.s32 s10, $0x1;
	s10 =	sld [smem:$0x3FB9];
	_ =	sdelay $0x3  }
0x37: {  	[smem:$0x3FB9] =	sst s10  }
0x38: {  	s10 =	sld [smem:$0x3FBA]  }
0x39: {  	_ = 	snop;
	(pc) =	sbr.ind lr, $3  }
0x3a: {  	_ = 	snop  }
0x3b: {  	_ = 	snop  }
0x3c: {  	p2 =	seq.s32 s10, $0x1;
	s10 =	sld [smem:$0x3FB9]  }
0x3d: {  	_ =	shalt  }
0x3e: {  	_ =	shalt  }
0x3f: {  	_ =	shalt  }
0x40: {  	_ =	shalt  }
0x41: {  	_ =	shalt  }
0x42: {  	_ =	shalt  }
0x43: {  	_ =	shalt  }
0x44: {  	_ =	shalt  }
0x45: {  	_ =	shalt  }
0x46: {  	_ =	shalt  }
0x47: {  	_ =	shalt  }
0x48: {  	_ =	shalt  }
0x49: {  	_ =	shalt  }
0x4a: {  	_ =	shalt  }
0x4b: {  	_ =	shalt  }
0x4c: {  	_ =	shalt  }
0x4d: {  	_ =	shalt  }
0x4e: {  	_ =	shalt  }
0x4f: {  	_ =	shalt  }
0x50: {  	_ =	shalt  }
0x51: {  	_ =	shalt  }
0x52: {  	_ =	shalt  }
0x53: {  	_ =	shalt  }
0x54: {  	_ =	shalt  }
0x55: {  	_ =	shalt  }
0x56: {  	_ =	shalt  }
0x57: {  	_ =	shalt  }
0x58: {  	_ =	shalt  }
0x59: {  	_ =	shalt  }
0x5a: {  	_ =	shalt  }
0x5b: {  	_ =	shalt  }
0x5c: {  	_ =	shalt  }
0x5d: {  	_ =	shalt  }
0x5e: {  	_ =	shalt  }
0x5f: {  	_ =	shalt  }
0x60: {  	_ =	shalt  }
0x61: {  	_ =	shalt  }
0x62: {  	_ =	shalt  }
0x63: {  	_ =	shalt  }
0x64: {  	_ =	shalt  }
0x65: {  	_ =	shalt  }
0x66: {  	_ =	shalt  }
0x67: {  	_ =	shalt  }
0x68: {  	_ =	shalt  }
0x69: {  	_ =	shalt  }
0x6a: {  	_ =	shalt  }
0x6b: {  	_ =	shalt  }
0x6c: {  	_ =	shalt  }
0x6d: {  	_ =	shalt  }
0x6e: {  	_ =	shalt  }
0x6f: {  	_ =	shalt  }
0x70: {  	_ =	shalt  }
0x71: {  	_ =	shalt  }
0x72: {  	_ =	shalt  }
0x73: {  	_ =	shalt  }
0x74: {  	_ =	shalt  }
0x75: {  	_ =	shalt  }
0x76: {  	_ =	shalt  }
0x77: {  	_ =	shalt  }
0x78: {  	_ =	shalt  }
0x79: {  	_ =	shalt  }
0x7a: {  	_ =	shalt  }
0x7b: {  	_ =	shalt  }
0x7c: {  	_ =	shalt  }
0x7d: {  	_ =	shalt  }
0x7e: {  	_ =	shalt  }
0x7f: {  	_ =	shalt  }
0x80: {  	_ =	shalt  }
0x81: {  	_ =	shalt  }
0x82: {  	_ =	shalt  }
0x83: {  	_ =	shalt  }
0x84: {  	_ =	shalt  }
0x85: {  	_ =	shalt  }
0x86: {  	_ =	shalt  }
0x87: {  	_ =	shalt  }
.Lfunc_end0:
.L_simem_size_0:
called_computation_lowered:
.L_overlay_start_0:
0x88: {  	s2 =	sld [smem:$0x3FD9]  }
0x89: {  	s3 =	sld [smem:$0x3FFE];
	_ =	sdelay $0x1  }
0x8a: {  	s1 =	srdreg.scid  }
0x8b: {  	s0 =	sand.u32 $0x1, s1  }
0x8c: {  	s16 =	sshll.u32 s0, $0xA;
	s2 =	sadd.s32 s3, s2  }
0x8d: {  	s2 =	sadd.s32 s2, s16  }
0x8e: {  	[smem:$0x3FC5] =	sst s2  }
0x8f: {  	_ = 	snop  }
0x90: {  	(tm) =	ssettm $0x1  }
0x91: {  	s17 =	sld [smem:$0x3FFB];
	_ =	sdelay $0x3  }
0x92: {  	_ =	strace s17  }
0x93: {  	s2 =	sld [smem:$0x3FFC];
	_ =	sdelay $0x3  }
0x94: {  	_ =	strace s2  }
0x95: {  	s2 =	sld [smem:$0x3FFD];
	_ =	sdelay $0x3  }
0x96: {  	_ =	strace s2  }
0x97: {  	_ =	strace $0x8FFFFFFF  }
0x98: {  	s18 =	sld [smem:$0x3FDB];
	_ =	sdelay $0x1  }
0x99: {  	s19 =	simm.s32 $_scs_section_size  }
0x9a: {  	s4 =	simm.s32 $_size__tile_overlayer_lowered;
	s5 =	simm.s32 $_tile_overlayer_lowered  }
0x9b: {  	s22 =	simm.s32 $0x1BFF;
	s21 =	sshll.u32 s5, $0x1;
	s2 =	sadd.s32 s19, s18  }
0x9c: {  	s6 =	simm.s32 $0x0;
	s20 =	sshll.u32 s4, $0x1;
	s4 =	sadd.s32 s21, s2  }
0x9d: {  	[timem:s6], [sflag:s22] =	dma.local [hbm:s4], s20  }
0x9e: {  	_ =	swait.ge [sflag:s22], s20  }
0x9f: {  	s3 =	ssub.s32 $0x0, s20;
	[sflag:s22] =	ssyncset.done $0x0  }
0xa0: {  	[sflag:s22] =	ssyncadd.s32 s3;
	_ =	sdelay $0x1  }
0xa1: {  	s23 =	simm.s32 $0x1B8B  }
0xa2: {  	_ =	swait.ge [sflag:s23], $0x1  }
0xa3: {  	[sflag:s23] =	ssyncset.done $0x0  }
0xa4: {  	s25 =	simm.s32 $0x1B8E;
	s24 =	sld [smem:$0x3FFE];
	[sflag:s23] =	ssyncadd.s32 $0xFFFFFFFF  }
0xa5: {  	s26 =	simm.s32 $execute0_lowered;
	[smem:$0x3FD2] =	sst s25  }
0xa6: {  	s4 =	sshll.u32 s26, $0x1;
	_ =	strace $0x80000046;
	[dreg:$0x1] =	wrdreg $0xFFFFFFFF  }
0xa7: {  	s28 =	simm.s32 $_size_execute0_lowered;
	s2 =	sadd.s32 s2, s4;
	[dreg:$0x0] =	wrdreg $0x0  }
0xa8: {  	s4 =	sshll.u32 s28, $0x1;
	[dreg:$0x2] =	wrdreg s2  }
0xa9: {  	[dreg:$0x3] =	wrdreg s4  }
0xaa: {  	[dreg:$0x4] =	wrdreg $0xC0  }
0xab: {  	_ =	task [dreg:s6], $0x5FFFF  }
0xac: {  	[dreg:$0x1] =	wrdreg $0xFFFFFFFF  }
0xad: {  	[dreg:$0x0] =	wrdreg $0x60  }
0xae: {  	[dreg:$0x2] =	wrdreg s24  }
0xaf: {  	[dreg:$0x3] =	wrdreg $0x9  }
0xb0: {  	_ =	task.clear_ibuf [dreg:s6], $0x4FFFF;
	_ =	strace $0x90000046  }
0xb1: {  	s29 =	simm.s32 $0x9;
	_ =	strace $0x80000048  }
0xb2: {  	_ =	swait.ge [sflag:s29], $0x1  }
0xb3: {  	[sflag:s29] =	ssyncadd.s32 $0xFFFFFFFF  }
0xb4: {  	_ =	strace $0x90000048  }
0xb5: {  	_ =	sfence  }
0xb6: {  	s30 =	sld [smem:$0x0];
	_ =	sdelay $0x2  }
0xb7: {  	s31 =	sshll.u32 s1, $0xD;
	s1 =	sshrl.u32 s1, $0x2  }
0xb8: {  	s3 =	sand.u32 $0x4000, s31;
	s1 =	sadd.s32 s1, s30  }
0xb9: {  	s0 =	sor.u32 s3, s0;
	s1 =	sshll.u32 s1, $0x11  }
0xba: {  	s0 =	sor.u32 s1, s0  }
0xbb: {  	s0 =	sadd.s32 $0x8F2B, s0  }
0xbc: {  	[sflag:s0] =	ssyncadd.remote.s32 $0x1  }
0xbd: {  	_ =	sfence.sel $0xFFFF  }
0xbe: {  	[dreg:$0x0] =	wrdreg $0xFFFFFFFF;
	(pc) =	sbr.abs _section_cstart, $3  }
0xbf: {  	[dreg:$0x1] =	wrdreg $0xFFFFFFFF  }
0xc0: {  	_ =	task.clear_ibuf [dreg:s6], $0x2FFFF;
	_ =	strace $0x9FFFFFFF  }
0xc1: {  	(tm) =	ssettm $0x7FFFFFFF  }
tec
execute0_lowered:
.L_overlay_start_1:
0x0: {  	(tag) =	ssettag $0x1  }
0x1: {  	s0 =	srdreg.scid  }
0x2: {  	s2 =	stileid.u32;
	s1 =	rddreg [dreg:$0x0];
	s15 =	simm.s32 $0x50  }
0x3: {  	s16 =	simm.s32 $0x3;
	s17 =	simm.s32 $0x140;
	s18 =	simm.s32 $0x1540  }
0x4: {  	s19 =	simm.s32 $0xA0;
	s20 =	simm.s32 $0xF0;
	s21 =	simm.s32 $0x1  }
0x5: {  	s22 =	simm.s32 $0x4;
	s23 =	simm.s32 $0x2940;
	s24 =	simm.s32 $0x3D40  }
0x6: {  	s28 =	simm.s32 $0x51A0;
	s30 =	simm.s32 $0x6;
	s31 =	simm.s32 $0x0  }
0x7: {  	s0 =	sand.u32 $0x1, s0;
	s3 =	sshll.u32 s2, $0x1;
	s2 =	simm.s32 $0x0  }
0x8: {  	s4 =	sadd.s32 $0x600, s1;
	s3 =	sor.u32 s0, s3;
	s0 =	ssub.s32 $0x2, s0  }
0x9: {  	s5 =	sadd.s32 $0x14000, s1;
	s3 =	smul.u32 $0x4E20, s3;
	s7 =	sshrl.u32 s0, $0x1  }
0xa: {  	s6 =	sadd.s32 $0x3B200, s1;
	[smem:$0x7FF] =	sst s2;
	s0 =	ssub.s32 s0, s7  }
0xb: {  	_ =	strace $0x80000047;
	s25 =	sshrl.u32 s3, $0x3;
	s0 =	smax.u32 s0, $0x1  }
0xc: {  	s8 =	sadd.s32 $0x50, s3;
	s9 =	sadd.s32 s5, s25;
	[dreg:$0x6] =	wrdreg s0  }
0xd: {  	s12 =	sadd.s32 $0xA0, s3;
	s1 =	sadd.s32 $0x13880, s9;
	[dreg:$0x2] =	wrdreg s9  }
0xe: {  	s26 =	sshrl.u32 s8, $0x3;
	s29 =	sadd.s32 $0x1388A, s9;
	[dreg:$0x3] =	wrdreg s1  }
0xf: {  	s13 =	sadd.s32 $0xF0, s3;
	s1 =	sadd.s32 s5, s26;
	[dreg:$0x5] =	wrdreg s29  }
0x10: {  	vm0 =	vcmask $0x3F3C;
	s25 =	simm.s32 $0x5140;
	s26 =	simm.s32 $0x2;
	[dreg:$0x4] =	wrdreg s1  }
.LBB2_1:
0x11: {  	s0 =	rddreg [dreg:$0x2]  }
0x12: {  	[tilespmem:s2], [sflag:$0x3] =	stream.linear.gather [hbm4b:s0+s2], $0x50, $0x38;
	[tilespmem:$0x5200] =	vst v63  }
0x13: {  	s11 =	rddreg [dreg:$0x3]  }
0x14: {  	[tilespmem:s15], [sflag:$0x3] =	stream.linear.gather [hbm4b:s11+s2], $0x50, $0x38;
	[tilespmem:$0x5200] =	vst v63  }
0x15: {  	_ =	swait.ge [sflag:s16], $0x50  }
0x16: {  	[sflag:s16] =	ssyncset.done $0x0  }
0x17: {  	[sflag:s16] =	ssyncadd.s32 $0xFFFFFFB0  }
0x18: {  	_ =	swait.ge [sflag:s16], $0x50  }
0x19: {  	[sflag:s16] =	ssyncset.done $0x0  }
0x1a: {  	[sflag:s16] =	ssyncadd.s32 $0xFFFFFFB0  }
0x1b: {  	[tilespmem:s17], [sflag:$0x1] =	stream.indirect.gather [hbm4b:s4+s15], $0x40, s2, s15, $0xb8;
	[tilespmem:$0x5200] =	vst v63  }
0x1c: {  	_ = 	snop  }
0x1d: {  	[tilespmem:s18], [sflag:$0x1] =	stream.indirect.gather [hbm4b:s4+s15], $0x40, s15, s15, $0xb8;
	[tilespmem:$0x5200] =	vst v63  }
0x1e: {  	s14 =	rddreg [dreg:$0x4]  }
0x1f: {  	[tilespmem:s19], [sflag:$0x4] =	stream.linear.gather [hbm4b:s14+s2], $0x50, $0x38;
	[tilespmem:$0x5200] =	vst v63  }
0x20: {  	s1 =	simm.s32 $0x0;
	s29 =	rddreg [dreg:$0x5]  }
0x21: {  	[tilespmem:s20], [sflag:$0x4] =	stream.linear.gather [hbm4b:s29+s2], $0x50, $0x38;
	[tilespmem:$0x5200] =	vst v63  }
.LBB2_2:
0x22: {  	_ =	swait.ge [sflag:s21], $0x1400  }
0x23: {  	[sflag:s21] =	ssyncset.done $0x0  }
0x24: {  	[sflag:s21] =	ssyncadd.s32 $0xFFFFEC00  }
0x25: {  	_ =	swait.ge [sflag:s21], $0x1400  }
0x26: {  	[sflag:s21] =	ssyncset.done $0x0  }
0x27: {  	[sflag:s21] =	ssyncadd.s32 $0xFFFFEC00  }
0x28: {  	_ =	swait.ge [sflag:s22], $0x50  }
0x29: {  	s0 =	sshll.u32 s1, $0x1;
	[sflag:s22] =	ssyncset.done $0x0  }
0x2a: {  	s7 =	smin.u32 s0, $0xF7;
	[sflag:s22] =	ssyncadd.s32 $0xFFFFFFB0  }
0x2b: {  	s7 =	smul.u32 $0x50, s7;
	_ =	swait.ge [sflag:s22], $0x50  }
0x2c: {  	[sflag:s22] =	ssyncset.done $0x0  }
0x2d: {  	s7 =	sadd.s32 s7, s12;
	[sflag:s22] =	ssyncadd.s32 $0xFFFFFFB0  }
0x2e: {  	[tilespmem:s23], [sflag:$0x2] =	stream.indirect.gather [hbm4b:s4+s15], $0x40, s19, s15, $0xb8;
	[tilespmem:$0x5200] =	vst v63  }
0x2f: {  	s7 =	sshrl.u32 s7, $0x3  }
0x30: {  	[tilespmem:s24], [sflag:$0x2] =	stream.indirect.gather [hbm4b:s4+s15], $0x40, s20, s15, $0xb8;
	[tilespmem:$0x5200] =	vst v63  }
0x31: {  	s7 =	sadd.s32 s5, s7  }
0x32: {  	[tilespmem:s2], [sflag:$0x3] =	stream.linear.gather [hbm4b:s7+s2], $0x50, $0x38;
	[tilespmem:$0x5200] =	vst v63  }
0x33: {  	p0 =	seq.s32 s1, $0x0;
	s7 =	sadd.s32 $0x13880, s7  }
0x34: {  	[tilespmem:s15], [sflag:$0x3] =	stream.linear.gather [hbm4b:s7+s2], $0x50, $0x38;
	[tilespmem:$0x5200] =	vst v63  }
0x35: {  	s7 =	simm.s32 @!p0 $0x5  }
0x36: {  	_ =	swait.ge @!p0 [sflag:s7], $0x50  }
0x37: {  	[sflag:s7] =	ssyncset.done @!p0 $0x0  }
0x38: {  	[sflag:s7] =	ssyncadd.s32 @!p0 $0xFFFFFFB0  }
0x39: {  	v0 =	vld [tilespmem:$0x140]  }
0x3a: {  	v3 =	vld [tilespmem:$0x150]  }
0x3b: {  	v2 =	vld [tilespmem:$0x160]  }
0x3c: {  	v1 =	vld [tilespmem:$0x170]  }
0x3d: {  	v4 =	vld [tilespmem:$0x1540]  }
0x3e: {  	v6 =	vld [tilespmem:$0x1550]  }
0x3f: {  	s9 =	simm.s32 $0x0;
	v5 =	vld [tilespmem:$0x1560]  }
0x40: {  	s10 =	simm.s32 $0x340;
	s11 =	simm.s32 $0x1740;
	s14 =	simm.s32 $0x0;
	v7 =	vld [tilespmem:$0x1570]  }
.LBB2_3:
0x41: {  	_ = 	snop  }
0x42: {  	v8 =	vld [tilespmem:s10+$0xFFFFFE40]  }
0x43: {  	v9 =	vld [tilespmem:s10+$0xFFFFFE50]  }
0x44: {  	v0 =	vmul.bf16 v4, v0;
	v3 =	vmul.bf16 v6, v3;
	v4 =	vld [tilespmem:s10+$0xFFFFFE60]  }
0x45: {  	v2 =	vmul.bf16 v5, v2;
	v5 =	vld [tilespmem:s10+$0xFFFFFE70];
	v1 =	vmul.bf16 v7, v1  }
0x46: {  	v6 =	vld [tilespmem:s11+$0xFFFFFE40]  }
0x47: {  	v0 =	vadd.bf16 v3, v0;
	v3 =	vld [tilespmem:s11+$0xFFFFFE50];
	v1 =	vadd.bf16 v1, v2  }
0x48: {  	v2 =	vld [tilespmem:s11+$0xFFFFFE60]  }
0x49: {  	v0 =	vadd.bf16 v1, v0;
	v1 =	vld [tilespmem:s11+$0xFFFFFE70];
	_ =	sdelay $0x1  }
0x4a: {  	v7 =	vunpack.i.u.bf16.f32 v0;
	v0 =	vunpack.i.l.bf16.f32 v0  }
0x4b: {  	v0 =	vadd.f32 v0, v7  }
0x4c: {  	v6 =	vmul.bf16 v6, v8;
	v3 =	vmul.bf16 v3, v9  }
0x4d: {  	(xrf2) =	vadd.scan.msk.f32 $0xffff, v0;
	v0 =	vmul.bf16 v2, v4;
	v1 =	vmul.bf16 v1, v5;
	_ =	sdelay $0x1  }
0x4e: {  	v2 =	vadd.bf16 v3, v6;
	v0 =	vadd.bf16 v1, v0;
	_ =	sdelay $0x1  }
0x4f: {  	v0 =	vadd.bf16 v0, v2;
	_ =	sdelay $0x1  }
0x50: {  	v1 =	vunpack.i.u.bf16.f32 v0;
	v0 =	vunpack.i.l.bf16.f32 v0  }
0x51: {  	v0 =	vadd.f32 v0, v1;
	_ =	sdelay $0x2  }
0x52: {  	(xrf2) =	vadd.scan.msk.f32 $0xffff, v0  }
0x53: {  	s7 =	sshra.s32 s14, $0x2;
	v0, _, _ =	vpop (xrf2)  }
0x54: {  	[tilespmem:s7+$0x5140] =	vst.msk vm0, v0  }
0x55: {  	v0 =	vld [tilespmem:s10+$0xFFFFFE80]  }
0x56: {  	v1 =	vld [tilespmem:s10+$0xFFFFFE90]  }
0x57: {  	v2 =	vld [tilespmem:s10+$0xFFFFFEA0]  }
0x58: {  	v3 =	vld [tilespmem:s10+$0xFFFFFEB0]  }
0x59: {  	v4 =	vld [tilespmem:s11+$0xFFFFFE80]  }
0x5a: {  	v5 =	vld [tilespmem:s11+$0xFFFFFE90]  }
0x5b: {  	v6 =	vld [tilespmem:s11+$0xFFFFFEA0]  }
0x5c: {  	v7 =	vld [tilespmem:s11+$0xFFFFFEB0];
	v8, _, _ =	vpop (xrf2)  }
0x5d: {  	[tilespmem:s7+$0x5141] =	vst.msk vm0, v8  }
0x5e: {  	v8 =	vld [tilespmem:s10+$0xFFFFFEC0]  }
0x5f: {  	v57 =	vld [tilespmem:s10+$0xFFFFFED0]  }
0x60: {  	v0 =	vmul.bf16 v4, v0;
	v1 =	vmul.bf16 v5, v1;
	v4 =	vld [tilespmem:s10+$0xFFFFFEE0]  }
0x61: {  	v2 =	vmul.bf16 v6, v2;
	v3 =	vmul.bf16 v7, v3;
	v5 =	vld [tilespmem:s10+$0xFFFFFEF0]  }
0x62: {  	v6 =	vld [tilespmem:s11+$0xFFFFFEC0]  }
0x63: {  	v0 =	vadd.bf16 v1, v0;
	v2 =	vadd.bf16 v3, v2;
	v1 =	vld [tilespmem:s11+$0xFFFFFED0]  }
0x64: {  	v3 =	vld [tilespmem:s11+$0xFFFFFEE0]  }
0x65: {  	v0 =	vadd.bf16 v2, v0;
	v2 =	vld [tilespmem:s11+$0xFFFFFEF0];
	_ =	sdelay $0x1  }
0x66: {  	v7 =	vunpack.i.u.bf16.f32 v0;
	v0 =	vunpack.i.l.bf16.f32 v0  }
0x67: {  	v0 =	vadd.f32 v0, v7  }
0x68: {  	v6 =	vmul.bf16 v6, v8;
	v1 =	vmul.bf16 v1, v57  }
0x69: {  	(xrf2) =	vadd.scan.msk.f32 $0xffff, v0;
	v0 =	vmul.bf16 v3, v4;
	v2 =	vmul.bf16 v2, v5;
	_ =	sdelay $0x1  }
0x6a: {  	v1 =	vadd.bf16 v1, v6;
	v0 =	vadd.bf16 v2, v0;
	_ =	sdelay $0x1  }
0x6b: {  	v0 =	vadd.bf16 v0, v1;
	_ =	sdelay $0x1  }
0x6c: {  	v1 =	vunpack.i.u.bf16.f32 v0;
	v0 =	vunpack.i.l.bf16.f32 v0  }
0x6d: {  	v0 =	vadd.f32 v0, v1;
	_ =	sdelay $0x2  }
0x6e: {  	(xrf2) =	vadd.scan.msk.f32 $0xffff, v0  }
0x6f: {  	v0, _, _ =	vpop (xrf2)  }
0x70: {  	[tilespmem:s7+$0x5142] =	vst.msk vm0, v0  }
0x71: {  	v0 =	vld [tilespmem:s10+$0xFFFFFF00]  }
0x72: {  	v1 =	vld [tilespmem:s10+$0xFFFFFF10]  }
0x73: {  	v2 =	vld [tilespmem:s10+$0xFFFFFF20]  }
0x74: {  	v3 =	vld [tilespmem:s10+$0xFFFFFF30]  }
0x75: {  	v4 =	vld [tilespmem:s11+$0xFFFFFF00]  }
0x76: {  	v5 =	vld [tilespmem:s11+$0xFFFFFF10]  }
0x77: {  	v6 =	vld [tilespmem:s11+$0xFFFFFF20]  }
0x78: {  	v7 =	vld [tilespmem:s11+$0xFFFFFF30];
	v8, _, _ =	vpop (xrf2)  }
0x79: {  	[tilespmem:s7+$0x5143] =	vst.msk vm0, v8  }
0x7a: {  	v8 =	vld [tilespmem:s10+$0xFFFFFF40]  }
0x7b: {  	v58 =	vld [tilespmem:s10+$0xFFFFFF50]  }
0x7c: {  	v0 =	vmul.bf16 v4, v0;
	v1 =	vmul.bf16 v5, v1;
	v4 =	vld [tilespmem:s10+$0xFFFFFF60]  }
0x7d: {  	v2 =	vmul.bf16 v6, v2;
	v3 =	vmul.bf16 v7, v3;
	v5 =	vld [tilespmem:s10+$0xFFFFFF70]  }
0x7e: {  	v6 =	vld [tilespmem:s11+$0xFFFFFF40]  }
0x7f: {  	v0 =	vadd.bf16 v1, v0;
	v2 =	vadd.bf16 v3, v2;
	v1 =	vld [tilespmem:s11+$0xFFFFFF50]  }
0x80: {  	v3 =	vld [tilespmem:s11+$0xFFFFFF60]  }
0x81: {  	v0 =	vadd.bf16 v2, v0;
	v2 =	vld [tilespmem:s11+$0xFFFFFF70];
	_ =	sdelay $0x1  }
0x82: {  	v7 =	vunpack.i.u.bf16.f32 v0;
	v0 =	vunpack.i.l.bf16.f32 v0  }
0x83: {  	v0 =	vadd.f32 v0, v7  }
0x84: {  	v6 =	vmul.bf16 v6, v8;
	v1 =	vmul.bf16 v1, v58  }
0x85: {  	(xrf2) =	vadd.scan.msk.f32 $0xffff, v0;
	v0 =	vmul.bf16 v3, v4;
	v2 =	vmul.bf16 v2, v5;
	_ =	sdelay $0x1  }
0x86: {  	v1 =	vadd.bf16 v1, v6;
	v0 =	vadd.bf16 v2, v0;
	_ =	sdelay $0x1  }
0x87: {  	v0 =	vadd.bf16 v0, v1;
	_ =	sdelay $0x1  }
0x88: {  	v1 =	vunpack.i.u.bf16.f32 v0;
	v0 =	vunpack.i.l.bf16.f32 v0  }
0x89: {  	v0 =	vadd.f32 v0, v1;
	_ =	sdelay $0x2  }
0x8a: {  	(xrf2) =	vadd.scan.msk.f32 $0xffff, v0  }
0x8b: {  	v0, _, _ =	vpop (xrf2)  }
0x8c: {  	[tilespmem:s7+$0x5144] =	vst.msk vm0, v0  }
0x8d: {  	v0 =	vld [tilespmem:s10+$0xFFFFFF80]  }
0x8e: {  	v1 =	vld [tilespmem:s10+$0xFFFFFF90]  }
0x8f: {  	v2 =	vld [tilespmem:s10+$0xFFFFFFA0]  }
0x90: {  	v3 =	vld [tilespmem:s10+$0xFFFFFFB0]  }
0x91: {  	v4 =	vld [tilespmem:s11+$0xFFFFFF80]  }
0x92: {  	v5 =	vld [tilespmem:s11+$0xFFFFFF90]  }
0x93: {  	v6 =	vld [tilespmem:s11+$0xFFFFFFA0]  }
0x94: {  	v7 =	vld [tilespmem:s11+$0xFFFFFFB0];
	v8, _, _ =	vpop (xrf2)  }
0x95: {  	[tilespmem:s7+$0x5145] =	vst.msk vm0, v8  }
0x96: {  	v8 =	vld [tilespmem:s10+$0xFFFFFFC0]  }
0x97: {  	v59 =	vld [tilespmem:s10+$0xFFFFFFD0]  }
0x98: {  	v0 =	vmul.bf16 v4, v0;
	v1 =	vmul.bf16 v5, v1;
	v4 =	vld [tilespmem:s10+$0xFFFFFFE0]  }
0x99: {  	v2 =	vmul.bf16 v6, v2;
	v3 =	vmul.bf16 v7, v3;
	v5 =	vld [tilespmem:s10+$0xFFFFFFF0]  }
0x9a: {  	v6 =	vld [tilespmem:s11+$0xFFFFFFC0]  }
0x9b: {  	v0 =	vadd.bf16 v1, v0;
	v2 =	vadd.bf16 v3, v2;
	v1 =	vld [tilespmem:s11+$0xFFFFFFD0]  }
0x9c: {  	v3 =	vld [tilespmem:s11+$0xFFFFFFE0]  }
0x9d: {  	v0 =	vadd.bf16 v2, v0;
	v2 =	vld [tilespmem:s11+$0xFFFFFFF0];
	_ =	sdelay $0x1  }
0x9e: {  	v7 =	vunpack.i.u.bf16.f32 v0;
	v0 =	vunpack.i.l.bf16.f32 v0  }
0x9f: {  	v0 =	vadd.f32 v0, v7  }
0xa0: {  	v6 =	vmul.bf16 v6, v8;
	v1 =	vmul.bf16 v1, v59  }
0xa1: {  	(xrf2) =	vadd.scan.msk.f32 $0xffff, v0;
	v0 =	vmul.bf16 v3, v4;
	v2 =	vmul.bf16 v2, v5;
	_ =	sdelay $0x1  }
0xa2: {  	v1 =	vadd.bf16 v1, v6;
	v0 =	vadd.bf16 v2, v0;
	_ =	sdelay $0x1  }
0xa3: {  	v0 =	vadd.bf16 v0, v1;
	_ =	sdelay $0x1  }
0xa4: {  	v1 =	vunpack.i.u.bf16.f32 v0;
	v0 =	vunpack.i.l.bf16.f32 v0  }
0xa5: {  	v0 =	vadd.f32 v0, v1;
	_ =	sdelay $0x2  }
0xa6: {  	(xrf2) =	vadd.scan.msk.f32 $0xffff, v0  }
0xa7: {  	v0, _, _ =	vpop (xrf2)  }
0xa8: {  	[tilespmem:s7+$0x5146] =	vst.msk vm0, v0  }
0xa9: {  	v0 =	vld [tilespmem:s10+$0x0]  }
0xaa: {  	v1 =	vld [tilespmem:s10+$0x10]  }
0xab: {  	v2 =	vld [tilespmem:s10+$0x20]  }
0xac: {  	v3 =	vld [tilespmem:s10+$0x30]  }
0xad: {  	v4 =	vld [tilespmem:s11+$0x0]  }
0xae: {  	v5 =	vld [tilespmem:s11+$0x10]  }
0xaf: {  	v6 =	vld [tilespmem:s11+$0x20]  }
0xb0: {  	v7 =	vld [tilespmem:s11+$0x30];
	v8, _, _ =	vpop (xrf2)  }
0xb1: {  	[tilespmem:s7+$0x5147] =	vst.msk vm0, v8  }
0xb2: {  	v8 =	vld [tilespmem:s10+$0x40]  }
0xb3: {  	v60 =	vld [tilespmem:s10+$0x50]  }
0xb4: {  	v0 =	vmul.bf16 v4, v0;
	v1 =	vmul.bf16 v5, v1;
	v4 =	vld [tilespmem:s10+$0x60]  }
0xb5: {  	v2 =	vmul.bf16 v6, v2;
	v3 =	vmul.bf16 v7, v3;
	v5 =	vld [tilespmem:s10+$0x70]  }
0xb6: {  	v6 =	vld [tilespmem:s11+$0x40]  }
0xb7: {  	v0 =	vadd.bf16 v1, v0;
	v2 =	vadd.bf16 v3, v2;
	v1 =	vld [tilespmem:s11+$0x50]  }
0xb8: {  	v3 =	vld [tilespmem:s11+$0x60]  }
0xb9: {  	v0 =	vadd.bf16 v2, v0;
	v2 =	vld [tilespmem:s11+$0x70];
	_ =	sdelay $0x1  }
0xba: {  	v7 =	vunpack.i.u.bf16.f32 v0;
	v0 =	vunpack.i.l.bf16.f32 v0  }
0xbb: {  	v0 =	vadd.f32 v0, v7  }
0xbc: {  	v6 =	vmul.bf16 v6, v8;
	v1 =	vmul.bf16 v1, v60  }
0xbd: {  	(xrf2) =	vadd.scan.msk.f32 $0xffff, v0;
	v0 =	vmul.bf16 v3, v4;
	v2 =	vmul.bf16 v2, v5;
	_ =	sdelay $0x1  }
0xbe: {  	v1 =	vadd.bf16 v1, v6;
	v0 =	vadd.bf16 v2, v0;
	_ =	sdelay $0x1  }
0xbf: {  	v0 =	vadd.bf16 v0, v1;
	_ =	sdelay $0x1  }
0xc0: {  	v1 =	vunpack.i.u.bf16.f32 v0;
	v0 =	vunpack.i.l.bf16.f32 v0  }
0xc1: {  	v0 =	vadd.f32 v0, v1;
	_ =	sdelay $0x2  }
0xc2: {  	(xrf2) =	vadd.scan.msk.f32 $0xffff, v0  }
0xc3: {  	v0, _, _ =	vpop (xrf2)  }
0xc4: {  	[tilespmem:s7+$0x5148] =	vst.msk vm0, v0  }
0xc5: {  	v0 =	vld [tilespmem:s10+$0x80]  }
0xc6: {  	v1 =	vld [tilespmem:s10+$0x90]  }
0xc7: {  	v2 =	vld [tilespmem:s10+$0xA0]  }
0xc8: {  	v3 =	vld [tilespmem:s10+$0xB0]  }
0xc9: {  	v4 =	vld [tilespmem:s11+$0x80]  }
0xca: {  	v5 =	vld [tilespmem:s11+$0x90]  }
0xcb: {  	v6 =	vld [tilespmem:s11+$0xA0]  }
0xcc: {  	v7 =	vld [tilespmem:s11+$0xB0];
	v8, _, _ =	vpop (xrf2)  }
0xcd: {  	[tilespmem:s7+$0x5149] =	vst.msk vm0, v8  }
0xce: {  	v8 =	vld [tilespmem:s10+$0xC0]  }
0xcf: {  	v61 =	vld [tilespmem:s10+$0xD0]  }
0xd0: {  	v0 =	vmul.bf16 v4, v0;
	v1 =	vmul.bf16 v5, v1;
	v4 =	vld [tilespmem:s10+$0xE0]  }
0xd1: {  	v2 =	vmul.bf16 v6, v2;
	v3 =	vmul.bf16 v7, v3;
	v5 =	vld [tilespmem:s10+$0xF0]  }
0xd2: {  	v6 =	vld [tilespmem:s11+$0xC0]  }
0xd3: {  	v0 =	vadd.bf16 v1, v0;
	v2 =	vadd.bf16 v3, v2;
	v1 =	vld [tilespmem:s11+$0xD0]  }
0xd4: {  	v3 =	vld [tilespmem:s11+$0xE0]  }
0xd5: {  	v0 =	vadd.bf16 v2, v0;
	v2 =	vld [tilespmem:s11+$0xF0];
	_ =	sdelay $0x1  }
0xd6: {  	v7 =	vunpack.i.u.bf16.f32 v0;
	v0 =	vunpack.i.l.bf16.f32 v0  }
0xd7: {  	v0 =	vadd.f32 v0, v7  }
0xd8: {  	v6 =	vmul.bf16 v6, v8;
	v1 =	vmul.bf16 v1, v61  }
0xd9: {  	(xrf2) =	vadd.scan.msk.f32 $0xffff, v0;
	v0 =	vmul.bf16 v3, v4;
	v2 =	vmul.bf16 v2, v5;
	_ =	sdelay $0x1  }
0xda: {  	v1 =	vadd.bf16 v1, v6;
	v0 =	vadd.bf16 v2, v0;
	_ =	sdelay $0x1  }
0xdb: {  	v0 =	vadd.bf16 v0, v1;
	_ =	sdelay $0x1  }
0xdc: {  	v1 =	vunpack.i.u.bf16.f32 v0;
	v0 =	vunpack.i.l.bf16.f32 v0  }
0xdd: {  	v0 =	vadd.f32 v0, v1;
	_ =	sdelay $0x2  }
0xde: {  	(xrf2) =	vadd.scan.msk.f32 $0xffff, v0  }
0xdf: {  	v0, _, _ =	vpop (xrf2)  }
0xe0: {  	[tilespmem:s7+$0x514A] =	vst.msk vm0, v0  }
0xe1: {  	v0 =	vld [tilespmem:s10+$0x100]  }
0xe2: {  	v1 =	vld [tilespmem:s10+$0x110]  }
0xe3: {  	v2 =	vld [tilespmem:s10+$0x120]  }
0xe4: {  	v3 =	vld [tilespmem:s10+$0x130]  }
0xe5: {  	v4 =	vld [tilespmem:s11+$0x100]  }
0xe6: {  	v5 =	vld [tilespmem:s11+$0x110]  }
0xe7: {  	v6 =	vld [tilespmem:s11+$0x120]  }
0xe8: {  	v7 =	vld [tilespmem:s11+$0x130];
	v8, _, _ =	vpop (xrf2)  }
0xe9: {  	[tilespmem:s7+$0x514B] =	vst.msk vm0, v8  }
0xea: {  	v8 =	vld [tilespmem:s10+$0x140]  }
0xeb: {  	v62 =	vld [tilespmem:s10+$0x150]  }
0xec: {  	v0 =	vmul.bf16 v4, v0;
	v1 =	vmul.bf16 v5, v1;
	v4 =	vld [tilespmem:s10+$0x160]  }
0xed: {  	v2 =	vmul.bf16 v6, v2;
	v3 =	vmul.bf16 v7, v3;
	v5 =	vld [tilespmem:s10+$0x170]  }
0xee: {  	v6 =	vld [tilespmem:s11+$0x140]  }
0xef: {  	v0 =	vadd.bf16 v1, v0;
	v2 =	vadd.bf16 v3, v2;
	v1 =	vld [tilespmem:s11+$0x150]  }
0xf0: {  	v3 =	vld [tilespmem:s11+$0x160]  }
0xf1: {  	v0 =	vadd.bf16 v2, v0;
	v2 =	vld [tilespmem:s11+$0x170];
	_ =	sdelay $0x1  }
0xf2: {  	v7 =	vunpack.i.u.bf16.f32 v0;
	v0 =	vunpack.i.l.bf16.f32 v0  }
0xf3: {  	v0 =	vadd.f32 v0, v7  }
0xf4: {  	v6 =	vmul.bf16 v6, v8;
	v1 =	vmul.bf16 v1, v62  }
0xf5: {  	(xrf2) =	vadd.scan.msk.f32 $0xffff, v0;
	v0 =	vmul.bf16 v3, v4;
	v2 =	vmul.bf16 v2, v5;
	_ =	sdelay $0x1  }
0xf6: {  	v1 =	vadd.bf16 v1, v6;
	v0 =	vadd.bf16 v2, v0;
	_ =	sdelay $0x1  }
0xf7: {  	v0 =	vadd.bf16 v0, v1;
	_ =	sdelay $0x1  }
0xf8: {  	v1 =	vunpack.i.u.bf16.f32 v0;
	v0 =	vunpack.i.l.bf16.f32 v0  }
0xf9: {  	v0 =	vadd.f32 v0, v1;
	_ =	sdelay $0x2  }
0xfa: {  	(xrf2) =	vadd.scan.msk.f32 $0xffff, v0  }
0xfb: {  	v0, _, _ =	vpop (xrf2)  }
0xfc: {  	[tilespmem:s7+$0x514C] =	vst.msk vm0, v0  }
0xfd: {  	v0 =	vld [tilespmem:s10+$0x180]  }
0xfe: {  	v1 =	vld [tilespmem:s10+$0x190]  }
0xff: {  	v2 =	vld [tilespmem:s10+$0x1A0]  }
0x100: {  	v3 =	vld [tilespmem:s10+$0x1B0]  }
0x101: {  	v4 =	vld [tilespmem:s11+$0x180]  }
0x102: {  	v5 =	vld [tilespmem:s11+$0x190]  }
0x103: {  	v6 =	vld [tilespmem:s11+$0x1A0]  }
0x104: {  	v7 =	vld [tilespmem:s11+$0x1B0];
	v8, _, _ =	vpop (xrf2)  }
0x105: {  	[tilespmem:s7+$0x514D] =	vst.msk vm0, v8  }
0x106: {  	v8 =	vld [tilespmem:s10+$0x1C0]  }
0x107: {  	v63 =	vld [tilespmem:s10+$0x1D0]  }
0x108: {  	v0 =	vmul.bf16 v4, v0;
	v1 =	vmul.bf16 v5, v1;
	v4 =	vld [tilespmem:s10+$0x1E0]  }
0x109: {  	v2 =	vmul.bf16 v6, v2;
	v3 =	vmul.bf16 v7, v3;
	v5 =	vld [tilespmem:s10+$0x1F0]  }
0x10a: {  	v6 =	vld [tilespmem:s11+$0x1C0]  }
0x10b: {  	v0 =	vadd.bf16 v1, v0;
	v2 =	vadd.bf16 v3, v2;
	v1 =	vld [tilespmem:s11+$0x1D0]  }
0x10c: {  	v3 =	vld [tilespmem:s11+$0x1E0]  }
0x10d: {  	v0 =	vadd.bf16 v2, v0;
	v2 =	vld [tilespmem:s11+$0x1F0];
	_ =	sdelay $0x1  }
0x10e: {  	v7 =	vunpack.i.u.bf16.f32 v0;
	v0 =	vunpack.i.l.bf16.f32 v0  }
0x10f: {  	v0 =	vadd.f32 v0, v7  }
0x110: {  	v6 =	vmul.bf16 v6, v8;
	v1 =	vmul.bf16 v1, v63  }
0x111: {  	(xrf2) =	vadd.scan.msk.f32 $0xffff, v0;
	v0 =	vmul.bf16 v3, v4;
	v2 =	vmul.bf16 v2, v5;
	_ =	sdelay $0x1  }
0x112: {  	v1 =	vadd.bf16 v1, v6;
	v0 =	vadd.bf16 v2, v0;
	_ =	sdelay $0x1  }
0x113: {  	v0 =	vadd.bf16 v0, v1;
	_ =	sdelay $0x1  }
0x114: {  	v1 =	vunpack.i.u.bf16.f32 v0;
	v0 =	vunpack.i.l.bf16.f32 v0  }
0x115: {  	v0 =	vadd.f32 v0, v1;
	_ =	sdelay $0x1  }
0x116: {  	(xrf2) =	vadd.scan.msk.f32 $0xffff, v0;
	_ =	sdelay $0x1  }
0x117: {  	s29 =	smin.u32 s9, $0x3F;
	v0, _, _ =	vpop (xrf2)  }
0x118: {  	s29 =	sshll.u32 s29, $0x6;
	[tilespmem:s7+$0x514E] =	vst.msk vm0, v0  }
0x119: {  	v0 =	vld [tilespmem:s29+$0x540]  }
0x11a: {  	v3 =	vld [tilespmem:s29+$0x550]  }
0x11b: {  	p1 =	sne.s32 s14, $0x100;
	v2 =	vld [tilespmem:s29+$0x560]  }
.Ltmp0:
0x11c: {  	v1 =	vld [tilespmem:s29+$0x570];
	(pc) =	sbr.rel @p1 .LBB2_3-.Ltmp0, $4  }
0x11d: {  	v4 =	vld [tilespmem:s29+$0x1940]  }
0x11e: {  	v6 =	vld [tilespmem:s29+$0x1950]  }
0x11f: {  	s9 =	sadd.s32 $0x10, s9;
	v5 =	vld [tilespmem:s29+$0x1960];
	v8, _, _ =	vpop (xrf2)  }
0x120: {  	s14 =	sadd.s32 $0x40, s14;
	s10 =	sadd.s32 $0x400, s10;
	s11 =	sadd.s32 $0x400, s11;
	v7 =	vld [tilespmem:s29+$0x1970];
	[tilespmem:s7+$0x514F] =	vst.msk vm0, v8  }
0x121: {  	s9 =	smul.u32 $0xA0, s1;
	_ =	sdelay $0x1  }
0x122: {  	s7 =	sadd.s32 s3, s9  }
0x123: {  	s7 =	sshrl.u32 s7, $0x3  }
0x124: {  	s7 =	sadd.s32 s6, s7  }
0x125: {  	[hbm4b:s7+s2] =	stream.linear.scatter [tilespmem:s25], [sflag:$0x5], $0x50, $0x38;
	[tilespmem:$0x5200] =	vst v63  }
0x126: {  	_ =	swait.ge [sflag:s26], $0x1400  }
0x127: {  	[sflag:s26] =	ssyncset.done $0x0  }
0x128: {  	[sflag:s26] =	ssyncadd.s32 $0xFFFFEC00  }
0x129: {  	_ =	swait.ge [sflag:s26], $0x1400  }
0x12a: {  	[sflag:s26] =	ssyncset.done $0x0  }
0x12b: {  	[sflag:s26] =	ssyncadd.s32 $0xFFFFEC00  }
0x12c: {  	_ =	swait.ge [sflag:s16], $0x50  }
0x12d: {  	[sflag:s16] =	ssyncset.done $0x0  }
0x12e: {  	s0 =	smin.u32 s0, $0xF6;
	[sflag:s16] =	ssyncadd.s32 $0xFFFFFFB0  }
0x12f: {  	s0 =	smul.u32 $0x50, s0;
	_ =	swait.ge [sflag:s16], $0x50  }
0x130: {  	[sflag:s16] =	ssyncset.done $0x0  }
0x131: {  	s0 =	sadd.s32 s0, s13;
	[sflag:s16] =	ssyncadd.s32 $0xFFFFFFB0  }
0x132: {  	[tilespmem:s17], [sflag:$0x1] =	stream.indirect.gather [hbm4b:s4+s15], $0x40, s2, s15, $0xb8;
	[tilespmem:$0x5200] =	vst v63  }
0x133: {  	s0 =	sshrl.u32 s0, $0x3  }
0x134: {  	[tilespmem:s18], [sflag:$0x1] =	stream.indirect.gather [hbm4b:s4+s15], $0x40, s15, s15, $0xb8;
	[tilespmem:$0x5200] =	vst v63  }
0x135: {  	s0 =	sadd.s32 s5, s0  }
0x136: {  	[tilespmem:s19], [sflag:$0x4] =	stream.linear.gather [hbm4b:s0+s2], $0x50, $0x38;
	[tilespmem:$0x5200] =	vst v63  }
0x137: {  	s0 =	sadd.s32 $0x13880, s0  }
0x138: {  	[tilespmem:s20], [sflag:$0x4] =	stream.linear.gather [hbm4b:s0+s2], $0x50, $0x38;
	[tilespmem:$0x5200] =	vst v63  }
0x139: {  	s0 =	simm.s32 @!p0 $0x6  }
0x13a: {  	_ =	swait.ge @!p0 [sflag:s0], $0x50  }
0x13b: {  	[sflag:s0] =	ssyncset.done @!p0 $0x0  }
0x13c: {  	[sflag:s0] =	ssyncadd.s32 @!p0 $0xFFFFFFB0  }
0x13d: {  	v0 =	vld [tilespmem:$0x2940]  }
0x13e: {  	v3 =	vld [tilespmem:$0x2950]  }
0x13f: {  	v2 =	vld [tilespmem:$0x2960]  }
0x140: {  	v1 =	vld [tilespmem:$0x2970]  }
0x141: {  	v4 =	vld [tilespmem:$0x3D40]  }
0x142: {  	v6 =	vld [tilespmem:$0x3D50]  }
0x143: {  	s10 =	simm.s32 $0x2B40;
	v5 =	vld [tilespmem:$0x3D60]  }
0x144: {  	s11 =	simm.s32 $0x3F40;
	s14 =	simm.s32 $0x0;
	s0 =	simm.s32 $0x0;
	v7 =	vld [tilespmem:$0x3D70]  }
.LBB2_5:
0x145: {  	_ = 	snop  }
0x146: {  	v8 =	vld [tilespmem:s10+$0xFFFFFE40]  }
0x147: {  	v9 =	vld [tilespmem:s10+$0xFFFFFE50]  }
0x148: {  	v0 =	vmul.bf16 v4, v0;
	v3 =	vmul.bf16 v6, v3;
	v4 =	vld [tilespmem:s10+$0xFFFFFE60]  }
0x149: {  	v2 =	vmul.bf16 v5, v2;
	v5 =	vld [tilespmem:s10+$0xFFFFFE70];
	v1 =	vmul.bf16 v7, v1  }
0x14a: {  	v6 =	vld [tilespmem:s11+$0xFFFFFE40]  }
0x14b: {  	v0 =	vadd.bf16 v3, v0;
	v3 =	vld [tilespmem:s11+$0xFFFFFE50];
	v1 =	vadd.bf16 v1, v2  }
0x14c: {  	v2 =	vld [tilespmem:s11+$0xFFFFFE60]  }
0x14d: {  	v0 =	vadd.bf16 v1, v0;
	v1 =	vld [tilespmem:s11+$0xFFFFFE70];
	_ =	sdelay $0x1  }
0x14e: {  	v7 =	vunpack.i.u.bf16.f32 v0;
	v0 =	vunpack.i.l.bf16.f32 v0  }
0x14f: {  	v0 =	vadd.f32 v0, v7  }
0x150: {  	v6 =	vmul.bf16 v6, v8;
	v3 =	vmul.bf16 v3, v9  }
0x151: {  	(xrf2) =	vadd.scan.msk.f32 $0xffff, v0;
	v0 =	vmul.bf16 v2, v4;
	v1 =	vmul.bf16 v1, v5;
	_ =	sdelay $0x1  }
0x152: {  	v2 =	vadd.bf16 v3, v6;
	v0 =	vadd.bf16 v1, v0;
	_ =	sdelay $0x1  }
0x153: {  	v0 =	vadd.bf16 v0, v2;
	_ =	sdelay $0x1  }
0x154: {  	v1 =	vunpack.i.u.bf16.f32 v0;
	v0 =	vunpack.i.l.bf16.f32 v0  }
0x155: {  	v0 =	vadd.f32 v0, v1;
	_ =	sdelay $0x2  }
0x156: {  	(xrf2) =	vadd.scan.msk.f32 $0xffff, v0  }
0x157: {  	s7 =	sshra.s32 s14, $0x2;
	v0, _, _ =	vpop (xrf2)  }
0x158: {  	[tilespmem:s7+$0x51A0] =	vst.msk vm0, v0  }
0x159: {  	v0 =	vld [tilespmem:s10+$0xFFFFFE80]  }
0x15a: {  	v1 =	vld [tilespmem:s10+$0xFFFFFE90]  }
0x15b: {  	v2 =	vld [tilespmem:s10+$0xFFFFFEA0]  }
0x15c: {  	v3 =	vld [tilespmem:s10+$0xFFFFFEB0]  }
0x15d: {  	v4 =	vld [tilespmem:s11+$0xFFFFFE80]  }
0x15e: {  	v5 =	vld [tilespmem:s11+$0xFFFFFE90]  }
0x15f: {  	v6 =	vld [tilespmem:s11+$0xFFFFFEA0]  }
0x160: {  	v7 =	vld [tilespmem:s11+$0xFFFFFEB0];
	v8, _, _ =	vpop (xrf2)  }
0x161: {  	[tilespmem:s7+$0x51A1] =	vst.msk vm0, v8  }
0x162: {  	v8 =	vld [tilespmem:s10+$0xFFFFFEC0]  }
0x163: {  	v57 =	vld [tilespmem:s10+$0xFFFFFED0]  }
0x164: {  	v0 =	vmul.bf16 v4, v0;
	v1 =	vmul.bf16 v5, v1;
	v4 =	vld [tilespmem:s10+$0xFFFFFEE0]  }
0x165: {  	v2 =	vmul.bf16 v6, v2;
	v3 =	vmul.bf16 v7, v3;
	v5 =	vld [tilespmem:s10+$0xFFFFFEF0]  }
0x166: {  	v6 =	vld [tilespmem:s11+$0xFFFFFEC0]  }
0x167: {  	v0 =	vadd.bf16 v1, v0;
	v2 =	vadd.bf16 v3, v2;
	v1 =	vld [tilespmem:s11+$0xFFFFFED0]  }
0x168: {  	v3 =	vld [tilespmem:s11+$0xFFFFFEE0]  }
0x169: {  	v0 =	vadd.bf16 v2, v0;
	v2 =	vld [tilespmem:s11+$0xFFFFFEF0];
	_ =	sdelay $0x1  }
0x16a: {  	v7 =	vunpack.i.u.bf16.f32 v0;
	v0 =	vunpack.i.l.bf16.f32 v0  }
0x16b: {  	v0 =	vadd.f32 v0, v7  }
0x16c: {  	v6 =	vmul.bf16 v6, v8;
	v1 =	vmul.bf16 v1, v57  }
0x16d: {  	(xrf2) =	vadd.scan.msk.f32 $0xffff, v0;
	v0 =	vmul.bf16 v3, v4;
	v2 =	vmul.bf16 v2, v5;
	_ =	sdelay $0x1  }
0x16e: {  	v1 =	vadd.bf16 v1, v6;
	v0 =	vadd.bf16 v2, v0;
	_ =	sdelay $0x1  }
0x16f: {  	v0 =	vadd.bf16 v0, v1;
	_ =	sdelay $0x1  }
0x170: {  	v1 =	vunpack.i.u.bf16.f32 v0;
	v0 =	vunpack.i.l.bf16.f32 v0  }
0x171: {  	v0 =	vadd.f32 v0, v1;
	_ =	sdelay $0x2  }
0x172: {  	(xrf2) =	vadd.scan.msk.f32 $0xffff, v0  }
0x173: {  	v0, _, _ =	vpop (xrf2)  }
0x174: {  	[tilespmem:s7+$0x51A2] =	vst.msk vm0, v0  }
0x175: {  	v0 =	vld [tilespmem:s10+$0xFFFFFF00]  }
0x176: {  	v1 =	vld [tilespmem:s10+$0xFFFFFF10]  }
0x177: {  	v2 =	vld [tilespmem:s10+$0xFFFFFF20]  }
0x178: {  	v3 =	vld [tilespmem:s10+$0xFFFFFF30]  }
0x179: {  	v4 =	vld [tilespmem:s11+$0xFFFFFF00]  }
0x17a: {  	v5 =	vld [tilespmem:s11+$0xFFFFFF10]  }
0x17b: {  	v6 =	vld [tilespmem:s11+$0xFFFFFF20]  }
0x17c: {  	v7 =	vld [tilespmem:s11+$0xFFFFFF30];
	v8, _, _ =	vpop (xrf2)  }
0x17d: {  	[tilespmem:s7+$0x51A3] =	vst.msk vm0, v8  }
0x17e: {  	v8 =	vld [tilespmem:s10+$0xFFFFFF40]  }
0x17f: {  	v58 =	vld [tilespmem:s10+$0xFFFFFF50]  }
0x180: {  	v0 =	vmul.bf16 v4, v0;
	v1 =	vmul.bf16 v5, v1;
	v4 =	vld [tilespmem:s10+$0xFFFFFF60]  }
0x181: {  	v2 =	vmul.bf16 v6, v2;
	v3 =	vmul.bf16 v7, v3;
	v5 =	vld [tilespmem:s10+$0xFFFFFF70]  }
0x182: {  	v6 =	vld [tilespmem:s11+$0xFFFFFF40]  }
0x183: {  	v0 =	vadd.bf16 v1, v0;
	v2 =	vadd.bf16 v3, v2;
	v1 =	vld [tilespmem:s11+$0xFFFFFF50]  }
0x184: {  	v3 =	vld [tilespmem:s11+$0xFFFFFF60]  }
0x185: {  	v0 =	vadd.bf16 v2, v0;
	v2 =	vld [tilespmem:s11+$0xFFFFFF70];
	_ =	sdelay $0x1  }
0x186: {  	v7 =	vunpack.i.u.bf16.f32 v0;
	v0 =	vunpack.i.l.bf16.f32 v0  }
0x187: {  	v0 =	vadd.f32 v0, v7  }
0x188: {  	v6 =	vmul.bf16 v6, v8;
	v1 =	vmul.bf16 v1, v58  }
0x189: {  	(xrf2) =	vadd.scan.msk.f32 $0xffff, v0;
	v0 =	vmul.bf16 v3, v4;
	v2 =	vmul.bf16 v2, v5;
	_ =	sdelay $0x1  }
0x18a: {  	v1 =	vadd.bf16 v1, v6;
	v0 =	vadd.bf16 v2, v0;
	_ =	sdelay $0x1  }
0x18b: {  	v0 =	vadd.bf16 v0, v1;
	_ =	sdelay $0x1  }
0x18c: {  	v1 =	vunpack.i.u.bf16.f32 v0;
	v0 =	vunpack.i.l.bf16.f32 v0  }
0x18d: {  	v0 =	vadd.f32 v0, v1;
	_ =	sdelay $0x2  }
0x18e: {  	(xrf2) =	vadd.scan.msk.f32 $0xffff, v0  }
0x18f: {  	v0, _, _ =	vpop (xrf2)  }
0x190: {  	[tilespmem:s7+$0x51A4] =	vst.msk vm0, v0  }
0x191: {  	v0 =	vld [tilespmem:s10+$0xFFFFFF80]  }
0x192: {  	v1 =	vld [tilespmem:s10+$0xFFFFFF90]  }
0x193: {  	v2 =	vld [tilespmem:s10+$0xFFFFFFA0]  }
0x194: {  	v3 =	vld [tilespmem:s10+$0xFFFFFFB0]  }
0x195: {  	v4 =	vld [tilespmem:s11+$0xFFFFFF80]  }
0x196: {  	v5 =	vld [tilespmem:s11+$0xFFFFFF90]  }
0x197: {  	v6 =	vld [tilespmem:s11+$0xFFFFFFA0]  }
0x198: {  	v7 =	vld [tilespmem:s11+$0xFFFFFFB0];
	v8, _, _ =	vpop (xrf2)  }
0x199: {  	[tilespmem:s7+$0x51A5] =	vst.msk vm0, v8  }
0x19a: {  	v8 =	vld [tilespmem:s10+$0xFFFFFFC0]  }
0x19b: {  	v59 =	vld [tilespmem:s10+$0xFFFFFFD0]  }
0x19c: {  	v0 =	vmul.bf16 v4, v0;
	v1 =	vmul.bf16 v5, v1;
	v4 =	vld [tilespmem:s10+$0xFFFFFFE0]  }
0x19d: {  	v2 =	vmul.bf16 v6, v2;
	v3 =	vmul.bf16 v7, v3;
	v5 =	vld [tilespmem:s10+$0xFFFFFFF0]  }
0x19e: {  	v6 =	vld [tilespmem:s11+$0xFFFFFFC0]  }
0x19f: {  	v0 =	vadd.bf16 v1, v0;
	v2 =	vadd.bf16 v3, v2;
	v1 =	vld [tilespmem:s11+$0xFFFFFFD0]  }
0x1a0: {  	v3 =	vld [tilespmem:s11+$0xFFFFFFE0]  }
0x1a1: {  	v0 =	vadd.bf16 v2, v0;
	v2 =	vld [tilespmem:s11+$0xFFFFFFF0];
	_ =	sdelay $0x1  }
0x1a2: {  	v7 =	vunpack.i.u.bf16.f32 v0;
	v0 =	vunpack.i.l.bf16.f32 v0  }
0x1a3: {  	v0 =	vadd.f32 v0, v7  }
0x1a4: {  	v6 =	vmul.bf16 v6, v8;
	v1 =	vmul.bf16 v1, v59  }
0x1a5: {  	(xrf2) =	vadd.scan.msk.f32 $0xffff, v0;
	v0 =	vmul.bf16 v3, v4;
	v2 =	vmul.bf16 v2, v5;
	_ =	sdelay $0x1  }
0x1a6: {  	v1 =	vadd.bf16 v1, v6;
	v0 =	vadd.bf16 v2, v0;
	_ =	sdelay $0x1  }
0x1a7: {  	v0 =	vadd.bf16 v0, v1;
	_ =	sdelay $0x1  }
0x1a8: {  	v1 =	vunpack.i.u.bf16.f32 v0;
	v0 =	vunpack.i.l.bf16.f32 v0  }
0x1a9: {  	v0 =	vadd.f32 v0, v1;
	_ =	sdelay $0x2  }
0x1aa: {  	(xrf2) =	vadd.scan.msk.f32 $0xffff, v0  }
0x1ab: {  	v0, _, _ =	vpop (xrf2)  }
0x1ac: {  	[tilespmem:s7+$0x51A6] =	vst.msk vm0, v0  }
0x1ad: {  	v0 =	vld [tilespmem:s10+$0x0]  }
0x1ae: {  	v1 =	vld [tilespmem:s10+$0x10]  }
0x1af: {  	v2 =	vld [tilespmem:s10+$0x20]  }
0x1b0: {  	v3 =	vld [tilespmem:s10+$0x30]  }
0x1b1: {  	v4 =	vld [tilespmem:s11+$0x0]  }
0x1b2: {  	v5 =	vld [tilespmem:s11+$0x10]  }
0x1b3: {  	v6 =	vld [tilespmem:s11+$0x20]  }
0x1b4: {  	v7 =	vld [tilespmem:s11+$0x30];
	v8, _, _ =	vpop (xrf2)  }
0x1b5: {  	[tilespmem:s7+$0x51A7] =	vst.msk vm0, v8  }
0x1b6: {  	v8 =	vld [tilespmem:s10+$0x40]  }
0x1b7: {  	v60 =	vld [tilespmem:s10+$0x50]  }
0x1b8: {  	v0 =	vmul.bf16 v4, v0;
	v1 =	vmul.bf16 v5, v1;
	v4 =	vld [tilespmem:s10+$0x60]  }
0x1b9: {  	v2 =	vmul.bf16 v6, v2;
	v3 =	vmul.bf16 v7, v3;
	v5 =	vld [tilespmem:s10+$0x70]  }
0x1ba: {  	v6 =	vld [tilespmem:s11+$0x40]  }
0x1bb: {  	v0 =	vadd.bf16 v1, v0;
	v2 =	vadd.bf16 v3, v2;
	v1 =	vld [tilespmem:s11+$0x50]  }
0x1bc: {  	v3 =	vld [tilespmem:s11+$0x60]  }
0x1bd: {  	v0 =	vadd.bf16 v2, v0;
	v2 =	vld [tilespmem:s11+$0x70];
	_ =	sdelay $0x1  }
0x1be: {  	v7 =	vunpack.i.u.bf16.f32 v0;
	v0 =	vunpack.i.l.bf16.f32 v0  }
0x1bf: {  	v0 =	vadd.f32 v0, v7  }
0x1c0: {  	v6 =	vmul.bf16 v6, v8;
	v1 =	vmul.bf16 v1, v60  }
0x1c1: {  	(xrf2) =	vadd.scan.msk.f32 $0xffff, v0;
	v0 =	vmul.bf16 v3, v4;
	v2 =	vmul.bf16 v2, v5;
	_ =	sdelay $0x1  }
0x1c2: {  	v1 =	vadd.bf16 v1, v6;
	v0 =	vadd.bf16 v2, v0;
	_ =	sdelay $0x1  }
0x1c3: {  	v0 =	vadd.bf16 v0, v1;
	_ =	sdelay $0x1  }
0x1c4: {  	v1 =	vunpack.i.u.bf16.f32 v0;
	v0 =	vunpack.i.l.bf16.f32 v0  }
0x1c5: {  	v0 =	vadd.f32 v0, v1;
	_ =	sdelay $0x2  }
0x1c6: {  	(xrf2) =	vadd.scan.msk.f32 $0xffff, v0  }
0x1c7: {  	v0, _, _ =	vpop (xrf2)  }
0x1c8: {  	[tilespmem:s7+$0x51A8] =	vst.msk vm0, v0  }
0x1c9: {  	v0 =	vld [tilespmem:s10+$0x80]  }
0x1ca: {  	v1 =	vld [tilespmem:s10+$0x90]  }
0x1cb: {  	v2 =	vld [tilespmem:s10+$0xA0]  }
0x1cc: {  	v3 =	vld [tilespmem:s10+$0xB0]  }
0x1cd: {  	v4 =	vld [tilespmem:s11+$0x80]  }
0x1ce: {  	v5 =	vld [tilespmem:s11+$0x90]  }
0x1cf: {  	v6 =	vld [tilespmem:s11+$0xA0]  }
0x1d0: {  	v7 =	vld [tilespmem:s11+$0xB0];
	v8, _, _ =	vpop (xrf2)  }
0x1d1: {  	[tilespmem:s7+$0x51A9] =	vst.msk vm0, v8  }
0x1d2: {  	v8 =	vld [tilespmem:s10+$0xC0]  }
0x1d3: {  	v61 =	vld [tilespmem:s10+$0xD0]  }
0x1d4: {  	v0 =	vmul.bf16 v4, v0;
	v1 =	vmul.bf16 v5, v1;
	v4 =	vld [tilespmem:s10+$0xE0]  }
0x1d5: {  	v2 =	vmul.bf16 v6, v2;
	v3 =	vmul.bf16 v7, v3;
	v5 =	vld [tilespmem:s10+$0xF0]  }
0x1d6: {  	v6 =	vld [tilespmem:s11+$0xC0]  }
0x1d7: {  	v0 =	vadd.bf16 v1, v0;
	v2 =	vadd.bf16 v3, v2;
	v1 =	vld [tilespmem:s11+$0xD0]  }
0x1d8: {  	v3 =	vld [tilespmem:s11+$0xE0]  }
0x1d9: {  	v0 =	vadd.bf16 v2, v0;
	v2 =	vld [tilespmem:s11+$0xF0];
	_ =	sdelay $0x1  }
0x1da: {  	v7 =	vunpack.i.u.bf16.f32 v0;
	v0 =	vunpack.i.l.bf16.f32 v0  }
0x1db: {  	v0 =	vadd.f32 v0, v7  }
0x1dc: {  	v6 =	vmul.bf16 v6, v8;
	v1 =	vmul.bf16 v1, v61  }
0x1dd: {  	(xrf2) =	vadd.scan.msk.f32 $0xffff, v0;
	v0 =	vmul.bf16 v3, v4;
	v2 =	vmul.bf16 v2, v5;
	_ =	sdelay $0x1  }
0x1de: {  	v1 =	vadd.bf16 v1, v6;
	v0 =	vadd.bf16 v2, v0;
	_ =	sdelay $0x1  }
0x1df: {  	v0 =	vadd.bf16 v0, v1;
	_ =	sdelay $0x1  }
0x1e0: {  	v1 =	vunpack.i.u.bf16.f32 v0;
	v0 =	vunpack.i.l.bf16.f32 v0  }
0x1e1: {  	v0 =	vadd.f32 v0, v1;
	_ =	sdelay $0x2  }
0x1e2: {  	(xrf2) =	vadd.scan.msk.f32 $0xffff, v0  }
0x1e3: {  	v0, _, _ =	vpop (xrf2)  }
0x1e4: {  	[tilespmem:s7+$0x51AA] =	vst.msk vm0, v0  }
0x1e5: {  	v0 =	vld [tilespmem:s10+$0x100]  }
0x1e6: {  	v1 =	vld [tilespmem:s10+$0x110]  }
0x1e7: {  	v2 =	vld [tilespmem:s10+$0x120]  }
0x1e8: {  	v3 =	vld [tilespmem:s10+$0x130]  }
0x1e9: {  	v4 =	vld [tilespmem:s11+$0x100]  }
0x1ea: {  	v5 =	vld [tilespmem:s11+$0x110]  }
0x1eb: {  	v6 =	vld [tilespmem:s11+$0x120]  }
0x1ec: {  	v7 =	vld [tilespmem:s11+$0x130];
	v8, _, _ =	vpop (xrf2)  }
0x1ed: {  	[tilespmem:s7+$0x51AB] =	vst.msk vm0, v8  }
0x1ee: {  	v8 =	vld [tilespmem:s10+$0x140]  }
0x1ef: {  	v62 =	vld [tilespmem:s10+$0x150]  }
0x1f0: {  	v0 =	vmul.bf16 v4, v0;
	v1 =	vmul.bf16 v5, v1;
	v4 =	vld [tilespmem:s10+$0x160]  }
0x1f1: {  	v2 =	vmul.bf16 v6, v2;
	v3 =	vmul.bf16 v7, v3;
	v5 =	vld [tilespmem:s10+$0x170]  }
0x1f2: {  	v6 =	vld [tilespmem:s11+$0x140]  }
0x1f3: {  	v0 =	vadd.bf16 v1, v0;
	v2 =	vadd.bf16 v3, v2;
	v1 =	vld [tilespmem:s11+$0x150]  }
0x1f4: {  	v3 =	vld [tilespmem:s11+$0x160]  }
0x1f5: {  	v0 =	vadd.bf16 v2, v0;
	v2 =	vld [tilespmem:s11+$0x170];
	_ =	sdelay $0x1  }
0x1f6: {  	v7 =	vunpack.i.u.bf16.f32 v0;
	v0 =	vunpack.i.l.bf16.f32 v0  }
0x1f7: {  	v0 =	vadd.f32 v0, v7  }
0x1f8: {  	v6 =	vmul.bf16 v6, v8;
	v1 =	vmul.bf16 v1, v62  }
0x1f9: {  	(xrf2) =	vadd.scan.msk.f32 $0xffff, v0;
	v0 =	vmul.bf16 v3, v4;
	v2 =	vmul.bf16 v2, v5;
	_ =	sdelay $0x1  }
0x1fa: {  	v1 =	vadd.bf16 v1, v6;
	v0 =	vadd.bf16 v2, v0;
	_ =	sdelay $0x1  }
0x1fb: {  	v0 =	vadd.bf16 v0, v1;
	_ =	sdelay $0x1  }
0x1fc: {  	v1 =	vunpack.i.u.bf16.f32 v0;
	v0 =	vunpack.i.l.bf16.f32 v0  }
0x1fd: {  	v0 =	vadd.f32 v0, v1;
	_ =	sdelay $0x2  }
0x1fe: {  	(xrf2) =	vadd.scan.msk.f32 $0xffff, v0  }
0x1ff: {  	v0, _, _ =	vpop (xrf2)  }
0x200: {  	[tilespmem:s7+$0x51AC] =	vst.msk vm0, v0  }
0x201: {  	v0 =	vld [tilespmem:s10+$0x180]  }
0x202: {  	v1 =	vld [tilespmem:s10+$0x190]  }
0x203: {  	v2 =	vld [tilespmem:s10+$0x1A0]  }
0x204: {  	v3 =	vld [tilespmem:s10+$0x1B0]  }
0x205: {  	v4 =	vld [tilespmem:s11+$0x180]  }
0x206: {  	v5 =	vld [tilespmem:s11+$0x190]  }
0x207: {  	v6 =	vld [tilespmem:s11+$0x1A0]  }
0x208: {  	v7 =	vld [tilespmem:s11+$0x1B0];
	v8, _, _ =	vpop (xrf2)  }
0x209: {  	[tilespmem:s7+$0x51AD] =	vst.msk vm0, v8  }
0x20a: {  	v8 =	vld [tilespmem:s10+$0x1C0]  }
0x20b: {  	v63 =	vld [tilespmem:s10+$0x1D0]  }
0x20c: {  	v0 =	vmul.bf16 v4, v0;
	v1 =	vmul.bf16 v5, v1;
	v4 =	vld [tilespmem:s10+$0x1E0]  }
0x20d: {  	v2 =	vmul.bf16 v6, v2;
	v3 =	vmul.bf16 v7, v3;
	v5 =	vld [tilespmem:s10+$0x1F0]  }
0x20e: {  	v6 =	vld [tilespmem:s11+$0x1C0]  }
0x20f: {  	v0 =	vadd.bf16 v1, v0;
	v2 =	vadd.bf16 v3, v2;
	v1 =	vld [tilespmem:s11+$0x1D0]  }
0x210: {  	v3 =	vld [tilespmem:s11+$0x1E0]  }
0x211: {  	v0 =	vadd.bf16 v2, v0;
	v2 =	vld [tilespmem:s11+$0x1F0];
	_ =	sdelay $0x1  }
0x212: {  	v7 =	vunpack.i.u.bf16.f32 v0;
	v0 =	vunpack.i.l.bf16.f32 v0  }
0x213: {  	v0 =	vadd.f32 v0, v7  }
0x214: {  	v6 =	vmul.bf16 v6, v8;
	v1 =	vmul.bf16 v1, v63  }
0x215: {  	(xrf2) =	vadd.scan.msk.f32 $0xffff, v0;
	v0 =	vmul.bf16 v3, v4;
	v2 =	vmul.bf16 v2, v5;
	_ =	sdelay $0x1  }
0x216: {  	v1 =	vadd.bf16 v1, v6;
	v0 =	vadd.bf16 v2, v0;
	_ =	sdelay $0x1  }
0x217: {  	v0 =	vadd.bf16 v0, v1;
	_ =	sdelay $0x1  }
0x218: {  	v1 =	vunpack.i.u.bf16.f32 v0;
	v0 =	vunpack.i.l.bf16.f32 v0  }
0x219: {  	v0 =	vadd.f32 v0, v1;
	_ =	sdelay $0x1  }
0x21a: {  	(xrf2) =	vadd.scan.msk.f32 $0xffff, v0;
	_ =	sdelay $0x1  }
0x21b: {  	s29 =	smin.u32 s0, $0x3F;
	v0, _, _ =	vpop (xrf2)  }
0x21c: {  	s29 =	sshll.u32 s29, $0x6;
	[tilespmem:s7+$0x51AE] =	vst.msk vm0, v0  }
0x21d: {  	v0 =	vld [tilespmem:s29+$0x2D40]  }
0x21e: {  	v3 =	vld [tilespmem:s29+$0x2D50]  }
0x21f: {  	p0 =	sne.s32 s14, $0x100;
	v2 =	vld [tilespmem:s29+$0x2D60]  }
.Ltmp1:
0x220: {  	v1 =	vld [tilespmem:s29+$0x2D70];
	(pc) =	sbr.rel @p0 .LBB2_5-.Ltmp1, $4  }
0x221: {  	v4 =	vld [tilespmem:s29+$0x4140]  }
0x222: {  	v6 =	vld [tilespmem:s29+$0x4150]  }
0x223: {  	s0 =	sadd.s32 $0x10, s0;
	v5 =	vld [tilespmem:s29+$0x4160];
	v8, _, _ =	vpop (xrf2)  }
0x224: {  	s14 =	sadd.s32 $0x40, s14;
	s10 =	sadd.s32 $0x400, s10;
	s11 =	sadd.s32 $0x400, s11;
	v7 =	vld [tilespmem:s29+$0x4170];
	[tilespmem:s7+$0x51AF] =	vst.msk vm0, v8  }
0x225: {  	s1 =	sadd.s32 $0x1, s1  }
0x226: {  	p0 =	sne.s32 s1, $0x7D  }
.Ltmp2:
0x227: {  	_ = 	snop;
	(pc) =	sbr.rel @p0 .LBB2_2-.Ltmp2, $4  }
0x228: {  	s0 =	sadd.s32 s9, s8  }
0x229: {  	s0 =	sshrl.u32 s0, $0x3  }
0x22a: {  	s0 =	sadd.s32 s6, s0  }
0x22b: {  	[hbm4b:s0+s2] =	stream.linear.scatter [tilespmem:s28], [sflag:$0x6], $0x50, $0x38;
	[tilespmem:$0x5200] =	vst v63  }
0x22c: {  	_ =	swait.ge [sflag:s21], $0x1400  }
0x22d: {  	[sflag:s21] =	ssyncset.done $0x0  }
0x22e: {  	[sflag:s21] =	ssyncadd.s32 $0xFFFFEC00  }
0x22f: {  	_ =	swait.ge [sflag:s21], $0x1400  }
0x230: {  	[sflag:s21] =	ssyncset.done $0x0  }
0x231: {  	[sflag:s21] =	ssyncadd.s32 $0xFFFFEC00  }
0x232: {  	_ =	swait.ge [sflag:s22], $0x50  }
0x233: {  	[sflag:s22] =	ssyncset.done $0x0  }
0x234: {  	[sflag:s22] =	ssyncadd.s32 $0xFFFFFFB0  }
0x235: {  	_ =	swait.ge [sflag:s22], $0x50  }
0x236: {  	[sflag:s22] =	ssyncset.done $0x0  }
0x237: {  	s0 =	simm.s32 $0x5;
	[sflag:s22] =	ssyncadd.s32 $0xFFFFFFB0  }
0x238: {  	_ =	swait.ge [sflag:s0], $0x50  }
0x239: {  	[sflag:s0] =	ssyncset.done $0x0  }
0x23a: {  	[sflag:s0] =	ssyncadd.s32 $0xFFFFFFB0  }
0x23b: {  	_ =	swait.ge [sflag:s30], $0x50  }
0x23c: {  	s31 =	sadd.s32 $0x1, s31;
	s29 =	rddreg [dreg:$0x6]  }
0x23d: {  	p0 =	sne.s32 s31, s29  }
.Ltmp3:
0x23e: {  	_ = 	snop;
	(pc) =	sbr.rel @p0 .LBB2_1-.Ltmp3, $3  }
0x23f: {  	_ =	sdelay $0x1  }
0x240: {  	[sflag:s30] =	ssyncset.done $0x0  }
0x241: {  	[sflag:s30] =	ssyncadd.s32 $0xFFFFFFB0  }
0x242: {  	_ =	sfence.sel $0x180000  }
0x243: {  	[bflag:$0x0] =	sbarrier.arrive $0xFFFF  }
0x244: {  	_ =	strace $0x90000047  }
0x245: {  	s0 =	stileid.u32;
	[bflag:$0x2] =	sbarrier.arrive $0xFFFF  }
0x246: {  	p0 =	sne.s32 s0, $0x0;
	s0 =	rddreg [dreg:$0x1]  }
0x247: {  	s0 =	sadd.s32 @!p0 $0x100000, s0  }
0x248: {  	[sflag:s0] =	ssyncadd.tile.s32 @!p0 $0x1;
	_ =	shalt  }
.Lfunc_end2:
_tile_overlayer_lowered:
.L_overlay_start_2:
0x249: {  	(tag) =	ssettag $0x2  }
0x24a: {  	s0 =	rddreg [dreg:$0x0];
	s2 =	stileid.u32  }
0x24b: {  	s1 =	rddreg [dreg:$0x1];
	p0 =	sne.s32 s2, $0x0  }
0x24c: {  	s3 =	rddreg [dreg:$0x2];
	[bflag:$0x3] =	sbarrier.arrive $0xFFFF;
	s2 =	simm.s32 @!p0 $0x1C07  }
0x24d: {  	[timem:s3], [sflag:s2] =	dma.local @!p0 [hbm:s0], s1  }
0x24e: {  	s0 =	simm.s32 @!p0 $0x7  }
0x24f: {  	_ =	swait.ge @!p0 [sflag:s0], s1  }
0x250: {  	s1 =	ssub.s32 @!p0 $0x0, s1;
	[sflag:s0] =	ssyncset.done @!p0 $0x0  }
0x251: {  	[sflag:s0] =	ssyncadd.s32 @!p0 s1  }
0x252: {  	[bflag:$0x3] =	sbarrier.arrive $0xFFFF  }
0x253: {  	_ =	shalt  }

</sc_bundles>
